<compile_context>
chip_gen: v7x
topology: tpu7x:2x2x1
jax: 0.10.2.dev20260603
libtpu: 0.0.44.dev20260713+nightly
codegen_flags: <defaults>
</compile_context>

<pallas_src>
import jax
import jax.numpy as jnp
from jax import lax
from jax.experimental import pallas as pl
from jax.experimental.pallas import tpu as pltpu
from jax.experimental.pallas import tpu_sc as plsc

_EPS = 1e-5

_N = 10000
_E = 320000
_D = 128
_NG = 64

_NC = 2
_NS = 16
_NW = _NC * _NS
_C = 128
_KCH = 80
_EP = _NW * _KCH * _C

_EB = 2048
_NBLK = 2000
_NP = 10240
_RPT = _NP // _NS


def _mesh():
    return plsc.VectorSubcoreMesh(core_axis_name="c", subcore_axis_name="s",
                                  num_cores=_NC, num_subcores=_NS)



def _sc_gather(table, dst):
    def body(table_hbm, dst_hbm, out_hbm, idx_a, idx_b, rows_a, rows_b,
             tab_sh, sia, sib, sga, sgb, ssa, ssb):
        c = lax.axis_index("c")
        s = lax.axis_index("s")
        pltpu.sync_copy(table_hbm.at[pl.ds(s * _RPT, _RPT)],
                        tab_sh.at[pl.ds(s * _RPT, _RPT)])
        plsc.subcore_barrier()
        wid = s * _NC + c
        base = wid * (_KCH * _C)

        def step(i, carry):
            off_a = pl.multiple_of(base + (2 * i) * _C, _C)
            off_b = pl.multiple_of(base + (2 * i + 1) * _C, _C)
            ca = pltpu.async_copy(dst_hbm.at[pl.ds(off_a, _C)], idx_a, sia)
            cb = pltpu.async_copy(dst_hbm.at[pl.ds(off_b, _C)], idx_b, sib)
            ca.wait()
            ga = pltpu.async_copy(tab_sh.at[idx_a], rows_a, sga)
            cb.wait()
            gb = pltpu.async_copy(tab_sh.at[idx_b], rows_b, sgb)
            ga.wait()
            sa = pltpu.async_copy(rows_a, out_hbm.at[pl.ds(off_a, _C)], ssa)
            gb.wait()
            sb = pltpu.async_copy(rows_b, out_hbm.at[pl.ds(off_b, _C)], ssb)
            sa.wait()
            sb.wait()
            return carry

        lax.fori_loop(0, _KCH // 2, step, 0)

    f = pl.kernel(
        body,
        out_type=jax.ShapeDtypeStruct((_EP, _D), jnp.int32),
        mesh=_mesh(),
        scratch_types=[pltpu.VMEM((_C,), jnp.int32),
                       pltpu.VMEM((_C,), jnp.int32),
                       pltpu.VMEM((_C, _D), jnp.int32),
                       pltpu.VMEM((_C, _D), jnp.int32),
                       pltpu.VMEM_SHARED((_NP, _D), jnp.int32),
                       pltpu.SemaphoreType.DMA,
                       pltpu.SemaphoreType.DMA,
                       pltpu.SemaphoreType.DMA,
                       pltpu.SemaphoreType.DMA,
                       pltpu.SemaphoreType.DMA,
                       pltpu.SemaphoreType.DMA],
    )
    return f(table, dst)


def _sc_scatter(msg, dst, zeros_nd):
    def body(msg_hbm, dst_hbm, z_hbm, out_hbm, idx_a, idx_b, mbuf_a, mbuf_b,
             acc_sh, sia, sib, sma, smb):
        c = lax.axis_index("c")
        s = lax.axis_index("s")
        rows0 = s * _RPT
        pltpu.sync_copy(z_hbm.at[pl.ds(rows0, _RPT)],
                        acc_sh.at[pl.ds(rows0, _RPT)])
        plsc.subcore_barrier()
        wid = s * _NC + c
        base = wid * (_KCH * _C)

        def step(i, carry):
            off_a = pl.multiple_of(base + (2 * i) * _C, _C)
            off_b = pl.multiple_of(base + (2 * i + 1) * _C, _C)
            ia = pltpu.async_copy(dst_hbm.at[pl.ds(off_a, _C)], idx_a, sia)
            ma = pltpu.async_copy(msg_hbm.at[pl.ds(off_a, _C)], mbuf_a, sma)
            ib = pltpu.async_copy(dst_hbm.at[pl.ds(off_b, _C)], idx_b, sib)
            mb = pltpu.async_copy(msg_hbm.at[pl.ds(off_b, _C)], mbuf_b, smb)
            ia.wait()
            ma.wait()
            pltpu.sync_copy(mbuf_a, acc_sh.at[idx_a], add=True)
            ib.wait()
            mb.wait()
            pltpu.sync_copy(mbuf_b, acc_sh.at[idx_b], add=True)
            return carry

        lax.fori_loop(0, _KCH // 2, step, 0)
        plsc.subcore_barrier()
        pltpu.sync_copy(acc_sh.at[pl.ds(rows0, _RPT)],
                        out_hbm.at[pl.ds(c * _NP + rows0, _RPT)])

    f = pl.kernel(
        body,
        out_type=jax.ShapeDtypeStruct((2 * _NP, _D), jnp.float32),
        mesh=_mesh(),
        scratch_types=[pltpu.VMEM((_C,), jnp.int32),
                       pltpu.VMEM((_C,), jnp.int32),
                       pltpu.VMEM((_C, _D), jnp.float32),
                       pltpu.VMEM((_C, _D), jnp.float32),
                       pltpu.VMEM_SHARED((_NP, _D), jnp.float32),
                       pltpu.SemaphoreType.DMA,
                       pltpu.SemaphoreType.DMA,
                       pltpu.SemaphoreType.DMA,
                       pltpu.SemaphoreType.DMA],
    )
    return f(msg, dst, zeros_nd)



def _f32_to_f16_bits(x):
    x = jnp.clip(x, -60000.0, 60000.0)
    u = lax.bitcast_convert_type(x, jnp.uint32)
    sign = (u >> 16) & jnp.uint32(0x8000)
    mag = u & jnp.uint32(0x7FFFFFFF)
    r = mag + jnp.uint32(0x0FFF) + ((mag >> 13) & jnp.uint32(1))
    h = (r >> 13) - jnp.uint32(112 << 10)
    h = jnp.where(mag < jnp.uint32(0x38800000), jnp.uint32(0), h)
    return sign | h


def _f16_bits_to_f32(v):
    sign = (v & jnp.uint32(0x8000)) << 16
    mag = v & jnp.uint32(0x7FFF)
    bits = jnp.where(mag == jnp.uint32(0), jnp.uint32(0),
                     (mag << 13) + jnp.uint32(112 << 23))
    return lax.bitcast_convert_type(sign | bits, jnp.float32)


def _pack2_bf16(a, b):
    return lax.bitcast_convert_type(
        _f32_to_f16_bits(a) | (_f32_to_f16_bits(b) << 16), jnp.int32)


def _unpack2_bf16(p):
    u = lax.bitcast_convert_type(p, jnp.uint32)
    return _f16_bits_to_f32(u), _f16_bits_to_f32(u >> 16)


def _hx(h, Wa, ba, Wn, bn):
    def body(h_ref, wa_ref, ba_ref, wn_ref, bn_ref, out_ref):
        hblk = h_ref[...]
        a = (jnp.dot(hblk, wa_ref[...], preferred_element_type=jnp.float32)
             + ba_ref[...])
        b = (jnp.dot(hblk, wn_ref[...], preferred_element_type=jnp.float32)
             + bn_ref[...])
        out_ref[...] = _pack2_bf16(a, b)

    blk = _NP // 5
    return pl.pallas_call(
        body,
        grid=(5,),
        in_specs=[pl.BlockSpec((blk, _D), lambda i: (i, 0)),
                  pl.BlockSpec((_D, _D), lambda i: (0, 0)),
                  pl.BlockSpec((1, _D), lambda i: (0, 0)),
                  pl.BlockSpec((_D, _D), lambda i: (0, 0)),
                  pl.BlockSpec((1, _D), lambda i: (0, 0))],
        out_specs=pl.BlockSpec((blk, _D), lambda i: (i, 0)),
        out_shape=jax.ShapeDtypeStruct((_NP, _D), jnp.int32),
    )(h, Wa, ba, Wn, bn)


def _msg(rows, eattr, Wca, bca, Wcn, bcn):
    def body(r_ref, ea_ref, wa_ref, ba_ref, wn_ref, bn_ref, out_ref):
        i = pl.program_id(0)
        eb = ea_ref[...]
        row_a, row_n = _unpack2_bf16(r_ref[...])
        a = row_a + (jnp.dot(eb, wa_ref[...],
                             preferred_element_type=jnp.float32) + ba_ref[...])
        nn = row_n + (jnp.dot(eb, wn_ref[...],
                              preferred_element_type=jnp.float32) + bn_ref[...])
        s = 1.0 / (1.0 + lax.exp2(a * (-1.4426950408889634)))
        t = lax.exp2(jnp.abs(nn) * (-1.4426950408889634))
        sp = jnp.maximum(nn, 0.0) + jnp.log2(1.0 + t) * 0.6931471805599453
        m = s * sp
        ge = i * _EB + lax.broadcasted_iota(jnp.int32, (_EB, 1), 0)
        out_ref[...] = jnp.where(ge < _E, m, 0.0)

    de = eattr.shape[1]
    return pl.pallas_call(
        body,
        grid=(_EP // _EB,),
        in_specs=[pl.BlockSpec((_EB, _D), lambda i: (i, 0)),
                  pl.BlockSpec((_EB, de), lambda i: (i, 0)),
                  pl.BlockSpec((de, _D), lambda i: (0, 0)),
                  pl.BlockSpec((1, _D), lambda i: (0, 0)),
                  pl.BlockSpec((de, _D), lambda i: (0, 0)),
                  pl.BlockSpec((1, _D), lambda i: (0, 0))],
        out_specs=pl.BlockSpec((_EB, _D), lambda i: (i, 0)),
        out_shape=jax.ShapeDtypeStruct((_EP, _D), jnp.float32),
    )(rows, eattr, Wca, bca, Wcn, bcn)


def _stats(p0, p1):
    def body(p0_ref, p1_ref, agg_ref, st_ref):
        i = pl.program_id(0)
        s = p0_ref[...] + p1_ref[...]
        agg_ref[...] = s

        @pl.when(i == 0)
        def _():
            st_ref[...] = jnp.zeros_like(st_ref)

        st_ref[0:1, :] += jnp.sum(s, axis=0, keepdims=True)
        st_ref[1:2, :] += jnp.sum(s * s, axis=0, keepdims=True)

    return pl.pallas_call(
        body,
        grid=(_N // _NBLK,),
        in_specs=[pl.BlockSpec((_NBLK, _D), lambda i: (i, 0)),
                  pl.BlockSpec((_NBLK, _D), lambda i: (i, 0))],
        out_specs=[pl.BlockSpec((_NBLK, _D), lambda i: (i, 0)),
                   pl.BlockSpec((8, _D), lambda i: (0, 0))],
        out_shape=[jax.ShapeDtypeStruct((_N, _D), jnp.float32),
                   jax.ShapeDtypeStruct((8, _D), jnp.float32)],
    )(p0, p1)


def _apply(agg, st, gamma, beta, h):
    def body(a_ref, st_ref, g_ref, b_ref, h_ref, out_ref):
        mu = st_ref[0:1, :] / _N
        var = st_ref[1:2, :] / _N - mu * mu
        out_ref[...] = (g_ref[...] * (a_ref[...] - mu)
                        / jnp.sqrt(var + _EPS) + b_ref[...] + h_ref[...])

    return pl.pallas_call(
        body,
        grid=(_N // _NBLK,),
        in_specs=[pl.BlockSpec((_NBLK, _D), lambda i: (i, 0)),
                  pl.BlockSpec((8, _D), lambda i: (0, 0)),
                  pl.BlockSpec((1, _D), lambda i: (0, 0)),
                  pl.BlockSpec((1, _D), lambda i: (0, 0)),
                  pl.BlockSpec((_NBLK, _D), lambda i: (i, 0))],
        out_specs=pl.BlockSpec((_NBLK, _D), lambda i: (i, 0)),
        out_shape=jax.ShapeDtypeStruct((_N, _D), jnp.float32),
    )(agg, st, gamma, beta, h)


def _pool(h, bcol):
    def body(h_ref, b_ref, out_ref, acc_ref):
        i = pl.program_id(0)

        @pl.when(i == 0)
        def _():
            acc_ref[...] = jnp.full_like(acc_ref, -jnp.inf)

        hblk = h_ref[...]
        b = b_ref[...]
        lo = b_ref[0, 0]
        hi = b_ref[_NBLK - 1, 0]

        def gstep(g, carry):
            mask = b == g
            bm = jnp.max(jnp.where(mask, hblk, -jnp.inf), axis=0,
                         keepdims=True)
            acc_ref[pl.ds(g, 1), :] = jnp.maximum(acc_ref[pl.ds(g, 1), :], bm)
            return carry

        lax.fori_loop(lo, hi + 1, gstep, 0)
        out_ref[...] = acc_ref[...]

    return pl.pallas_call(
        body,
        grid=(_N // _NBLK,),
        in_specs=[pl.BlockSpec((_NBLK, _D), lambda i: (i, 0)),
                  pl.BlockSpec((_NBLK, 1), lambda i: (i, 0))],
        out_specs=pl.BlockSpec((_NG, _D), lambda i: (0, 0)),
        out_shape=jax.ShapeDtypeStruct((_NG, _D), jnp.float32),
        scratch_shapes=[pltpu.VMEM((_NG, _D), jnp.float32)],
    )(h, bcol)


def _head(pooled, W1, b1, g2, beta2, W2p, b2p):
    def body(p_ref, w1_ref, b1_ref, g_ref, be_ref, w2_ref, b2_ref, out_ref):
        d = (jnp.dot(p_ref[...], w1_ref[...],
                     preferred_element_type=jnp.float32) + b1_ref[...])
        d = jnp.maximum(d, 0.0)
        mu = jnp.mean(d, axis=0, keepdims=True)
        var = jnp.mean(d * d, axis=0, keepdims=True) - mu * mu
        dn = g_ref[...] * (d - mu) / jnp.sqrt(var + _EPS) + be_ref[...]
        o = (jnp.dot(dn, w2_ref[...],
                     preferred_element_type=jnp.float32) + b2_ref[...])
        out_ref[...] = jax.nn.sigmoid(o)

    dd = W1.shape[1]
    return pl.pallas_call(
        body,
        in_specs=[pl.BlockSpec((_NG, _D), lambda: (0, 0)),
                  pl.BlockSpec((_D, dd), lambda: (0, 0)),
                  pl.BlockSpec((1, dd), lambda: (0, 0)),
                  pl.BlockSpec((1, dd), lambda: (0, 0)),
                  pl.BlockSpec((1, dd), lambda: (0, 0)),
                  pl.BlockSpec((dd, _D), lambda: (0, 0)),
                  pl.BlockSpec((1, _D), lambda: (0, 0))],
        out_specs=pl.BlockSpec((_NG, _D), lambda: (0, 0)),
        out_shape=jax.ShapeDtypeStruct((_NG, _D), jnp.float32),
    )(pooled, W1, b1, g2, beta2, W2p, b2p)



def kernel(x, edge_index, edge_attr, batch, We1, be1, We2, be2, Watt, batt,
           Wnode, bnode, gamma, beta, W1, b1, g2, beta2, W2, b2):
    f32 = jnp.float32
    n_layers = Watt.shape[0]
    out_ch = W2.shape[1]

    dst = edge_index[1].astype(jnp.int32)
    dstp = jnp.zeros((_EP,), jnp.int32).at[:_E].set(dst)
    eap = jnp.zeros((_EP, edge_attr.shape[1]), f32).at[:_E, :].set(edge_attr)
    zeros_nd = jnp.zeros((_NP, _D), f32)
    bcol = batch.astype(jnp.int32).reshape(_N, 1)

    be1r = be1.reshape(1, -1)
    be2r = be2.reshape(1, -1)
    b1r = b1.reshape(1, -1)
    g2r = g2.reshape(1, -1)
    beta2r = beta2.reshape(1, -1)
    W2p = jnp.zeros((W2.shape[0], _D), f32).at[:, :out_ch].set(W2)
    b2p = jnp.zeros((1, _D), f32).at[0, :out_ch].set(b2)

    ea_lin = be1 @ We2 + be2

    h = x
    for l in range(n_layers):
        table = _hx(h, Watt[l][:_D], batt[l].reshape(1, _D),
                    Wnode[l][:_D], bnode[l].reshape(1, _D))
        rows = _sc_gather(table, dstp)
        Wae = Watt[l][_D:]
        Wne = Wnode[l][_D:]
        msg = _msg(rows, eap, We1 @ (We2 @ Wae), (ea_lin @ Wae).reshape(1, _D),
                   We1 @ (We2 @ Wne), (ea_lin @ Wne).reshape(1, _D))
        part = _sc_scatter(msg, dstp, zeros_nd)
        agg, st = _stats(part[:_N], part[_NP:_NP + _N])
        h = _apply(agg, st, gamma[l].reshape(1, _D),
                   beta[l].reshape(1, _D), h)

    pooled = _pool(h, bcol)
    out = _head(pooled, W1, b1r, g2r, beta2r, W2p, b2p)
    return out[:, :out_ch]

# --- scband reference (transcript-rebuilt; emitter-appended) ---
"""Pipeline reference for scband-cgcclass-63479616634913 (READ-ONLY COPY).

The authoritative reference and input builder live on the scoring server;
editing this copy changes nothing except your own understanding.
"""

import jax, jax.numpy as jnp
import numpy as np

N_NODES = 10000
N_EDGES = 320000
D_FEAT = 128
D_EDGE = 16
EDGE_DENSE = 64
EDGE_NEURONS = 16
DENSE = 256
OUT_CH = 2
N_LAYERS = 3
NUM_GRAPHS = 64
EPS = 1e-5


def setup_inputs(seed: int = 0) -> dict:
    key = jax.random.key(seed)
    ks = jax.random.split(key, 24)
    s = 0.05
    x = jax.random.normal(ks[0], (N_NODES, D_FEAT), dtype=jnp.float32)
    edge_index = jax.random.randint(ks[1], (2, N_EDGES), 0, N_NODES, dtype=jnp.int64 if jax.config.jax_enable_x64 else jnp.int32)
    edge_attr = jax.random.normal(ks[2], (N_EDGES, D_EDGE), dtype=jnp.float32)
    batch = jnp.sort(jax.random.randint(ks[3], (N_NODES,), 0, NUM_GRAPHS))
    We1 = jax.random.normal(ks[4], (D_EDGE, EDGE_DENSE), dtype=jnp.float32) * s
    be1 = jnp.zeros((EDGE_DENSE,), dtype=jnp.float32)
    We2 = jax.random.normal(ks[5], (EDGE_DENSE, EDGE_NEURONS), dtype=jnp.float32) * s
    be2 = jnp.zeros((EDGE_NEURONS,), dtype=jnp.float32)
    Watt = jax.random.normal(ks[6], (N_LAYERS, D_FEAT + EDGE_NEURONS, D_FEAT), dtype=jnp.float32) * s
    batt = jnp.zeros((N_LAYERS, D_FEAT), dtype=jnp.float32)
    Wnode = jax.random.normal(ks[7], (N_LAYERS, D_FEAT + EDGE_NEURONS, D_FEAT), dtype=jnp.float32) * s
    bnode = jnp.zeros((N_LAYERS, D_FEAT), dtype=jnp.float32)
    gamma = jnp.ones((N_LAYERS, D_FEAT), dtype=jnp.float32)
    beta = jnp.zeros((N_LAYERS, D_FEAT), dtype=jnp.float32)
    W1 = jax.random.normal(ks[8], (D_FEAT, DENSE), dtype=jnp.float32) * s
    b1 = jnp.zeros((DENSE,), dtype=jnp.float32)
    g2 = jnp.ones((DENSE,), dtype=jnp.float32)
    beta2 = jnp.zeros((DENSE,), dtype=jnp.float32)
    W2 = jax.random.normal(ks[9], (DENSE, OUT_CH), dtype=jnp.float32) * s
    b2 = jnp.zeros((OUT_CH,), dtype=jnp.float32)
    return {"x": x, "edge_index": edge_index, "edge_attr": edge_attr, "batch": batch,
            "We1": We1, "be1": be1, "We2": We2, "be2": be2,
            "Watt": Watt, "batt": batt, "Wnode": Wnode, "bnode": bnode,
            "gamma": gamma, "beta": beta,
            "W1": W1, "b1": b1, "g2": g2, "beta2": beta2, "W2": W2, "b2": b2}


def _batchnorm(h, g, b):
    mu = jnp.mean(h, axis=0)
    var = jnp.var(h, axis=0)
    return g * (h - mu) / jnp.sqrt(var + EPS) + b


def reference(x, edge_index, edge_attr, batch, We1, be1, We2, be2, Watt, batt, Wnode, bnode, gamma, beta, W1, b1, g2, beta2, W2, b2):
    # edge MLP (two linears, no activation, matching the torch code)
    ea = edge_attr @ We1 + be1
    ea = ea @ We2 + be2
    dst = edge_index[1]
    h = x
    for l in range(N_LAYERS):
        x_i = jnp.take(h, dst, axis=0)  # gather target-node features (message uses x_i only)
        z = jnp.concatenate([x_i, ea], axis=-1)
        msg = jax.nn.sigmoid(z @ Watt[l] + batt[l]) * jax.nn.softplus(z @ Wnode[l] + bnode[l])
        agg = jax.ops.segment_sum(msg, dst, num_segments=N_NODES)  # aggr='add'
        out = _batchnorm(agg, gamma[l], beta[l])
        h = out + h  # residual: out += x[1]
    pooled = jax.ops.segment_max(h, batch, num_segments=NUM_GRAPHS)  # global_max_pool
    # dropout omitted (deterministic reference)
    d = jax.nn.relu(pooled @ W1 + b1)
    d = _batchnorm(d, g2, beta2)
    d = d @ W2 + b2
    return jax.nn.sigmoid(d)

if __name__ == "__main__":
    import jax
    _d = setup_inputs()
    print(jax.jit(kernel)(*tuple(_d.values())))

</pallas_src>

<mosaic_0001>
#map = affine_map<(d0, d1) -> (0, 0)>
#map1 = affine_map<(d0, d1) -> (0)>
module attributes {stable_mosaic.version = 14 : i64} {
  func.func @body(%arg0: i32, %arg1: i32, %arg2: memref<10240x128xi32, #tpu.memory_space<hbm>>, %arg3: memref<327680xi32, #tpu.memory_space<hbm>>, %arg4: memref<327680x128xi32, #tpu.memory_space<hbm>>, %arg5: memref<128xi32, #tpu.memory_space<vmem>>, %arg6: memref<128xi32, #tpu.memory_space<vmem>>, %arg7: memref<128x128xi32, #tpu.memory_space<vmem>>, %arg8: memref<128x128xi32, #tpu.memory_space<vmem>>, %arg9: memref<10240x128xi32, #tpu.memory_space<vmem_shared>>, %arg10: memref<!tpu.dma_semaphore, #tpu.memory_space<semaphore_mem>>, %arg11: memref<!tpu.dma_semaphore, #tpu.memory_space<semaphore_mem>>, %arg12: memref<!tpu.dma_semaphore, #tpu.memory_space<semaphore_mem>>, %arg13: memref<!tpu.dma_semaphore, #tpu.memory_space<semaphore_mem>>, %arg14: memref<!tpu.dma_semaphore, #tpu.memory_space<semaphore_mem>>, %arg15: memref<!tpu.dma_semaphore, #tpu.memory_space<semaphore_mem>>) attributes {dimension_semantics = [#tpu.dimension_semantics<core_parallel>, #tpu.dimension_semantics<subcore_parallel>], iteration_bounds = array<i64: 2, 16>, scalar_prefetch = 0 : i64, scratch_operands = 11 : i64, tpu.core_type = #tpu.core_type<sc_vector_subcore>, window_params = [{transform_indices = #map}, {transform_indices = #map1}, {transform_indices = #map}]} {
    %mul3A = arith.constant 640 : i32
    %mul3A_0 = arith.muli %arg1, %mul3A : i32
    %mul3A_1 = arith.constant 640 : i32
    %mul3A_2 = arith.muli %arg1, %mul3A_1 : i32
    "tpu.region"() ({
      %run_scoped3A = tpu.sem_alloc : memref<!tpu.dma_semaphore, #tpu.memory_space<semaphore_mem>>
      %dma_start3A = arith.constant 0 : i32
      %dma_start3A_12 = tpu.memref_slice %arg9[%mul3A_2, %dma_start3A] : memref<10240x128xi32, #tpu.memory_space<vmem_shared>> -> memref<640x128xi32, #tpu.memory_space<vmem_shared>>
      %dma_start3A_13 = arith.constant 0 : i32
      %dma_start3A_14 = tpu.memref_slice %arg2[%mul3A_0, %dma_start3A_13] : memref<10240x128xi32, #tpu.memory_space<hbm>> -> memref<640x128xi32, #tpu.memory_space<hbm>>
      tpu.enqueue_dma source(%dma_start3A_14 : memref<640x128xi32, #tpu.memory_space<hbm>>) target(%dma_start3A_12 : memref<640x128xi32, #tpu.memory_space<vmem_shared>>) target_semaphore(%run_scoped3A : memref<!tpu.dma_semaphore, #tpu.memory_space<semaphore_mem>>)
      %dma_wait3A = arith.constant 0 : i32
      %dma_wait3A_15 = tpu.memref_slice %arg9[%mul3A_2, %dma_wait3A] : memref<10240x128xi32, #tpu.memory_space<vmem_shared>> -> memref<640x128xi32, #tpu.memory_space<vmem_shared>>
      %dma_wait3A_16 = arith.constant 0 : i32
      %dma_wait3A_17 = tpu.memref_slice %arg2[%mul3A_0, %dma_wait3A_16] : memref<10240x128xi32, #tpu.memory_space<hbm>> -> memref<640x128xi32, #tpu.memory_space<hbm>>
      tpu.wait_dma2 semaphore(%run_scoped3A : memref<!tpu.dma_semaphore, #tpu.memory_space<semaphore_mem>>) src(%dma_wait3A_17 : memref<640x128xi32, #tpu.memory_space<hbm>>) dst(%dma_wait3A_15 : memref<640x128xi32, #tpu.memory_space<vmem_shared>>)
      tpu.yield
    }) : () -> ()
    %barrier3A = arith.constant 0 : index
    tpu.barrier barrier_id(%barrier3A)
    %mul3A_3 = arith.constant 2 : i32
    %mul3A_4 = arith.muli %arg1, %mul3A_3 : i32
    %add3A = arith.addi %mul3A_4, %arg0 : i32
    %mul3A_5 = arith.constant 10240 : i32
    %mul3A_6 = arith.muli %add3A, %mul3A_5 : i32
    %scan3A = arith.constant 0 : i32
    %scan3A_7 = arith.constant 0 : i32
    %scan3A_8 = arith.constant 40 : i32
    %scan3A_9 = arith.addi %scan3A_7, %scan3A_8 : i32
    %scan3A_10 = arith.constant 1 : i32
    scf.for %scan3A_12 = %scan3A_7 to %scan3A_9 step %scan3A_10  : i32 {
      %mul3A_13 = arith.constant 2 : i32
      %mul3A_14 = arith.muli %mul3A_13, %scan3A_12 : i32
      %mul3A_15 = arith.constant 128 : i32
      %mul3A_16 = arith.muli %mul3A_14, %mul3A_15 : i32
      %add3A_17 = arith.addi %mul3A_6, %mul3A_16 : i32
      %multiple_of3A = tpu.assume_multiple %add3A_17, 128 : i32
      %mul3A_18 = arith.constant 2 : i32
      %mul3A_19 = arith.muli %mul3A_18, %scan3A_12 : i32
      %add3A_20 = arith.constant 1 : i32
      %add3A_21 = arith.addi %mul3A_19, %add3A_20 : i32
      %mul3A_22 = arith.constant 128 : i32
      %mul3A_23 = arith.muli %add3A_21, %mul3A_22 : i32
      %add3A_24 = arith.addi %mul3A_6, %mul3A_23 : i32
      %multiple_of3A_25 = tpu.assume_multiple %add3A_24, 128 : i32
      %dma_start3A = tpu.memref_slice %arg3[%multiple_of3A] : memref<327680xi32, #tpu.memory_space<hbm>> -> memref<128xi32, #tpu.memory_space<hbm>>
      %dma_start3A_26 = tpu.memref_slice %arg3[%multiple_of3A] : memref<327680xi32, #tpu.memory_space<hbm>> -> memref<128xi32, #tpu.memory_space<hbm>>
      tpu.enqueue_dma source(%dma_start3A_26 : memref<128xi32, #tpu.memory_space<hbm>>) target(%arg5 : memref<128xi32, #tpu.memory_space<vmem>>) target_semaphore(%arg10 : memref<!tpu.dma_semaphore, #tpu.memory_space<semaphore_mem>>)
      %dma_start3A_27 = tpu.memref_slice %arg3[%multiple_of3A_25] : memref<327680xi32, #tpu.memory_space<hbm>> -> memref<128xi32, #tpu.memory_space<hbm>>
      %dma_start3A_28 = tpu.memref_slice %arg3[%multiple_of3A_25] : memref<327680xi32, #tpu.memory_space<hbm>> -> memref<128xi32, #tpu.memory_space<hbm>>
      tpu.enqueue_dma source(%dma_start3A_28 : memref<128xi32, #tpu.memory_space<hbm>>) target(%arg6 : memref<128xi32, #tpu.memory_space<vmem>>) target_semaphore(%arg11 : memref<!tpu.dma_semaphore, #tpu.memory_space<semaphore_mem>>)
      %dma_wait3A = tpu.memref_slice %arg3[%multiple_of3A] : memref<327680xi32, #tpu.memory_space<hbm>> -> memref<128xi32, #tpu.memory_space<hbm>>
      %dma_wait3A_29 = tpu.memref_slice %arg3[%multiple_of3A] : memref<327680xi32, #tpu.memory_space<hbm>> -> memref<128xi32, #tpu.memory_space<hbm>>
      tpu.wait_dma2 semaphore(%arg10 : memref<!tpu.dma_semaphore, #tpu.memory_space<semaphore_mem>>) src(%dma_wait3A_29 : memref<128xi32, #tpu.memory_space<hbm>>) dst(%arg5 : memref<128xi32, #tpu.memory_space<vmem>>)
      %dma_start3A_30 = arith.constant 0 : i32
      %dma_start3A_31 = arith.constant 0 : i32
      %dma_start3A_32 = tpu.memref_slice %arg9[%dma_start3A_30, %dma_start3A_31] : memref<10240x128xi32, #tpu.memory_space<vmem_shared>> -> memref<10240x128xi32, #tpu.memory_space<vmem_shared>>
      tpu.enqueue_indirect_dma source(%dma_start3A_32 : memref<10240x128xi32, #tpu.memory_space<vmem_shared>>) target(%arg7 : memref<128x128xi32, #tpu.memory_space<vmem>>) offsets(%arg5 : memref<128xi32, #tpu.memory_space<vmem>>) semaphore(%arg12 : memref<!tpu.dma_semaphore, #tpu.memory_space<semaphore_mem>>)
      %dma_wait3A_33 = tpu.memref_slice %arg3[%multiple_of3A_25] : memref<327680xi32, #tpu.memory_space<hbm>> -> memref<128xi32, #tpu.memory_space<hbm>>
      %dma_wait3A_34 = tpu.memref_slice %arg3[%multiple_of3A_25] : memref<327680xi32, #tpu.memory_space<hbm>> -> memref<128xi32, #tpu.memory_space<hbm>>
      tpu.wait_dma2 semaphore(%arg11 : memref<!tpu.dma_semaphore, #tpu.memory_space<semaphore_mem>>) src(%dma_wait3A_34 : memref<128xi32, #tpu.memory_space<hbm>>) dst(%arg6 : memref<128xi32, #tpu.memory_space<vmem>>)
      %dma_start3A_35 = arith.constant 0 : i32
      %dma_start3A_36 = arith.constant 0 : i32
      %dma_start3A_37 = tpu.memref_slice %arg9[%dma_start3A_35, %dma_start3A_36] : memref<10240x128xi32, #tpu.memory_space<vmem_shared>> -> memref<10240x128xi32, #tpu.memory_space<vmem_shared>>
      tpu.enqueue_indirect_dma source(%dma_start3A_37 : memref<10240x128xi32, #tpu.memory_space<vmem_shared>>) target(%arg8 : memref<128x128xi32, #tpu.memory_space<vmem>>) offsets(%arg6 : memref<128xi32, #tpu.memory_space<vmem>>) semaphore(%arg13 : memref<!tpu.dma_semaphore, #tpu.memory_space<semaphore_mem>>)
      %dma_wait3A_38 = arith.constant 0 : i32
      %dma_wait3A_39 = arith.constant 0 : i32
      %dma_wait3A_40 = tpu.memref_slice %arg9[%dma_wait3A_38, %dma_wait3A_39] : memref<10240x128xi32, #tpu.memory_space<vmem_shared>> -> memref<10240x128xi32, #tpu.memory_space<vmem_shared>>
      tpu.wait_indirect_dma semaphore(%arg12 : memref<!tpu.dma_semaphore, #tpu.memory_space<semaphore_mem>>) src(%dma_wait3A_40 : memref<10240x128xi32, #tpu.memory_space<vmem_shared>>) dst(%arg7 : memref<128x128xi32, #tpu.memory_space<vmem>>)
      %dma_start3A_41 = arith.constant 0 : i32
      %dma_start3A_42 = tpu.memref_slice %arg4[%multiple_of3A, %dma_start3A_41] : memref<327680x128xi32, #tpu.memory_space<hbm>> -> memref<128x128xi32, #tpu.memory_space<hbm>>
      %dma_start3A_43 = arith.constant 0 : i32
      %dma_start3A_44 = tpu.memref_slice %arg4[%multiple_of3A, %dma_start3A_43] : memref<327680x128xi32, #tpu.memory_space<hbm>> -> memref<128x128xi32, #tpu.memory_space<hbm>>
      tpu.enqueue_dma source(%arg7 : memref<128x128xi32, #tpu.memory_space<vmem>>) target(%dma_start3A_44 : memref<128x128xi32, #tpu.memory_space<hbm>>) target_semaphore(%arg14 : memref<!tpu.dma_semaphore, #tpu.memory_space<semaphore_mem>>)
      %dma_wait3A_45 = arith.constant 0 : i32
      %dma_wait3A_46 = arith.constant 0 : i32
      %dma_wait3A_47 = tpu.memref_slice %arg9[%dma_wait3A_45, %dma_wait3A_46] : memref<10240x128xi32, #tpu.memory_space<vmem_shared>> -> memref<10240x128xi32, #tpu.memory_space<vmem_shared>>
      tpu.wait_indirect_dma semaphore(%arg13 : memref<!tpu.dma_semaphore, #tpu.memory_space<semaphore_mem>>) src(%dma_wait3A_47 : memref<10240x128xi32, #tpu.memory_space<vmem_shared>>) dst(%arg8 : memref<128x128xi32, #tpu.memory_space<vmem>>)
      %dma_start3A_48 = arith.constant 0 : i32
      %dma_start3A_49 = tpu.memref_slice %arg4[%multiple_of3A_25, %dma_start3A_48] : memref<327680x128xi32, #tpu.memory_space<hbm>> -> memref<128x128xi32, #tpu.memory_space<hbm>>
      %dma_start3A_50 = arith.constant 0 : i32
      %dma_start3A_51 = tpu.memref_slice %arg4[%multiple_of3A_25, %dma_start3A_50] : memref<327680x128xi32, #tpu.memory_space<hbm>> -> memref<128x128xi32, #tpu.memory_space<hbm>>
      tpu.enqueue_dma source(%arg8 : memref<128x128xi32, #tpu.memory_space<vmem>>) target(%dma_start3A_51 : memref<128x128xi32, #tpu.memory_space<hbm>>) target_semaphore(%arg15 : memref<!tpu.dma_semaphore, #tpu.memory_space<semaphore_mem>>)
      %dma_wait3A_52 = arith.constant 0 : i32
      %dma_wait3A_53 = tpu.memref_slice %arg4[%multiple_of3A, %dma_wait3A_52] : memref<327680x128xi32, #tpu.memory_space<hbm>> -> memref<128x128xi32, #tpu.memory_space<hbm>>
      %dma_wait3A_54 = arith.constant 0 : i32
      %dma_wait3A_55 = tpu.memref_slice %arg4[%multiple_of3A, %dma_wait3A_54] : memref<327680x128xi32, #tpu.memory_space<hbm>> -> memref<128x128xi32, #tpu.memory_space<hbm>>
      tpu.wait_dma2 semaphore(%arg14 : memref<!tpu.dma_semaphore, #tpu.memory_space<semaphore_mem>>) src(%arg7 : memref<128x128xi32, #tpu.memory_space<vmem>>) dst(%dma_wait3A_55 : memref<128x128xi32, #tpu.memory_space<hbm>>)
      %dma_wait3A_56 = arith.constant 0 : i32
      %dma_wait3A_57 = tpu.memref_slice %arg4[%multiple_of3A_25, %dma_wait3A_56] : memref<327680x128xi32, #tpu.memory_space<hbm>> -> memref<128x128xi32, #tpu.memory_space<hbm>>
      %dma_wait3A_58 = arith.constant 0 : i32
      %dma_wait3A_59 = tpu.memref_slice %arg4[%multiple_of3A_25, %dma_wait3A_58] : memref<327680x128xi32, #tpu.memory_space<hbm>> -> memref<128x128xi32, #tpu.memory_space<hbm>>
      tpu.wait_dma2 semaphore(%arg15 : memref<!tpu.dma_semaphore, #tpu.memory_space<semaphore_mem>>) src(%arg8 : memref<128x128xi32, #tpu.memory_space<vmem>>) dst(%dma_wait3A_59 : memref<128x128xi32, #tpu.memory_space<hbm>>)
    }
    %scan3A_11 = arith.constant 40 : i32
    return
  }
}

#map = affine_map<(d0, d1) -> (0, 0)>
#map1 = affine_map<(d0, d1) -> (0)>
module attributes {stable_mosaic.version = 14 : i64} {
  func.func @body(%arg0: i32, %arg1: i32, %arg2: memref<327680x128xf32, #tpu.memory_space<hbm>>, %arg3: memref<327680xi32, #tpu.memory_space<hbm>>, %arg4: memref<10240x128xf32, #tpu.memory_space<hbm>>, %arg5: memref<20480x128xf32, #tpu.memory_space<hbm>>, %arg6: memref<128xi32, #tpu.memory_space<vmem>>, %arg7: memref<128xi32, #tpu.memory_space<vmem>>, %arg8: memref<128x128xf32, #tpu.memory_space<vmem>>, %arg9: memref<128x128xf32, #tpu.memory_space<vmem>>, %arg10: memref<10240x128xf32, #tpu.memory_space<vmem_shared>>, %arg11: memref<!tpu.dma_semaphore, #tpu.memory_space<semaphore_mem>>, %arg12: memref<!tpu.dma_semaphore, #tpu.memory_space<semaphore_mem>>, %arg13: memref<!tpu.dma_semaphore, #tpu.memory_space<semaphore_mem>>, %arg14: memref<!tpu.dma_semaphore, #tpu.memory_space<semaphore_mem>>) attributes {dimension_semantics = [#tpu.dimension_semantics<core_parallel>, #tpu.dimension_semantics<subcore_parallel>], iteration_bounds = array<i64: 2, 16>, scalar_prefetch = 0 : i64, scratch_operands = 9 : i64, tpu.core_type = #tpu.core_type<sc_vector_subcore>, window_params = [{transform_indices = #map}, {transform_indices = #map1}, {transform_indices = #map}, {transform_indices = #map}]} {
    %mul3A = arith.constant 640 : i32
    %mul3A_0 = arith.muli %arg1, %mul3A : i32
    "tpu.region"() ({
      %run_scoped3A = tpu.sem_alloc : memref<!tpu.dma_semaphore, #tpu.memory_space<semaphore_mem>>
      %dma_start3A = arith.constant 0 : i32
      %dma_start3A_14 = tpu.memref_slice %arg10[%mul3A_0, %dma_start3A] : memref<10240x128xf32, #tpu.memory_space<vmem_shared>> -> memref<640x128xf32, #tpu.memory_space<vmem_shared>>
      %dma_start3A_15 = arith.constant 0 : i32
      %dma_start3A_16 = tpu.memref_slice %arg4[%mul3A_0, %dma_start3A_15] : memref<10240x128xf32, #tpu.memory_space<hbm>> -> memref<640x128xf32, #tpu.memory_space<hbm>>
      tpu.enqueue_dma source(%dma_start3A_16 : memref<640x128xf32, #tpu.memory_space<hbm>>) target(%dma_start3A_14 : memref<640x128xf32, #tpu.memory_space<vmem_shared>>) target_semaphore(%run_scoped3A : memref<!tpu.dma_semaphore, #tpu.memory_space<semaphore_mem>>)
      %dma_wait3A = arith.constant 0 : i32
      %dma_wait3A_17 = tpu.memref_slice %arg10[%mul3A_0, %dma_wait3A] : memref<10240x128xf32, #tpu.memory_space<vmem_shared>> -> memref<640x128xf32, #tpu.memory_space<vmem_shared>>
      %dma_wait3A_18 = arith.constant 0 : i32
      %dma_wait3A_19 = tpu.memref_slice %arg4[%mul3A_0, %dma_wait3A_18] : memref<10240x128xf32, #tpu.memory_space<hbm>> -> memref<640x128xf32, #tpu.memory_space<hbm>>
      tpu.wait_dma2 semaphore(%run_scoped3A : memref<!tpu.dma_semaphore, #tpu.memory_space<semaphore_mem>>) src(%dma_wait3A_19 : memref<640x128xf32, #tpu.memory_space<hbm>>) dst(%dma_wait3A_17 : memref<640x128xf32, #tpu.memory_space<vmem_shared>>)
      tpu.yield
    }) : () -> ()
    %barrier3A = arith.constant 0 : index
    tpu.barrier barrier_id(%barrier3A)
    %mul3A_1 = arith.constant 2 : i32
    %mul3A_2 = arith.muli %arg1, %mul3A_1 : i32
    %add3A = arith.addi %mul3A_2, %arg0 : i32
    %mul3A_3 = arith.constant 10240 : i32
    %mul3A_4 = arith.muli %add3A, %mul3A_3 : i32
    %scan3A = arith.constant 0 : i32
    %scan3A_5 = arith.constant 0 : i32
    %scan3A_6 = arith.constant 40 : i32
    %scan3A_7 = arith.addi %scan3A_5, %scan3A_6 : i32
    %scan3A_8 = arith.constant 1 : i32
    scf.for %scan3A_14 = %scan3A_5 to %scan3A_7 step %scan3A_8  : i32 {
      %mul3A_15 = arith.constant 2 : i32
      %mul3A_16 = arith.muli %mul3A_15, %scan3A_14 : i32
      %mul3A_17 = arith.constant 128 : i32
      %mul3A_18 = arith.muli %mul3A_16, %mul3A_17 : i32
      %add3A_19 = arith.addi %mul3A_4, %mul3A_18 : i32
      %multiple_of3A = tpu.assume_multiple %add3A_19, 128 : i32
      %mul3A_20 = arith.constant 2 : i32
      %mul3A_21 = arith.muli %mul3A_20, %scan3A_14 : i32
      %add3A_22 = arith.constant 1 : i32
      %add3A_23 = arith.addi %mul3A_21, %add3A_22 : i32
      %mul3A_24 = arith.constant 128 : i32
      %mul3A_25 = arith.muli %add3A_23, %mul3A_24 : i32
      %add3A_26 = arith.addi %mul3A_4, %mul3A_25 : i32
      %multiple_of3A_27 = tpu.assume_multiple %add3A_26, 128 : i32
      %dma_start3A = tpu.memref_slice %arg3[%multiple_of3A] : memref<327680xi32, #tpu.memory_space<hbm>> -> memref<128xi32, #tpu.memory_space<hbm>>
      %dma_start3A_28 = tpu.memref_slice %arg3[%multiple_of3A] : memref<327680xi32, #tpu.memory_space<hbm>> -> memref<128xi32, #tpu.memory_space<hbm>>
      tpu.enqueue_dma source(%dma_start3A_28 : memref<128xi32, #tpu.memory_space<hbm>>) target(%arg6 : memref<128xi32, #tpu.memory_space<vmem>>) target_semaphore(%arg11 : memref<!tpu.dma_semaphore, #tpu.memory_space<semaphore_mem>>)
      %dma_start3A_29 = arith.constant 0 : i32
      %dma_start3A_30 = tpu.memref_slice %arg2[%multiple_of3A, %dma_start3A_29] : memref<327680x128xf32, #tpu.memory_space<hbm>> -> memref<128x128xf32, #tpu.memory_space<hbm>>
      %dma_start3A_31 = arith.constant 0 : i32
      %dma_start3A_32 = tpu.memref_slice %arg2[%multiple_of3A, %dma_start3A_31] : memref<327680x128xf32, #tpu.memory_space<hbm>> -> memref<128x128xf32, #tpu.memory_space<hbm>>
      tpu.enqueue_dma source(%dma_start3A_32 : memref<128x128xf32, #tpu.memory_space<hbm>>) target(%arg8 : memref<128x128xf32, #tpu.memory_space<vmem>>) target_semaphore(%arg13 : memref<!tpu.dma_semaphore, #tpu.memory_space<semaphore_mem>>)
      %dma_start3A_33 = tpu.memref_slice %arg3[%multiple_of3A_27] : memref<327680xi32, #tpu.memory_space<hbm>> -> memref<128xi32, #tpu.memory_space<hbm>>
      %dma_start3A_34 = tpu.memref_slice %arg3[%multiple_of3A_27] : memref<327680xi32, #tpu.memory_space<hbm>> -> memref<128xi32, #tpu.memory_space<hbm>>
      tpu.enqueue_dma source(%dma_start3A_34 : memref<128xi32, #tpu.memory_space<hbm>>) target(%arg7 : memref<128xi32, #tpu.memory_space<vmem>>) target_semaphore(%arg12 : memref<!tpu.dma_semaphore, #tpu.memory_space<semaphore_mem>>)
      %dma_start3A_35 = arith.constant 0 : i32
      %dma_start3A_36 = tpu.memref_slice %arg2[%multiple_of3A_27, %dma_start3A_35] : memref<327680x128xf32, #tpu.memory_space<hbm>> -> memref<128x128xf32, #tpu.memory_space<hbm>>
      %dma_start3A_37 = arith.constant 0 : i32
      %dma_start3A_38 = tpu.memref_slice %arg2[%multiple_of3A_27, %dma_start3A_37] : memref<327680x128xf32, #tpu.memory_space<hbm>> -> memref<128x128xf32, #tpu.memory_space<hbm>>
      tpu.enqueue_dma source(%dma_start3A_38 : memref<128x128xf32, #tpu.memory_space<hbm>>) target(%arg9 : memref<128x128xf32, #tpu.memory_space<vmem>>) target_semaphore(%arg14 : memref<!tpu.dma_semaphore, #tpu.memory_space<semaphore_mem>>)
      %dma_wait3A = tpu.memref_slice %arg3[%multiple_of3A] : memref<327680xi32, #tpu.memory_space<hbm>> -> memref<128xi32, #tpu.memory_space<hbm>>
      %dma_wait3A_39 = tpu.memref_slice %arg3[%multiple_of3A] : memref<327680xi32, #tpu.memory_space<hbm>> -> memref<128xi32, #tpu.memory_space<hbm>>
      tpu.wait_dma2 semaphore(%arg11 : memref<!tpu.dma_semaphore, #tpu.memory_space<semaphore_mem>>) src(%dma_wait3A_39 : memref<128xi32, #tpu.memory_space<hbm>>) dst(%arg6 : memref<128xi32, #tpu.memory_space<vmem>>)
      %dma_wait3A_40 = arith.constant 0 : i32
      %dma_wait3A_41 = tpu.memref_slice %arg2[%multiple_of3A, %dma_wait3A_40] : memref<327680x128xf32, #tpu.memory_space<hbm>> -> memref<128x128xf32, #tpu.memory_space<hbm>>
      %dma_wait3A_42 = arith.constant 0 : i32
      %dma_wait3A_43 = tpu.memref_slice %arg2[%multiple_of3A, %dma_wait3A_42] : memref<327680x128xf32, #tpu.memory_space<hbm>> -> memref<128x128xf32, #tpu.memory_space<hbm>>
      tpu.wait_dma2 semaphore(%arg13 : memref<!tpu.dma_semaphore, #tpu.memory_space<semaphore_mem>>) src(%dma_wait3A_43 : memref<128x128xf32, #tpu.memory_space<hbm>>) dst(%arg8 : memref<128x128xf32, #tpu.memory_space<vmem>>)
      "tpu.region"() ({
        %run_scoped3A = tpu.sem_alloc : memref<!tpu.dma_semaphore, #tpu.memory_space<semaphore_mem>>
        %dma_start3A_50 = arith.constant 0 : i32
        %dma_start3A_51 = arith.constant 0 : i32
        %dma_start3A_52 = tpu.memref_slice %arg10[%dma_start3A_50, %dma_start3A_51] : memref<10240x128xf32, #tpu.memory_space<vmem_shared>> -> memref<10240x128xf32, #tpu.memory_space<vmem_shared>>
        tpu.enqueue_indirect_dma source(%arg8 : memref<128x128xf32, #tpu.memory_space<vmem>>) target(%dma_start3A_52 : memref<10240x128xf32, #tpu.memory_space<vmem_shared>>) offsets(%arg6 : memref<128xi32, #tpu.memory_space<vmem>>) semaphore(%run_scoped3A : memref<!tpu.dma_semaphore, #tpu.memory_space<semaphore_mem>>) {add = true}
        %dma_wait3A_53 = arith.constant 0 : i32
        %dma_wait3A_54 = arith.constant 0 : i32
        %dma_wait3A_55 = tpu.memref_slice %arg10[%dma_wait3A_53, %dma_wait3A_54] : memref<10240x128xf32, #tpu.memory_space<vmem_shared>> -> memref<10240x128xf32, #tpu.memory_space<vmem_shared>>
        tpu.wait_indirect_dma semaphore(%run_scoped3A : memref<!tpu.dma_semaphore, #tpu.memory_space<semaphore_mem>>) src(%arg8 : memref<128x128xf32, #tpu.memory_space<vmem>>) dst(%dma_wait3A_55 : memref<10240x128xf32, #tpu.memory_space<vmem_shared>>)
        tpu.yield
      }) : () -> ()
      %dma_wait3A_44 = tpu.memref_slice %arg3[%multiple_of3A_27] : memref<327680xi32, #tpu.memory_space<hbm>> -> memref<128xi32, #tpu.memory_space<hbm>>
      %dma_wait3A_45 = tpu.memref_slice %arg3[%multiple_of3A_27] : memref<327680xi32, #tpu.memory_space<hbm>> -> memref<128xi32, #tpu.memory_space<hbm>>
      tpu.wait_dma2 semaphore(%arg12 : memref<!tpu.dma_semaphore, #tpu.memory_space<semaphore_mem>>) src(%dma_wait3A_45 : memref<128xi32, #tpu.memory_space<hbm>>) dst(%arg7 : memref<128xi32, #tpu.memory_space<vmem>>)
      %dma_wait3A_46 = arith.constant 0 : i32
      %dma_wait3A_47 = tpu.memref_slice %arg2[%multiple_of3A_27, %dma_wait3A_46] : memref<327680x128xf32, #tpu.memory_space<hbm>> -> memref<128x128xf32, #tpu.memory_space<hbm>>
      %dma_wait3A_48 = arith.constant 0 : i32
      %dma_wait3A_49 = tpu.memref_slice %arg2[%multiple_of3A_27, %dma_wait3A_48] : memref<327680x128xf32, #tpu.memory_space<hbm>> -> memref<128x128xf32, #tpu.memory_space<hbm>>
      tpu.wait_dma2 semaphore(%arg14 : memref<!tpu.dma_semaphore, #tpu.memory_space<semaphore_mem>>) src(%dma_wait3A_49 : memref<128x128xf32, #tpu.memory_space<hbm>>) dst(%arg9 : memref<128x128xf32, #tpu.memory_space<vmem>>)
      "tpu.region"() ({
        %run_scoped3A = tpu.sem_alloc : memref<!tpu.dma_semaphore, #tpu.memory_space<semaphore_mem>>
        %dma_start3A_50 = arith.constant 0 : i32
        %dma_start3A_51 = arith.constant 0 : i32
        %dma_start3A_52 = tpu.memref_slice %arg10[%dma_start3A_50, %dma_start3A_51] : memref<10240x128xf32, #tpu.memory_space<vmem_shared>> -> memref<10240x128xf32, #tpu.memory_space<vmem_shared>>
        tpu.enqueue_indirect_dma source(%arg9 : memref<128x128xf32, #tpu.memory_space<vmem>>) target(%dma_start3A_52 : memref<10240x128xf32, #tpu.memory_space<vmem_shared>>) offsets(%arg7 : memref<128xi32, #tpu.memory_space<vmem>>) semaphore(%run_scoped3A : memref<!tpu.dma_semaphore, #tpu.memory_space<semaphore_mem>>) {add = true}
        %dma_wait3A_53 = arith.constant 0 : i32
        %dma_wait3A_54 = arith.constant 0 : i32
        %dma_wait3A_55 = tpu.memref_slice %arg10[%dma_wait3A_53, %dma_wait3A_54] : memref<10240x128xf32, #tpu.memory_space<vmem_shared>> -> memref<10240x128xf32, #tpu.memory_space<vmem_shared>>
        tpu.wait_indirect_dma semaphore(%run_scoped3A : memref<!tpu.dma_semaphore, #tpu.memory_space<semaphore_mem>>) src(%arg9 : memref<128x128xf32, #tpu.memory_space<vmem>>) dst(%dma_wait3A_55 : memref<10240x128xf32, #tpu.memory_space<vmem_shared>>)
        tpu.yield
      }) : () -> ()
    }
    %scan3A_9 = arith.constant 40 : i32
    %barrier3A_10 = arith.constant 0 : index
    tpu.barrier barrier_id(%barrier3A_10)
    %mul3A_11 = arith.constant 10240 : i32
    %mul3A_12 = arith.muli %arg0, %mul3A_11 : i32
    %add3A_13 = arith.addi %mul3A_12, %mul3A_0 : i32
    "tpu.region"() ({
      %run_scoped3A = tpu.sem_alloc : memref<!tpu.dma_semaphore, #tpu.memory_space<semaphore_mem>>
      %dma_start3A = arith.constant 0 : i32
      %dma_start3A_14 = tpu.memref_slice %arg5[%add3A_13, %dma_start3A] : memref<20480x128xf32, #tpu.memory_space<hbm>> -> memref<640x128xf32, #tpu.memory_space<hbm>>
      %dma_start3A_15 = arith.constant 0 : i32
      %dma_start3A_16 = tpu.memref_slice %arg10[%mul3A_0, %dma_start3A_15] : memref<10240x128xf32, #tpu.memory_space<vmem_shared>> -> memref<640x128xf32, #tpu.memory_space<vmem_shared>>
      tpu.enqueue_dma source(%dma_start3A_16 : memref<640x128xf32, #tpu.memory_space<vmem_shared>>) target(%dma_start3A_14 : memref<640x128xf32, #tpu.memory_space<hbm>>) target_semaphore(%run_scoped3A : memref<!tpu.dma_semaphore, #tpu.memory_space<semaphore_mem>>)
      %dma_wait3A = arith.constant 0 : i32
      %dma_wait3A_17 = tpu.memref_slice %arg5[%add3A_13, %dma_wait3A] : memref<20480x128xf32, #tpu.memory_space<hbm>> -> memref<640x128xf32, #tpu.memory_space<hbm>>
      %dma_wait3A_18 = arith.constant 0 : i32
      %dma_wait3A_19 = tpu.memref_slice %arg10[%mul3A_0, %dma_wait3A_18] : memref<10240x128xf32, #tpu.memory_space<vmem_shared>> -> memref<640x128xf32, #tpu.memory_space<vmem_shared>>
      tpu.wait_dma2 semaphore(%run_scoped3A : memref<!tpu.dma_semaphore, #tpu.memory_space<semaphore_mem>>) src(%dma_wait3A_19 : memref<640x128xf32, #tpu.memory_space<vmem_shared>>) dst(%dma_wait3A_17 : memref<640x128xf32, #tpu.memory_space<hbm>>)
      tpu.yield
    }) : () -> ()
    return
  }
}

#map = affine_map<(d0, d1) -> (0, 0)>
#map1 = affine_map<(d0, d1) -> (0)>
module attributes {stable_mosaic.version = 14 : i64} {
  func.func @body(%arg0: i32, %arg1: i32, %arg2: memref<10240x128xi32, #tpu.memory_space<hbm>>, %arg3: memref<327680xi32, #tpu.memory_space<hbm>>, %arg4: memref<327680x128xi32, #tpu.memory_space<hbm>>, %arg5: memref<128xi32, #tpu.memory_space<vmem>>, %arg6: memref<128xi32, #tpu.memory_space<vmem>>, %arg7: memref<128x128xi32, #tpu.memory_space<vmem>>, %arg8: memref<128x128xi32, #tpu.memory_space<vmem>>, %arg9: memref<10240x128xi32, #tpu.memory_space<vmem_shared>>, %arg10: memref<!tpu.dma_semaphore, #tpu.memory_space<semaphore_mem>>, %arg11: memref<!tpu.dma_semaphore, #tpu.memory_space<semaphore_mem>>, %arg12: memref<!tpu.dma_semaphore, #tpu.memory_space<semaphore_mem>>, %arg13: memref<!tpu.dma_semaphore, #tpu.memory_space<semaphore_mem>>, %arg14: memref<!tpu.dma_semaphore, #tpu.memory_space<semaphore_mem>>, %arg15: memref<!tpu.dma_semaphore, #tpu.memory_space<semaphore_mem>>) attributes {dimension_semantics = [#tpu.dimension_semantics<core_parallel>, #tpu.dimension_semantics<subcore_parallel>], iteration_bounds = array<i64: 2, 16>, scalar_prefetch = 0 : i64, scratch_operands = 11 : i64, tpu.core_type = #tpu.core_type<sc_vector_subcore>, window_params = [{transform_indices = #map}, {transform_indices = #map1}, {transform_indices = #map}]} {
    %mul3A = arith.constant 640 : i32
    %mul3A_0 = arith.muli %arg1, %mul3A : i32
    %mul3A_1 = arith.constant 640 : i32
    %mul3A_2 = arith.muli %arg1, %mul3A_1 : i32
    "tpu.region"() ({
      %run_scoped3A = tpu.sem_alloc : memref<!tpu.dma_semaphore, #tpu.memory_space<semaphore_mem>>
      %dma_start3A = arith.constant 0 : i32
      %dma_start3A_12 = tpu.memref_slice %arg9[%mul3A_2, %dma_start3A] : memref<10240x128xi32, #tpu.memory_space<vmem_shared>> -> memref<640x128xi32, #tpu.memory_space<vmem_shared>>
      %dma_start3A_13 = arith.constant 0 : i32
      %dma_start3A_14 = tpu.memref_slice %arg2[%mul3A_0, %dma_start3A_13] : memref<10240x128xi32, #tpu.memory_space<hbm>> -> memref<640x128xi32, #tpu.memory_space<hbm>>
      tpu.enqueue_dma source(%dma_start3A_14 : memref<640x128xi32, #tpu.memory_space<hbm>>) target(%dma_start3A_12 : memref<640x128xi32, #tpu.memory_space<vmem_shared>>) target_semaphore(%run_scoped3A : memref<!tpu.dma_semaphore, #tpu.memory_space<semaphore_mem>>)
      %dma_wait3A = arith.constant 0 : i32
      %dma_wait3A_15 = tpu.memref_slice %arg9[%mul3A_2, %dma_wait3A] : memref<10240x128xi32, #tpu.memory_space<vmem_shared>> -> memref<640x128xi32, #tpu.memory_space<vmem_shared>>
      %dma_wait3A_16 = arith.constant 0 : i32
      %dma_wait3A_17 = tpu.memref_slice %arg2[%mul3A_0, %dma_wait3A_16] : memref<10240x128xi32, #tpu.memory_space<hbm>> -> memref<640x128xi32, #tpu.memory_space<hbm>>
      tpu.wait_dma2 semaphore(%run_scoped3A : memref<!tpu.dma_semaphore, #tpu.memory_space<semaphore_mem>>) src(%dma_wait3A_17 : memref<640x128xi32, #tpu.memory_space<hbm>>) dst(%dma_wait3A_15 : memref<640x128xi32, #tpu.memory_space<vmem_shared>>)
      tpu.yield
    }) : () -> ()
    %barrier3A = arith.constant 0 : index
    tpu.barrier barrier_id(%barrier3A)
    %mul3A_3 = arith.constant 2 : i32
    %mul3A_4 = arith.muli %arg1, %mul3A_3 : i32
    %add3A = arith.addi %mul3A_4, %arg0 : i32
    %mul3A_5 = arith.constant 10240 : i32
    %mul3A_6 = arith.muli %add3A, %mul3A_5 : i32
    %scan3A = arith.constant 0 : i32
    %scan3A_7 = arith.constant 0 : i32
    %scan3A_8 = arith.constant 40 : i32
    %scan3A_9 = arith.addi %scan3A_7, %scan3A_8 : i32
    %scan3A_10 = arith.constant 1 : i32
    scf.for %scan3A_12 = %scan3A_7 to %scan3A_9 step %scan3A_10  : i32 {
      %mul3A_13 = arith.constant 2 : i32
      %mul3A_14 = arith.muli %mul3A_13, %scan3A_12 : i32
      %mul3A_15 = arith.constant 128 : i32
      %mul3A_16 = arith.muli %mul3A_14, %mul3A_15 : i32
      %add3A_17 = arith.addi %mul3A_6, %mul3A_16 : i32
      %multiple_of3A = tpu.assume_multiple %add3A_17, 128 : i32
      %mul3A_18 = arith.constant 2 : i32
      %mul3A_19 = arith.muli %mul3A_18, %scan3A_12 : i32
      %add3A_20 = arith.constant 1 : i32
      %add3A_21 = arith.addi %mul3A_19, %add3A_20 : i32
      %mul3A_22 = arith.constant 128 : i32
      %mul3A_23 = arith.muli %add3A_21, %mul3A_22 : i32
      %add3A_24 = arith.addi %mul3A_6, %mul3A_23 : i32
      %multiple_of3A_25 = tpu.assume_multiple %add3A_24, 128 : i32
      %dma_start3A = tpu.memref_slice %arg3[%multiple_of3A] : memref<327680xi32, #tpu.memory_space<hbm>> -> memref<128xi32, #tpu.memory_space<hbm>>
      %dma_start3A_26 = tpu.memref_slice %arg3[%multiple_of3A] : memref<327680xi32, #tpu.memory_space<hbm>> -> memref<128xi32, #tpu.memory_space<hbm>>
      tpu.enqueue_dma source(%dma_start3A_26 : memref<128xi32, #tpu.memory_space<hbm>>) target(%arg5 : memref<128xi32, #tpu.memory_space<vmem>>) target_semaphore(%arg10 : memref<!tpu.dma_semaphore, #tpu.memory_space<semaphore_mem>>)
      %dma_start3A_27 = tpu.memref_slice %arg3[%multiple_of3A_25] : memref<327680xi32, #tpu.memory_space<hbm>> -> memref<128xi32, #tpu.memory_space<hbm>>
      %dma_start3A_28 = tpu.memref_slice %arg3[%multiple_of3A_25] : memref<327680xi32, #tpu.memory_space<hbm>> -> memref<128xi32, #tpu.memory_space<hbm>>
      tpu.enqueue_dma source(%dma_start3A_28 : memref<128xi32, #tpu.memory_space<hbm>>) target(%arg6 : memref<128xi32, #tpu.memory_space<vmem>>) target_semaphore(%arg11 : memref<!tpu.dma_semaphore, #tpu.memory_space<semaphore_mem>>)
      %dma_wait3A = tpu.memref_slice %arg3[%multiple_of3A] : memref<327680xi32, #tpu.memory_space<hbm>> -> memref<128xi32, #tpu.memory_space<hbm>>
      %dma_wait3A_29 = tpu.memref_slice %arg3[%multiple_of3A] : memref<327680xi32, #tpu.memory_space<hbm>> -> memref<128xi32, #tpu.memory_space<hbm>>
      tpu.wait_dma2 semaphore(%arg10 : memref<!tpu.dma_semaphore, #tpu.memory_space<semaphore_mem>>) src(%dma_wait3A_29 : memref<128xi32, #tpu.memory_space<hbm>>) dst(%arg5 : memref<128xi32, #tpu.memory_space<vmem>>)
      %dma_start3A_30 = arith.constant 0 : i32
      %dma_start3A_31 = arith.constant 0 : i32
      %dma_start3A_32 = tpu.memref_slice %arg9[%dma_start3A_30, %dma_start3A_31] : memref<10240x128xi32, #tpu.memory_space<vmem_shared>> -> memref<10240x128xi32, #tpu.memory_space<vmem_shared>>
      tpu.enqueue_indirect_dma source(%dma_start3A_32 : memref<10240x128xi32, #tpu.memory_space<vmem_shared>>) target(%arg7 : memref<128x128xi32, #tpu.memory_space<vmem>>) offsets(%arg5 : memref<128xi32, #tpu.memory_space<vmem>>) semaphore(%arg12 : memref<!tpu.dma_semaphore, #tpu.memory_space<semaphore_mem>>)
      %dma_wait3A_33 = tpu.memref_slice %arg3[%multiple_of3A_25] : memref<327680xi32, #tpu.memory_space<hbm>> -> memref<128xi32, #tpu.memory_space<hbm>>
      %dma_wait3A_34 = tpu.memref_slice %arg3[%multiple_of3A_25] : memref<327680xi32, #tpu.memory_space<hbm>> -> memref<128xi32, #tpu.memory_space<hbm>>
      tpu.wait_dma2 semaphore(%arg11 : memref<!tpu.dma_semaphore, #tpu.memory_space<semaphore_mem>>) src(%dma_wait3A_34 : memref<128xi32, #tpu.memory_space<hbm>>) dst(%arg6 : memref<128xi32, #tpu.memory_space<vmem>>)
      %dma_start3A_35 = arith.constant 0 : i32
      %dma_start3A_36 = arith.constant 0 : i32
      %dma_start3A_37 = tpu.memref_slice %arg9[%dma_start3A_35, %dma_start3A_36] : memref<10240x128xi32, #tpu.memory_space<vmem_shared>> -> memref<10240x128xi32, #tpu.memory_space<vmem_shared>>
      tpu.enqueue_indirect_dma source(%dma_start3A_37 : memref<10240x128xi32, #tpu.memory_space<vmem_shared>>) target(%arg8 : memref<128x128xi32, #tpu.memory_space<vmem>>) offsets(%arg6 : memref<128xi32, #tpu.memory_space<vmem>>) semaphore(%arg13 : memref<!tpu.dma_semaphore, #tpu.memory_space<semaphore_mem>>)
      %dma_wait3A_38 = arith.constant 0 : i32
      %dma_wait3A_39 = arith.constant 0 : i32
      %dma_wait3A_40 = tpu.memref_slice %arg9[%dma_wait3A_38, %dma_wait3A_39] : memref<10240x128xi32, #tpu.memory_space<vmem_shared>> -> memref<10240x128xi32, #tpu.memory_space<vmem_shared>>
      tpu.wait_indirect_dma semaphore(%arg12 : memref<!tpu.dma_semaphore, #tpu.memory_space<semaphore_mem>>) src(%dma_wait3A_40 : memref<10240x128xi32, #tpu.memory_space<vmem_shared>>) dst(%arg7 : memref<128x128xi32, #tpu.memory_space<vmem>>)
      %dma_start3A_41 = arith.constant 0 : i32
      %dma_start3A_42 = tpu.memref_slice %arg4[%multiple_of3A, %dma_start3A_41] : memref<327680x128xi32, #tpu.memory_space<hbm>> -> memref<128x128xi32, #tpu.memory_space<hbm>>
      %dma_start3A_43 = arith.constant 0 : i32
      %dma_start3A_44 = tpu.memref_slice %arg4[%multiple_of3A, %dma_start3A_43] : memref<327680x128xi32, #tpu.memory_space<hbm>> -> memref<128x128xi32, #tpu.memory_space<hbm>>
      tpu.enqueue_dma source(%arg7 : memref<128x128xi32, #tpu.memory_space<vmem>>) target(%dma_start3A_44 : memref<128x128xi32, #tpu.memory_space<hbm>>) target_semaphore(%arg14 : memref<!tpu.dma_semaphore, #tpu.memory_space<semaphore_mem>>)
      %dma_wait3A_45 = arith.constant 0 : i32
      %dma_wait3A_46 = arith.constant 0 : i32
      %dma_wait3A_47 = tpu.memref_slice %arg9[%dma_wait3A_45, %dma_wait3A_46] : memref<10240x128xi32, #tpu.memory_space<vmem_shared>> -> memref<10240x128xi32, #tpu.memory_space<vmem_shared>>
      tpu.wait_indirect_dma semaphore(%arg13 : memref<!tpu.dma_semaphore, #tpu.memory_space<semaphore_mem>>) src(%dma_wait3A_47 : memref<10240x128xi32, #tpu.memory_space<vmem_shared>>) dst(%arg8 : memref<128x128xi32, #tpu.memory_space<vmem>>)
      %dma_start3A_48 = arith.constant 0 : i32
      %dma_start3A_49 = tpu.memref_slice %arg4[%multiple_of3A_25, %dma_start3A_48] : memref<327680x128xi32, #tpu.memory_space<hbm>> -> memref<128x128xi32, #tpu.memory_space<hbm>>
      %dma_start3A_50 = arith.constant 0 : i32
      %dma_start3A_51 = tpu.memref_slice %arg4[%multiple_of3A_25, %dma_start3A_50] : memref<327680x128xi32, #tpu.memory_space<hbm>> -> memref<128x128xi32, #tpu.memory_space<hbm>>
      tpu.enqueue_dma source(%arg8 : memref<128x128xi32, #tpu.memory_space<vmem>>) target(%dma_start3A_51 : memref<128x128xi32, #tpu.memory_space<hbm>>) target_semaphore(%arg15 : memref<!tpu.dma_semaphore, #tpu.memory_space<semaphore_mem>>)
      %dma_wait3A_52 = arith.constant 0 : i32
      %dma_wait3A_53 = tpu.memref_slice %arg4[%multiple_of3A, %dma_wait3A_52] : memref<327680x128xi32, #tpu.memory_space<hbm>> -> memref<128x128xi32, #tpu.memory_space<hbm>>
      %dma_wait3A_54 = arith.constant 0 : i32
      %dma_wait3A_55 = tpu.memref_slice %arg4[%multiple_of3A, %dma_wait3A_54] : memref<327680x128xi32, #tpu.memory_space<hbm>> -> memref<128x128xi32, #tpu.memory_space<hbm>>
      tpu.wait_dma2 semaphore(%arg14 : memref<!tpu.dma_semaphore, #tpu.memory_space<semaphore_mem>>) src(%arg7 : memref<128x128xi32, #tpu.memory_space<vmem>>) dst(%dma_wait3A_55 : memref<128x128xi32, #tpu.memory_space<hbm>>)
      %dma_wait3A_56 = arith.constant 0 : i32
      %dma_wait3A_57 = tpu.memref_slice %arg4[%multiple_of3A_25, %dma_wait3A_56] : memref<327680x128xi32, #tpu.memory_space<hbm>> -> memref<128x128xi32, #tpu.memory_space<hbm>>
      %dma_wait3A_58 = arith.constant 0 : i32
      %dma_wait3A_59 = tpu.memref_slice %arg4[%multiple_of3A_25, %dma_wait3A_58] : memref<327680x128xi32, #tpu.memory_space<hbm>> -> memref<128x128xi32, #tpu.memory_space<hbm>>
      tpu.wait_dma2 semaphore(%arg15 : memref<!tpu.dma_semaphore, #tpu.memory_space<semaphore_mem>>) src(%arg8 : memref<128x128xi32, #tpu.memory_space<vmem>>) dst(%dma_wait3A_59 : memref<128x128xi32, #tpu.memory_space<hbm>>)
    }
    %scan3A_11 = arith.constant 40 : i32
    return
  }
}

#map = affine_map<(d0, d1) -> (0, 0)>
#map1 = affine_map<(d0, d1) -> (0)>
module attributes {stable_mosaic.version = 14 : i64} {
  func.func @body(%arg0: i32, %arg1: i32, %arg2: memref<327680x128xf32, #tpu.memory_space<hbm>>, %arg3: memref<327680xi32, #tpu.memory_space<hbm>>, %arg4: memref<10240x128xf32, #tpu.memory_space<hbm>>, %arg5: memref<20480x128xf32, #tpu.memory_space<hbm>>, %arg6: memref<128xi32, #tpu.memory_space<vmem>>, %arg7: memref<128xi32, #tpu.memory_space<vmem>>, %arg8: memref<128x128xf32, #tpu.memory_space<vmem>>, %arg9: memref<128x128xf32, #tpu.memory_space<vmem>>, %arg10: memref<10240x128xf32, #tpu.memory_space<vmem_shared>>, %arg11: memref<!tpu.dma_semaphore, #tpu.memory_space<semaphore_mem>>, %arg12: memref<!tpu.dma_semaphore, #tpu.memory_space<semaphore_mem>>, %arg13: memref<!tpu.dma_semaphore, #tpu.memory_space<semaphore_mem>>, %arg14: memref<!tpu.dma_semaphore, #tpu.memory_space<semaphore_mem>>) attributes {dimension_semantics = [#tpu.dimension_semantics<core_parallel>, #tpu.dimension_semantics<subcore_parallel>], iteration_bounds = array<i64: 2, 16>, scalar_prefetch = 0 : i64, scratch_operands = 9 : i64, tpu.core_type = #tpu.core_type<sc_vector_subcore>, window_params = [{transform_indices = #map}, {transform_indices = #map1}, {transform_indices = #map}, {transform_indices = #map}]} {
    %mul3A = arith.constant 640 : i32
    %mul3A_0 = arith.muli %arg1, %mul3A : i32
    "tpu.region"() ({
      %run_scoped3A = tpu.sem_alloc : memref<!tpu.dma_semaphore, #tpu.memory_space<semaphore_mem>>
      %dma_start3A = arith.constant 0 : i32
      %dma_start3A_14 = tpu.memref_slice %arg10[%mul3A_0, %dma_start3A] : memref<10240x128xf32, #tpu.memory_space<vmem_shared>> -> memref<640x128xf32, #tpu.memory_space<vmem_shared>>
      %dma_start3A_15 = arith.constant 0 : i32
      %dma_start3A_16 = tpu.memref_slice %arg4[%mul3A_0, %dma_start3A_15] : memref<10240x128xf32, #tpu.memory_space<hbm>> -> memref<640x128xf32, #tpu.memory_space<hbm>>
      tpu.enqueue_dma source(%dma_start3A_16 : memref<640x128xf32, #tpu.memory_space<hbm>>) target(%dma_start3A_14 : memref<640x128xf32, #tpu.memory_space<vmem_shared>>) target_semaphore(%run_scoped3A : memref<!tpu.dma_semaphore, #tpu.memory_space<semaphore_mem>>)
      %dma_wait3A = arith.constant 0 : i32
      %dma_wait3A_17 = tpu.memref_slice %arg10[%mul3A_0, %dma_wait3A] : memref<10240x128xf32, #tpu.memory_space<vmem_shared>> -> memref<640x128xf32, #tpu.memory_space<vmem_shared>>
      %dma_wait3A_18 = arith.constant 0 : i32
      %dma_wait3A_19 = tpu.memref_slice %arg4[%mul3A_0, %dma_wait3A_18] : memref<10240x128xf32, #tpu.memory_space<hbm>> -> memref<640x128xf32, #tpu.memory_space<hbm>>
      tpu.wait_dma2 semaphore(%run_scoped3A : memref<!tpu.dma_semaphore, #tpu.memory_space<semaphore_mem>>) src(%dma_wait3A_19 : memref<640x128xf32, #tpu.memory_space<hbm>>) dst(%dma_wait3A_17 : memref<640x128xf32, #tpu.memory_space<vmem_shared>>)
      tpu.yield
    }) : () -> ()
    %barrier3A = arith.constant 0 : index
    tpu.barrier barrier_id(%barrier3A)
    %mul3A_1 = arith.constant 2 : i32
    %mul3A_2 = arith.muli %arg1, %mul3A_1 : i32
    %add3A = arith.addi %mul3A_2, %arg0 : i32
    %mul3A_3 = arith.constant 10240 : i32
    %mul3A_4 = arith.muli %add3A, %mul3A_3 : i32
    %scan3A = arith.constant 0 : i32
    %scan3A_5 = arith.constant 0 : i32
    %scan3A_6 = arith.constant 40 : i32
    %scan3A_7 = arith.addi %scan3A_5, %scan3A_6 : i32
    %scan3A_8 = arith.constant 1 : i32
    scf.for %scan3A_14 = %scan3A_5 to %scan3A_7 step %scan3A_8  : i32 {
      %mul3A_15 = arith.constant 2 : i32
      %mul3A_16 = arith.muli %mul3A_15, %scan3A_14 : i32
      %mul3A_17 = arith.constant 128 : i32
      %mul3A_18 = arith.muli %mul3A_16, %mul3A_17 : i32
      %add3A_19 = arith.addi %mul3A_4, %mul3A_18 : i32
      %multiple_of3A = tpu.assume_multiple %add3A_19, 128 : i32
      %mul3A_20 = arith.constant 2 : i32
      %mul3A_21 = arith.muli %mul3A_20, %scan3A_14 : i32
      %add3A_22 = arith.constant 1 : i32
      %add3A_23 = arith.addi %mul3A_21, %add3A_22 : i32
      %mul3A_24 = arith.constant 128 : i32
      %mul3A_25 = arith.muli %add3A_23, %mul3A_24 : i32
      %add3A_26 = arith.addi %mul3A_4, %mul3A_25 : i32
      %multiple_of3A_27 = tpu.assume_multiple %add3A_26, 128 : i32
      %dma_start3A = tpu.memref_slice %arg3[%multiple_of3A] : memref<327680xi32, #tpu.memory_space<hbm>> -> memref<128xi32, #tpu.memory_space<hbm>>
      %dma_start3A_28 = tpu.memref_slice %arg3[%multiple_of3A] : memref<327680xi32, #tpu.memory_space<hbm>> -> memref<128xi32, #tpu.memory_space<hbm>>
      tpu.enqueue_dma source(%dma_start3A_28 : memref<128xi32, #tpu.memory_space<hbm>>) target(%arg6 : memref<128xi32, #tpu.memory_space<vmem>>) target_semaphore(%arg11 : memref<!tpu.dma_semaphore, #tpu.memory_space<semaphore_mem>>)
      %dma_start3A_29 = arith.constant 0 : i32
      %dma_start3A_30 = tpu.memref_slice %arg2[%multiple_of3A, %dma_start3A_29] : memref<327680x128xf32, #tpu.memory_space<hbm>> -> memref<128x128xf32, #tpu.memory_space<hbm>>
      %dma_start3A_31 = arith.constant 0 : i32
      %dma_start3A_32 = tpu.memref_slice %arg2[%multiple_of3A, %dma_start3A_31] : memref<327680x128xf32, #tpu.memory_space<hbm>> -> memref<128x128xf32, #tpu.memory_space<hbm>>
      tpu.enqueue_dma source(%dma_start3A_32 : memref<128x128xf32, #tpu.memory_space<hbm>>) target(%arg8 : memref<128x128xf32, #tpu.memory_space<vmem>>) target_semaphore(%arg13 : memref<!tpu.dma_semaphore, #tpu.memory_space<semaphore_mem>>)
      %dma_start3A_33 = tpu.memref_slice %arg3[%multiple_of3A_27] : memref<327680xi32, #tpu.memory_space<hbm>> -> memref<128xi32, #tpu.memory_space<hbm>>
      %dma_start3A_34 = tpu.memref_slice %arg3[%multiple_of3A_27] : memref<327680xi32, #tpu.memory_space<hbm>> -> memref<128xi32, #tpu.memory_space<hbm>>
      tpu.enqueue_dma source(%dma_start3A_34 : memref<128xi32, #tpu.memory_space<hbm>>) target(%arg7 : memref<128xi32, #tpu.memory_space<vmem>>) target_semaphore(%arg12 : memref<!tpu.dma_semaphore, #tpu.memory_space<semaphore_mem>>)
      %dma_start3A_35 = arith.constant 0 : i32
      %dma_start3A_36 = tpu.memref_slice %arg2[%multiple_of3A_27, %dma_start3A_35] : memref<327680x128xf32, #tpu.memory_space<hbm>> -> memref<128x128xf32, #tpu.memory_space<hbm>>
      %dma_start3A_37 = arith.constant 0 : i32
      %dma_start3A_38 = tpu.memref_slice %arg2[%multiple_of3A_27, %dma_start3A_37] : memref<327680x128xf32, #tpu.memory_space<hbm>> -> memref<128x128xf32, #tpu.memory_space<hbm>>
      tpu.enqueue_dma source(%dma_start3A_38 : memref<128x128xf32, #tpu.memory_space<hbm>>) target(%arg9 : memref<128x128xf32, #tpu.memory_space<vmem>>) target_semaphore(%arg14 : memref<!tpu.dma_semaphore, #tpu.memory_space<semaphore_mem>>)
      %dma_wait3A = tpu.memref_slice %arg3[%multiple_of3A] : memref<327680xi32, #tpu.memory_space<hbm>> -> memref<128xi32, #tpu.memory_space<hbm>>
      %dma_wait3A_39 = tpu.memref_slice %arg3[%multiple_of3A] : memref<327680xi32, #tpu.memory_space<hbm>> -> memref<128xi32, #tpu.memory_space<hbm>>
      tpu.wait_dma2 semaphore(%arg11 : memref<!tpu.dma_semaphore, #tpu.memory_space<semaphore_mem>>) src(%dma_wait3A_39 : memref<128xi32, #tpu.memory_space<hbm>>) dst(%arg6 : memref<128xi32, #tpu.memory_space<vmem>>)
      %dma_wait3A_40 = arith.constant 0 : i32
      %dma_wait3A_41 = tpu.memref_slice %arg2[%multiple_of3A, %dma_wait3A_40] : memref<327680x128xf32, #tpu.memory_space<hbm>> -> memref<128x128xf32, #tpu.memory_space<hbm>>
      %dma_wait3A_42 = arith.constant 0 : i32
      %dma_wait3A_43 = tpu.memref_slice %arg2[%multiple_of3A, %dma_wait3A_42] : memref<327680x128xf32, #tpu.memory_space<hbm>> -> memref<128x128xf32, #tpu.memory_space<hbm>>
      tpu.wait_dma2 semaphore(%arg13 : memref<!tpu.dma_semaphore, #tpu.memory_space<semaphore_mem>>) src(%dma_wait3A_43 : memref<128x128xf32, #tpu.memory_space<hbm>>) dst(%arg8 : memref<128x128xf32, #tpu.memory_space<vmem>>)
      "tpu.region"() ({
        %run_scoped3A = tpu.sem_alloc : memref<!tpu.dma_semaphore, #tpu.memory_space<semaphore_mem>>
        %dma_start3A_50 = arith.constant 0 : i32
        %dma_start3A_51 = arith.constant 0 : i32
        %dma_start3A_52 = tpu.memref_slice %arg10[%dma_start3A_50, %dma_start3A_51] : memref<10240x128xf32, #tpu.memory_space<vmem_shared>> -> memref<10240x128xf32, #tpu.memory_space<vmem_shared>>
        tpu.enqueue_indirect_dma source(%arg8 : memref<128x128xf32, #tpu.memory_space<vmem>>) target(%dma_start3A_52 : memref<10240x128xf32, #tpu.memory_space<vmem_shared>>) offsets(%arg6 : memref<128xi32, #tpu.memory_space<vmem>>) semaphore(%run_scoped3A : memref<!tpu.dma_semaphore, #tpu.memory_space<semaphore_mem>>) {add = true}
        %dma_wait3A_53 = arith.constant 0 : i32
        %dma_wait3A_54 = arith.constant 0 : i32
        %dma_wait3A_55 = tpu.memref_slice %arg10[%dma_wait3A_53, %dma_wait3A_54] : memref<10240x128xf32, #tpu.memory_space<vmem_shared>> -> memref<10240x128xf32, #tpu.memory_space<vmem_shared>>
        tpu.wait_indirect_dma semaphore(%run_scoped3A : memref<!tpu.dma_semaphore, #tpu.memory_space<semaphore_mem>>) src(%arg8 : memref<128x128xf32, #tpu.memory_space<vmem>>) dst(%dma_wait3A_55 : memref<10240x128xf32, #tpu.memory_space<vmem_shared>>)
        tpu.yield
      }) : () -> ()
      %dma_wait3A_44 = tpu.memref_slice %arg3[%multiple_of3A_27] : memref<327680xi32, #tpu.memory_space<hbm>> -> memref<128xi32, #tpu.memory_space<hbm>>
      %dma_wait3A_45 = tpu.memref_slice %arg3[%multiple_of3A_27] : memref<327680xi32, #tpu.memory_space<hbm>> -> memref<128xi32, #tpu.memory_space<hbm>>
      tpu.wait_dma2 semaphore(%arg12 : memref<!tpu.dma_semaphore, #tpu.memory_space<semaphore_mem>>) src(%dma_wait3A_45 : memref<128xi32, #tpu.memory_space<hbm>>) dst(%arg7 : memref<128xi32, #tpu.memory_space<vmem>>)
      %dma_wait3A_46 = arith.constant 0 : i32
      %dma_wait3A_47 = tpu.memref_slice %arg2[%multiple_of3A_27, %dma_wait3A_46] : memref<327680x128xf32, #tpu.memory_space<hbm>> -> memref<128x128xf32, #tpu.memory_space<hbm>>
      %dma_wait3A_48 = arith.constant 0 : i32
      %dma_wait3A_49 = tpu.memref_slice %arg2[%multiple_of3A_27, %dma_wait3A_48] : memref<327680x128xf32, #tpu.memory_space<hbm>> -> memref<128x128xf32, #tpu.memory_space<hbm>>
      tpu.wait_dma2 semaphore(%arg14 : memref<!tpu.dma_semaphore, #tpu.memory_space<semaphore_mem>>) src(%dma_wait3A_49 : memref<128x128xf32, #tpu.memory_space<hbm>>) dst(%arg9 : memref<128x128xf32, #tpu.memory_space<vmem>>)
      "tpu.region"() ({
        %run_scoped3A = tpu.sem_alloc : memref<!tpu.dma_semaphore, #tpu.memory_space<semaphore_mem>>
        %dma_start3A_50 = arith.constant 0 : i32
        %dma_start3A_51 = arith.constant 0 : i32
        %dma_start3A_52 = tpu.memref_slice %arg10[%dma_start3A_50, %dma_start3A_51] : memref<10240x128xf32, #tpu.memory_space<vmem_shared>> -> memref<10240x128xf32, #tpu.memory_space<vmem_shared>>
        tpu.enqueue_indirect_dma source(%arg9 : memref<128x128xf32, #tpu.memory_space<vmem>>) target(%dma_start3A_52 : memref<10240x128xf32, #tpu.memory_space<vmem_shared>>) offsets(%arg7 : memref<128xi32, #tpu.memory_space<vmem>>) semaphore(%run_scoped3A : memref<!tpu.dma_semaphore, #tpu.memory_space<semaphore_mem>>) {add = true}
        %dma_wait3A_53 = arith.constant 0 : i32
        %dma_wait3A_54 = arith.constant 0 : i32
        %dma_wait3A_55 = tpu.memref_slice %arg10[%dma_wait3A_53, %dma_wait3A_54] : memref<10240x128xf32, #tpu.memory_space<vmem_shared>> -> memref<10240x128xf32, #tpu.memory_space<vmem_shared>>
        tpu.wait_indirect_dma semaphore(%run_scoped3A : memref<!tpu.dma_semaphore, #tpu.memory_space<semaphore_mem>>) src(%arg9 : memref<128x128xf32, #tpu.memory_space<vmem>>) dst(%dma_wait3A_55 : memref<10240x128xf32, #tpu.memory_space<vmem_shared>>)
        tpu.yield
      }) : () -> ()
    }
    %scan3A_9 = arith.constant 40 : i32
    %barrier3A_10 = arith.constant 0 : index
    tpu.barrier barrier_id(%barrier3A_10)
    %mul3A_11 = arith.constant 10240 : i32
    %mul3A_12 = arith.muli %arg0, %mul3A_11 : i32
    %add3A_13 = arith.addi %mul3A_12, %mul3A_0 : i32
    "tpu.region"() ({
      %run_scoped3A = tpu.sem_alloc : memref<!tpu.dma_semaphore, #tpu.memory_space<semaphore_mem>>
      %dma_start3A = arith.constant 0 : i32
      %dma_start3A_14 = tpu.memref_slice %arg5[%add3A_13, %dma_start3A] : memref<20480x128xf32, #tpu.memory_space<hbm>> -> memref<640x128xf32, #tpu.memory_space<hbm>>
      %dma_start3A_15 = arith.constant 0 : i32
      %dma_start3A_16 = tpu.memref_slice %arg10[%mul3A_0, %dma_start3A_15] : memref<10240x128xf32, #tpu.memory_space<vmem_shared>> -> memref<640x128xf32, #tpu.memory_space<vmem_shared>>
      tpu.enqueue_dma source(%dma_start3A_16 : memref<640x128xf32, #tpu.memory_space<vmem_shared>>) target(%dma_start3A_14 : memref<640x128xf32, #tpu.memory_space<hbm>>) target_semaphore(%run_scoped3A : memref<!tpu.dma_semaphore, #tpu.memory_space<semaphore_mem>>)
      %dma_wait3A = arith.constant 0 : i32
      %dma_wait3A_17 = tpu.memref_slice %arg5[%add3A_13, %dma_wait3A] : memref<20480x128xf32, #tpu.memory_space<hbm>> -> memref<640x128xf32, #tpu.memory_space<hbm>>
      %dma_wait3A_18 = arith.constant 0 : i32
      %dma_wait3A_19 = tpu.memref_slice %arg10[%mul3A_0, %dma_wait3A_18] : memref<10240x128xf32, #tpu.memory_space<vmem_shared>> -> memref<640x128xf32, #tpu.memory_space<vmem_shared>>
      tpu.wait_dma2 semaphore(%run_scoped3A : memref<!tpu.dma_semaphore, #tpu.memory_space<semaphore_mem>>) src(%dma_wait3A_19 : memref<640x128xf32, #tpu.memory_space<vmem_shared>>) dst(%dma_wait3A_17 : memref<640x128xf32, #tpu.memory_space<hbm>>)
      tpu.yield
    }) : () -> ()
    return
  }
}

#map = affine_map<(d0, d1) -> (0, 0)>
#map1 = affine_map<(d0, d1) -> (0)>
module attributes {stable_mosaic.version = 14 : i64} {
  func.func @body(%arg0: i32, %arg1: i32, %arg2: memref<10240x128xi32, #tpu.memory_space<hbm>>, %arg3: memref<327680xi32, #tpu.memory_space<hbm>>, %arg4: memref<327680x128xi32, #tpu.memory_space<hbm>>, %arg5: memref<128xi32, #tpu.memory_space<vmem>>, %arg6: memref<128xi32, #tpu.memory_space<vmem>>, %arg7: memref<128x128xi32, #tpu.memory_space<vmem>>, %arg8: memref<128x128xi32, #tpu.memory_space<vmem>>, %arg9: memref<10240x128xi32, #tpu.memory_space<vmem_shared>>, %arg10: memref<!tpu.dma_semaphore, #tpu.memory_space<semaphore_mem>>, %arg11: memref<!tpu.dma_semaphore, #tpu.memory_space<semaphore_mem>>, %arg12: memref<!tpu.dma_semaphore, #tpu.memory_space<semaphore_mem>>, %arg13: memref<!tpu.dma_semaphore, #tpu.memory_space<semaphore_mem>>, %arg14: memref<!tpu.dma_semaphore, #tpu.memory_space<semaphore_mem>>, %arg15: memref<!tpu.dma_semaphore, #tpu.memory_space<semaphore_mem>>) attributes {dimension_semantics = [#tpu.dimension_semantics<core_parallel>, #tpu.dimension_semantics<subcore_parallel>], iteration_bounds = array<i64: 2, 16>, scalar_prefetch = 0 : i64, scratch_operands = 11 : i64, tpu.core_type = #tpu.core_type<sc_vector_subcore>, window_params = [{transform_indices = #map}, {transform_indices = #map1}, {transform_indices = #map}]} {
    %mul3A = arith.constant 640 : i32
    %mul3A_0 = arith.muli %arg1, %mul3A : i32
    %mul3A_1 = arith.constant 640 : i32
    %mul3A_2 = arith.muli %arg1, %mul3A_1 : i32
    "tpu.region"() ({
      %run_scoped3A = tpu.sem_alloc : memref<!tpu.dma_semaphore, #tpu.memory_space<semaphore_mem>>
      %dma_start3A = arith.constant 0 : i32
      %dma_start3A_12 = tpu.memref_slice %arg9[%mul3A_2, %dma_start3A] : memref<10240x128xi32, #tpu.memory_space<vmem_shared>> -> memref<640x128xi32, #tpu.memory_space<vmem_shared>>
      %dma_start3A_13 = arith.constant 0 : i32
      %dma_start3A_14 = tpu.memref_slice %arg2[%mul3A_0, %dma_start3A_13] : memref<10240x128xi32, #tpu.memory_space<hbm>> -> memref<640x128xi32, #tpu.memory_space<hbm>>
      tpu.enqueue_dma source(%dma_start3A_14 : memref<640x128xi32, #tpu.memory_space<hbm>>) target(%dma_start3A_12 : memref<640x128xi32, #tpu.memory_space<vmem_shared>>) target_semaphore(%run_scoped3A : memref<!tpu.dma_semaphore, #tpu.memory_space<semaphore_mem>>)
      %dma_wait3A = arith.constant 0 : i32
      %dma_wait3A_15 = tpu.memref_slice %arg9[%mul3A_2, %dma_wait3A] : memref<10240x128xi32, #tpu.memory_space<vmem_shared>> -> memref<640x128xi32, #tpu.memory_space<vmem_shared>>
      %dma_wait3A_16 = arith.constant 0 : i32
      %dma_wait3A_17 = tpu.memref_slice %arg2[%mul3A_0, %dma_wait3A_16] : memref<10240x128xi32, #tpu.memory_space<hbm>> -> memref<640x128xi32, #tpu.memory_space<hbm>>
      tpu.wait_dma2 semaphore(%run_scoped3A : memref<!tpu.dma_semaphore, #tpu.memory_space<semaphore_mem>>) src(%dma_wait3A_17 : memref<640x128xi32, #tpu.memory_space<hbm>>) dst(%dma_wait3A_15 : memref<640x128xi32, #tpu.memory_space<vmem_shared>>)
      tpu.yield
    }) : () -> ()
    %barrier3A = arith.constant 0 : index
    tpu.barrier barrier_id(%barrier3A)
    %mul3A_3 = arith.constant 2 : i32
    %mul3A_4 = arith.muli %arg1, %mul3A_3 : i32
    %add3A = arith.addi %mul3A_4, %arg0 : i32
    %mul3A_5 = arith.constant 10240 : i32
    %mul3A_6 = arith.muli %add3A, %mul3A_5 : i32
    %scan3A = arith.constant 0 : i32
    %scan3A_7 = arith.constant 0 : i32
    %scan3A_8 = arith.constant 40 : i32
    %scan3A_9 = arith.addi %scan3A_7, %scan3A_8 : i32
    %scan3A_10 = arith.constant 1 : i32
    scf.for %scan3A_12 = %scan3A_7 to %scan3A_9 step %scan3A_10  : i32 {
      %mul3A_13 = arith.constant 2 : i32
      %mul3A_14 = arith.muli %mul3A_13, %scan3A_12 : i32
      %mul3A_15 = arith.constant 128 : i32
      %mul3A_16 = arith.muli %mul3A_14, %mul3A_15 : i32
      %add3A_17 = arith.addi %mul3A_6, %mul3A_16 : i32
      %multiple_of3A = tpu.assume_multiple %add3A_17, 128 : i32
      %mul3A_18 = arith.constant 2 : i32
      %mul3A_19 = arith.muli %mul3A_18, %scan3A_12 : i32
      %add3A_20 = arith.constant 1 : i32
      %add3A_21 = arith.addi %mul3A_19, %add3A_20 : i32
      %mul3A_22 = arith.constant 128 : i32
      %mul3A_23 = arith.muli %add3A_21, %mul3A_22 : i32
      %add3A_24 = arith.addi %mul3A_6, %mul3A_23 : i32
      %multiple_of3A_25 = tpu.assume_multiple %add3A_24, 128 : i32
      %dma_start3A = tpu.memref_slice %arg3[%multiple_of3A] : memref<327680xi32, #tpu.memory_space<hbm>> -> memref<128xi32, #tpu.memory_space<hbm>>
      %dma_start3A_26 = tpu.memref_slice %arg3[%multiple_of3A] : memref<327680xi32, #tpu.memory_space<hbm>> -> memref<128xi32, #tpu.memory_space<hbm>>
      tpu.enqueue_dma source(%dma_start3A_26 : memref<128xi32, #tpu.memory_space<hbm>>) target(%arg5 : memref<128xi32, #tpu.memory_space<vmem>>) target_semaphore(%arg10 : memref<!tpu.dma_semaphore, #tpu.memory_space<semaphore_mem>>)
      %dma_start3A_27 = tpu.memref_slice %arg3[%multiple_of3A_25] : memref<327680xi32, #tpu.memory_space<hbm>> -> memref<128xi32, #tpu.memory_space<hbm>>
      %dma_start3A_28 = tpu.memref_slice %arg3[%multiple_of3A_25] : memref<327680xi32, #tpu.memory_space<hbm>> -> memref<128xi32, #tpu.memory_space<hbm>>
      tpu.enqueue_dma source(%dma_start3A_28 : memref<128xi32, #tpu.memory_space<hbm>>) target(%arg6 : memref<128xi32, #tpu.memory_space<vmem>>) target_semaphore(%arg11 : memref<!tpu.dma_semaphore, #tpu.memory_space<semaphore_mem>>)
      %dma_wait3A = tpu.memref_slice %arg3[%multiple_of3A] : memref<327680xi32, #tpu.memory_space<hbm>> -> memref<128xi32, #tpu.memory_space<hbm>>
      %dma_wait3A_29 = tpu.memref_slice %arg3[%multiple_of3A] : memref<327680xi32, #tpu.memory_space<hbm>> -> memref<128xi32, #tpu.memory_space<hbm>>
      tpu.wait_dma2 semaphore(%arg10 : memref<!tpu.dma_semaphore, #tpu.memory_space<semaphore_mem>>) src(%dma_wait3A_29 : memref<128xi32, #tpu.memory_space<hbm>>) dst(%arg5 : memref<128xi32, #tpu.memory_space<vmem>>)
      %dma_start3A_30 = arith.constant 0 : i32
      %dma_start3A_31 = arith.constant 0 : i32
      %dma_start3A_32 = tpu.memref_slice %arg9[%dma_start3A_30, %dma_start3A_31] : memref<10240x128xi32, #tpu.memory_space<vmem_shared>> -> memref<10240x128xi32, #tpu.memory_space<vmem_shared>>
      tpu.enqueue_indirect_dma source(%dma_start3A_32 : memref<10240x128xi32, #tpu.memory_space<vmem_shared>>) target(%arg7 : memref<128x128xi32, #tpu.memory_space<vmem>>) offsets(%arg5 : memref<128xi32, #tpu.memory_space<vmem>>) semaphore(%arg12 : memref<!tpu.dma_semaphore, #tpu.memory_space<semaphore_mem>>)
      %dma_wait3A_33 = tpu.memref_slice %arg3[%multiple_of3A_25] : memref<327680xi32, #tpu.memory_space<hbm>> -> memref<128xi32, #tpu.memory_space<hbm>>
      %dma_wait3A_34 = tpu.memref_slice %arg3[%multiple_of3A_25] : memref<327680xi32, #tpu.memory_space<hbm>> -> memref<128xi32, #tpu.memory_space<hbm>>
      tpu.wait_dma2 semaphore(%arg11 : memref<!tpu.dma_semaphore, #tpu.memory_space<semaphore_mem>>) src(%dma_wait3A_34 : memref<128xi32, #tpu.memory_space<hbm>>) dst(%arg6 : memref<128xi32, #tpu.memory_space<vmem>>)
      %dma_start3A_35 = arith.constant 0 : i32
      %dma_start3A_36 = arith.constant 0 : i32
      %dma_start3A_37 = tpu.memref_slice %arg9[%dma_start3A_35, %dma_start3A_36] : memref<10240x128xi32, #tpu.memory_space<vmem_shared>> -> memref<10240x128xi32, #tpu.memory_space<vmem_shared>>
      tpu.enqueue_indirect_dma source(%dma_start3A_37 : memref<10240x128xi32, #tpu.memory_space<vmem_shared>>) target(%arg8 : memref<128x128xi32, #tpu.memory_space<vmem>>) offsets(%arg6 : memref<128xi32, #tpu.memory_space<vmem>>) semaphore(%arg13 : memref<!tpu.dma_semaphore, #tpu.memory_space<semaphore_mem>>)
      %dma_wait3A_38 = arith.constant 0 : i32
      %dma_wait3A_39 = arith.constant 0 : i32
      %dma_wait3A_40 = tpu.memref_slice %arg9[%dma_wait3A_38, %dma_wait3A_39] : memref<10240x128xi32, #tpu.memory_space<vmem_shared>> -> memref<10240x128xi32, #tpu.memory_space<vmem_shared>>
      tpu.wait_indirect_dma semaphore(%arg12 : memref<!tpu.dma_semaphore, #tpu.memory_space<semaphore_mem>>) src(%dma_wait3A_40 : memref<10240x128xi32, #tpu.memory_space<vmem_shared>>) dst(%arg7 : memref<128x128xi32, #tpu.memory_space<vmem>>)
      %dma_start3A_41 = arith.constant 0 : i32
      %dma_start3A_42 = tpu.memref_slice %arg4[%multiple_of3A, %dma_start3A_41] : memref<327680x128xi32, #tpu.memory_space<hbm>> -> memref<128x128xi32, #tpu.memory_space<hbm>>
      %dma_start3A_43 = arith.constant 0 : i32
      %dma_start3A_44 = tpu.memref_slice %arg4[%multiple_of3A, %dma_start3A_43] : memref<327680x128xi32, #tpu.memory_space<hbm>> -> memref<128x128xi32, #tpu.memory_space<hbm>>
      tpu.enqueue_dma source(%arg7 : memref<128x128xi32, #tpu.memory_space<vmem>>) target(%dma_start3A_44 : memref<128x128xi32, #tpu.memory_space<hbm>>) target_semaphore(%arg14 : memref<!tpu.dma_semaphore, #tpu.memory_space<semaphore_mem>>)
      %dma_wait3A_45 = arith.constant 0 : i32
      %dma_wait3A_46 = arith.constant 0 : i32
      %dma_wait3A_47 = tpu.memref_slice %arg9[%dma_wait3A_45, %dma_wait3A_46] : memref<10240x128xi32, #tpu.memory_space<vmem_shared>> -> memref<10240x128xi32, #tpu.memory_space<vmem_shared>>
      tpu.wait_indirect_dma semaphore(%arg13 : memref<!tpu.dma_semaphore, #tpu.memory_space<semaphore_mem>>) src(%dma_wait3A_47 : memref<10240x128xi32, #tpu.memory_space<vmem_shared>>) dst(%arg8 : memref<128x128xi32, #tpu.memory_space<vmem>>)
      %dma_start3A_48 = arith.constant 0 : i32
      %dma_start3A_49 = tpu.memref_slice %arg4[%multiple_of3A_25, %dma_start3A_48] : memref<327680x128xi32, #tpu.memory_space<hbm>> -> memref<128x128xi32, #tpu.memory_space<hbm>>
      %dma_start3A_50 = arith.constant 0 : i32
      %dma_start3A_51 = tpu.memref_slice %arg4[%multiple_of3A_25, %dma_start3A_50] : memref<327680x128xi32, #tpu.memory_space<hbm>> -> memref<128x128xi32, #tpu.memory_space<hbm>>
      tpu.enqueue_dma source(%arg8 : memref<128x128xi32, #tpu.memory_space<vmem>>) target(%dma_start3A_51 : memref<128x128xi32, #tpu.memory_space<hbm>>) target_semaphore(%arg15 : memref<!tpu.dma_semaphore, #tpu.memory_space<semaphore_mem>>)
      %dma_wait3A_52 = arith.constant 0 : i32
      %dma_wait3A_53 = tpu.memref_slice %arg4[%multiple_of3A, %dma_wait3A_52] : memref<327680x128xi32, #tpu.memory_space<hbm>> -> memref<128x128xi32, #tpu.memory_space<hbm>>
      %dma_wait3A_54 = arith.constant 0 : i32
      %dma_wait3A_55 = tpu.memref_slice %arg4[%multiple_of3A, %dma_wait3A_54] : memref<327680x128xi32, #tpu.memory_space<hbm>> -> memref<128x128xi32, #tpu.memory_space<hbm>>
      tpu.wait_dma2 semaphore(%arg14 : memref<!tpu.dma_semaphore, #tpu.memory_space<semaphore_mem>>) src(%arg7 : memref<128x128xi32, #tpu.memory_space<vmem>>) dst(%dma_wait3A_55 : memref<128x128xi32, #tpu.memory_space<hbm>>)
      %dma_wait3A_56 = arith.constant 0 : i32
      %dma_wait3A_57 = tpu.memref_slice %arg4[%multiple_of3A_25, %dma_wait3A_56] : memref<327680x128xi32, #tpu.memory_space<hbm>> -> memref<128x128xi32, #tpu.memory_space<hbm>>
      %dma_wait3A_58 = arith.constant 0 : i32
      %dma_wait3A_59 = tpu.memref_slice %arg4[%multiple_of3A_25, %dma_wait3A_58] : memref<327680x128xi32, #tpu.memory_space<hbm>> -> memref<128x128xi32, #tpu.memory_space<hbm>>
      tpu.wait_dma2 semaphore(%arg15 : memref<!tpu.dma_semaphore, #tpu.memory_space<semaphore_mem>>) src(%arg8 : memref<128x128xi32, #tpu.memory_space<vmem>>) dst(%dma_wait3A_59 : memref<128x128xi32, #tpu.memory_space<hbm>>)
    }
    %scan3A_11 = arith.constant 40 : i32
    return
  }
}

#map = affine_map<(d0, d1) -> (0, 0)>
#map1 = affine_map<(d0, d1) -> (0)>
module attributes {stable_mosaic.version = 14 : i64} {
  func.func @body(%arg0: i32, %arg1: i32, %arg2: memref<327680x128xf32, #tpu.memory_space<hbm>>, %arg3: memref<327680xi32, #tpu.memory_space<hbm>>, %arg4: memref<10240x128xf32, #tpu.memory_space<hbm>>, %arg5: memref<20480x128xf32, #tpu.memory_space<hbm>>, %arg6: memref<128xi32, #tpu.memory_space<vmem>>, %arg7: memref<128xi32, #tpu.memory_space<vmem>>, %arg8: memref<128x128xf32, #tpu.memory_space<vmem>>, %arg9: memref<128x128xf32, #tpu.memory_space<vmem>>, %arg10: memref<10240x128xf32, #tpu.memory_space<vmem_shared>>, %arg11: memref<!tpu.dma_semaphore, #tpu.memory_space<semaphore_mem>>, %arg12: memref<!tpu.dma_semaphore, #tpu.memory_space<semaphore_mem>>, %arg13: memref<!tpu.dma_semaphore, #tpu.memory_space<semaphore_mem>>, %arg14: memref<!tpu.dma_semaphore, #tpu.memory_space<semaphore_mem>>) attributes {dimension_semantics = [#tpu.dimension_semantics<core_parallel>, #tpu.dimension_semantics<subcore_parallel>], iteration_bounds = array<i64: 2, 16>, scalar_prefetch = 0 : i64, scratch_operands = 9 : i64, tpu.core_type = #tpu.core_type<sc_vector_subcore>, window_params = [{transform_indices = #map}, {transform_indices = #map1}, {transform_indices = #map}, {transform_indices = #map}]} {
    %mul3A = arith.constant 640 : i32
    %mul3A_0 = arith.muli %arg1, %mul3A : i32
    "tpu.region"() ({
      %run_scoped3A = tpu.sem_alloc : memref<!tpu.dma_semaphore, #tpu.memory_space<semaphore_mem>>
      %dma_start3A = arith.constant 0 : i32
      %dma_start3A_14 = tpu.memref_slice %arg10[%mul3A_0, %dma_start3A] : memref<10240x128xf32, #tpu.memory_space<vmem_shared>> -> memref<640x128xf32, #tpu.memory_space<vmem_shared>>
      %dma_start3A_15 = arith.constant 0 : i32
      %dma_start3A_16 = tpu.memref_slice %arg4[%mul3A_0, %dma_start3A_15] : memref<10240x128xf32, #tpu.memory_space<hbm>> -> memref<640x128xf32, #tpu.memory_space<hbm>>
      tpu.enqueue_dma source(%dma_start3A_16 : memref<640x128xf32, #tpu.memory_space<hbm>>) target(%dma_start3A_14 : memref<640x128xf32, #tpu.memory_space<vmem_shared>>) target_semaphore(%run_scoped3A : memref<!tpu.dma_semaphore, #tpu.memory_space<semaphore_mem>>)
      %dma_wait3A = arith.constant 0 : i32
      %dma_wait3A_17 = tpu.memref_slice %arg10[%mul3A_0, %dma_wait3A] : memref<10240x128xf32, #tpu.memory_space<vmem_shared>> -> memref<640x128xf32, #tpu.memory_space<vmem_shared>>
      %dma_wait3A_18 = arith.constant 0 : i32
      %dma_wait3A_19 = tpu.memref_slice %arg4[%mul3A_0, %dma_wait3A_18] : memref<10240x128xf32, #tpu.memory_space<hbm>> -> memref<640x128xf32, #tpu.memory_space<hbm>>
      tpu.wait_dma2 semaphore(%run_scoped3A : memref<!tpu.dma_semaphore, #tpu.memory_space<semaphore_mem>>) src(%dma_wait3A_19 : memref<640x128xf32, #tpu.memory_space<hbm>>) dst(%dma_wait3A_17 : memref<640x128xf32, #tpu.memory_space<vmem_shared>>)
      tpu.yield
    }) : () -> ()
    %barrier3A = arith.constant 0 : index
    tpu.barrier barrier_id(%barrier3A)
    %mul3A_1 = arith.constant 2 : i32
    %mul3A_2 = arith.muli %arg1, %mul3A_1 : i32
    %add3A = arith.addi %mul3A_2, %arg0 : i32
    %mul3A_3 = arith.constant 10240 : i32
    %mul3A_4 = arith.muli %add3A, %mul3A_3 : i32
    %scan3A = arith.constant 0 : i32
    %scan3A_5 = arith.constant 0 : i32
    %scan3A_6 = arith.constant 40 : i32
    %scan3A_7 = arith.addi %scan3A_5, %scan3A_6 : i32
    %scan3A_8 = arith.constant 1 : i32
    scf.for %scan3A_14 = %scan3A_5 to %scan3A_7 step %scan3A_8  : i32 {
      %mul3A_15 = arith.constant 2 : i32
      %mul3A_16 = arith.muli %mul3A_15, %scan3A_14 : i32
      %mul3A_17 = arith.constant 128 : i32
      %mul3A_18 = arith.muli %mul3A_16, %mul3A_17 : i32
      %add3A_19 = arith.addi %mul3A_4, %mul3A_18 : i32
      %multiple_of3A = tpu.assume_multiple %add3A_19, 128 : i32
      %mul3A_20 = arith.constant 2 : i32
      %mul3A_21 = arith.muli %mul3A_20, %scan3A_14 : i32
      %add3A_22 = arith.constant 1 : i32
      %add3A_23 = arith.addi %mul3A_21, %add3A_22 : i32
      %mul3A_24 = arith.constant 128 : i32
      %mul3A_25 = arith.muli %add3A_23, %mul3A_24 : i32
      %add3A_26 = arith.addi %mul3A_4, %mul3A_25 : i32
      %multiple_of3A_27 = tpu.assume_multiple %add3A_26, 128 : i32
      %dma_start3A = tpu.memref_slice %arg3[%multiple_of3A] : memref<327680xi32, #tpu.memory_space<hbm>> -> memref<128xi32, #tpu.memory_space<hbm>>
      %dma_start3A_28 = tpu.memref_slice %arg3[%multiple_of3A] : memref<327680xi32, #tpu.memory_space<hbm>> -> memref<128xi32, #tpu.memory_space<hbm>>
      tpu.enqueue_dma source(%dma_start3A_28 : memref<128xi32, #tpu.memory_space<hbm>>) target(%arg6 : memref<128xi32, #tpu.memory_space<vmem>>) target_semaphore(%arg11 : memref<!tpu.dma_semaphore, #tpu.memory_space<semaphore_mem>>)
      %dma_start3A_29 = arith.constant 0 : i32
      %dma_start3A_30 = tpu.memref_slice %arg2[%multiple_of3A, %dma_start3A_29] : memref<327680x128xf32, #tpu.memory_space<hbm>> -> memref<128x128xf32, #tpu.memory_space<hbm>>
      %dma_start3A_31 = arith.constant 0 : i32
      %dma_start3A_32 = tpu.memref_slice %arg2[%multiple_of3A, %dma_start3A_31] : memref<327680x128xf32, #tpu.memory_space<hbm>> -> memref<128x128xf32, #tpu.memory_space<hbm>>
      tpu.enqueue_dma source(%dma_start3A_32 : memref<128x128xf32, #tpu.memory_space<hbm>>) target(%arg8 : memref<128x128xf32, #tpu.memory_space<vmem>>) target_semaphore(%arg13 : memref<!tpu.dma_semaphore, #tpu.memory_space<semaphore_mem>>)
      %dma_start3A_33 = tpu.memref_slice %arg3[%multiple_of3A_27] : memref<327680xi32, #tpu.memory_space<hbm>> -> memref<128xi32, #tpu.memory_space<hbm>>
      %dma_start3A_34 = tpu.memref_slice %arg3[%multiple_of3A_27] : memref<327680xi32, #tpu.memory_space<hbm>> -> memref<128xi32, #tpu.memory_space<hbm>>
      tpu.enqueue_dma source(%dma_start3A_34 : memref<128xi32, #tpu.memory_space<hbm>>) target(%arg7 : memref<128xi32, #tpu.memory_space<vmem>>) target_semaphore(%arg12 : memref<!tpu.dma_semaphore, #tpu.memory_space<semaphore_mem>>)
      %dma_start3A_35 = arith.constant 0 : i32
      %dma_start3A_36 = tpu.memref_slice %arg2[%multiple_of3A_27, %dma_start3A_35] : memref<327680x128xf32, #tpu.memory_space<hbm>> -> memref<128x128xf32, #tpu.memory_space<hbm>>
      %dma_start3A_37 = arith.constant 0 : i32
      %dma_start3A_38 = tpu.memref_slice %arg2[%multiple_of3A_27, %dma_start3A_37] : memref<327680x128xf32, #tpu.memory_space<hbm>> -> memref<128x128xf32, #tpu.memory_space<hbm>>
      tpu.enqueue_dma source(%dma_start3A_38 : memref<128x128xf32, #tpu.memory_space<hbm>>) target(%arg9 : memref<128x128xf32, #tpu.memory_space<vmem>>) target_semaphore(%arg14 : memref<!tpu.dma_semaphore, #tpu.memory_space<semaphore_mem>>)
      %dma_wait3A = tpu.memref_slice %arg3[%multiple_of3A] : memref<327680xi32, #tpu.memory_space<hbm>> -> memref<128xi32, #tpu.memory_space<hbm>>
      %dma_wait3A_39 = tpu.memref_slice %arg3[%multiple_of3A] : memref<327680xi32, #tpu.memory_space<hbm>> -> memref<128xi32, #tpu.memory_space<hbm>>
      tpu.wait_dma2 semaphore(%arg11 : memref<!tpu.dma_semaphore, #tpu.memory_space<semaphore_mem>>) src(%dma_wait3A_39 : memref<128xi32, #tpu.memory_space<hbm>>) dst(%arg6 : memref<128xi32, #tpu.memory_space<vmem>>)
      %dma_wait3A_40 = arith.constant 0 : i32
      %dma_wait3A_41 = tpu.memref_slice %arg2[%multiple_of3A, %dma_wait3A_40] : memref<327680x128xf32, #tpu.memory_space<hbm>> -> memref<128x128xf32, #tpu.memory_space<hbm>>
      %dma_wait3A_42 = arith.constant 0 : i32
      %dma_wait3A_43 = tpu.memref_slice %arg2[%multiple_of3A, %dma_wait3A_42] : memref<327680x128xf32, #tpu.memory_space<hbm>> -> memref<128x128xf32, #tpu.memory_space<hbm>>
      tpu.wait_dma2 semaphore(%arg13 : memref<!tpu.dma_semaphore, #tpu.memory_space<semaphore_mem>>) src(%dma_wait3A_43 : memref<128x128xf32, #tpu.memory_space<hbm>>) dst(%arg8 : memref<128x128xf32, #tpu.memory_space<vmem>>)
      "tpu.region"() ({
        %run_scoped3A = tpu.sem_alloc : memref<!tpu.dma_semaphore, #tpu.memory_space<semaphore_mem>>
        %dma_start3A_50 = arith.constant 0 : i32
        %dma_start3A_51 = arith.constant 0 : i32
        %dma_start3A_52 = tpu.memref_slice %arg10[%dma_start3A_50, %dma_start3A_51] : memref<10240x128xf32, #tpu.memory_space<vmem_shared>> -> memref<10240x128xf32, #tpu.memory_space<vmem_shared>>
        tpu.enqueue_indirect_dma source(%arg8 : memref<128x128xf32, #tpu.memory_space<vmem>>) target(%dma_start3A_52 : memref<10240x128xf32, #tpu.memory_space<vmem_shared>>) offsets(%arg6 : memref<128xi32, #tpu.memory_space<vmem>>) semaphore(%run_scoped3A : memref<!tpu.dma_semaphore, #tpu.memory_space<semaphore_mem>>) {add = true}
        %dma_wait3A_53 = arith.constant 0 : i32
        %dma_wait3A_54 = arith.constant 0 : i32
        %dma_wait3A_55 = tpu.memref_slice %arg10[%dma_wait3A_53, %dma_wait3A_54] : memref<10240x128xf32, #tpu.memory_space<vmem_shared>> -> memref<10240x128xf32, #tpu.memory_space<vmem_shared>>
        tpu.wait_indirect_dma semaphore(%run_scoped3A : memref<!tpu.dma_semaphore, #tpu.memory_space<semaphore_mem>>) src(%arg8 : memref<128x128xf32, #tpu.memory_space<vmem>>) dst(%dma_wait3A_55 : memref<10240x128xf32, #tpu.memory_space<vmem_shared>>)
        tpu.yield
      }) : () -> ()
      %dma_wait3A_44 = tpu.memref_slice %arg3[%multiple_of3A_27] : memref<327680xi32, #tpu.memory_space<hbm>> -> memref<128xi32, #tpu.memory_space<hbm>>
      %dma_wait3A_45 = tpu.memref_slice %arg3[%multiple_of3A_27] : memref<327680xi32, #tpu.memory_space<hbm>> -> memref<128xi32, #tpu.memory_space<hbm>>
      tpu.wait_dma2 semaphore(%arg12 : memref<!tpu.dma_semaphore, #tpu.memory_space<semaphore_mem>>) src(%dma_wait3A_45 : memref<128xi32, #tpu.memory_space<hbm>>) dst(%arg7 : memref<128xi32, #tpu.memory_space<vmem>>)
      %dma_wait3A_46 = arith.constant 0 : i32
      %dma_wait3A_47 = tpu.memref_slice %arg2[%multiple_of3A_27, %dma_wait3A_46] : memref<327680x128xf32, #tpu.memory_space<hbm>> -> memref<128x128xf32, #tpu.memory_space<hbm>>
      %dma_wait3A_48 = arith.constant 0 : i32
      %dma_wait3A_49 = tpu.memref_slice %arg2[%multiple_of3A_27, %dma_wait3A_48] : memref<327680x128xf32, #tpu.memory_space<hbm>> -> memref<128x128xf32, #tpu.memory_space<hbm>>
      tpu.wait_dma2 semaphore(%arg14 : memref<!tpu.dma_semaphore, #tpu.memory_space<semaphore_mem>>) src(%dma_wait3A_49 : memref<128x128xf32, #tpu.memory_space<hbm>>) dst(%arg9 : memref<128x128xf32, #tpu.memory_space<vmem>>)
      "tpu.region"() ({
        %run_scoped3A = tpu.sem_alloc : memref<!tpu.dma_semaphore, #tpu.memory_space<semaphore_mem>>
        %dma_start3A_50 = arith.constant 0 : i32
        %dma_start3A_51 = arith.constant 0 : i32
        %dma_start3A_52 = tpu.memref_slice %arg10[%dma_start3A_50, %dma_start3A_51] : memref<10240x128xf32, #tpu.memory_space<vmem_shared>> -> memref<10240x128xf32, #tpu.memory_space<vmem_shared>>
        tpu.enqueue_indirect_dma source(%arg9 : memref<128x128xf32, #tpu.memory_space<vmem>>) target(%dma_start3A_52 : memref<10240x128xf32, #tpu.memory_space<vmem_shared>>) offsets(%arg7 : memref<128xi32, #tpu.memory_space<vmem>>) semaphore(%run_scoped3A : memref<!tpu.dma_semaphore, #tpu.memory_space<semaphore_mem>>) {add = true}
        %dma_wait3A_53 = arith.constant 0 : i32
        %dma_wait3A_54 = arith.constant 0 : i32
        %dma_wait3A_55 = tpu.memref_slice %arg10[%dma_wait3A_53, %dma_wait3A_54] : memref<10240x128xf32, #tpu.memory_space<vmem_shared>> -> memref<10240x128xf32, #tpu.memory_space<vmem_shared>>
        tpu.wait_indirect_dma semaphore(%run_scoped3A : memref<!tpu.dma_semaphore, #tpu.memory_space<semaphore_mem>>) src(%arg9 : memref<128x128xf32, #tpu.memory_space<vmem>>) dst(%dma_wait3A_55 : memref<10240x128xf32, #tpu.memory_space<vmem_shared>>)
        tpu.yield
      }) : () -> ()
    }
    %scan3A_9 = arith.constant 40 : i32
    %barrier3A_10 = arith.constant 0 : index
    tpu.barrier barrier_id(%barrier3A_10)
    %mul3A_11 = arith.constant 10240 : i32
    %mul3A_12 = arith.muli %arg0, %mul3A_11 : i32
    %add3A_13 = arith.addi %mul3A_12, %mul3A_0 : i32
    "tpu.region"() ({
      %run_scoped3A = tpu.sem_alloc : memref<!tpu.dma_semaphore, #tpu.memory_space<semaphore_mem>>
      %dma_start3A = arith.constant 0 : i32
      %dma_start3A_14 = tpu.memref_slice %arg5[%add3A_13, %dma_start3A] : memref<20480x128xf32, #tpu.memory_space<hbm>> -> memref<640x128xf32, #tpu.memory_space<hbm>>
      %dma_start3A_15 = arith.constant 0 : i32
      %dma_start3A_16 = tpu.memref_slice %arg10[%mul3A_0, %dma_start3A_15] : memref<10240x128xf32, #tpu.memory_space<vmem_shared>> -> memref<640x128xf32, #tpu.memory_space<vmem_shared>>
      tpu.enqueue_dma source(%dma_start3A_16 : memref<640x128xf32, #tpu.memory_space<vmem_shared>>) target(%dma_start3A_14 : memref<640x128xf32, #tpu.memory_space<hbm>>) target_semaphore(%run_scoped3A : memref<!tpu.dma_semaphore, #tpu.memory_space<semaphore_mem>>)
      %dma_wait3A = arith.constant 0 : i32
      %dma_wait3A_17 = tpu.memref_slice %arg5[%add3A_13, %dma_wait3A] : memref<20480x128xf32, #tpu.memory_space<hbm>> -> memref<640x128xf32, #tpu.memory_space<hbm>>
      %dma_wait3A_18 = arith.constant 0 : i32
      %dma_wait3A_19 = tpu.memref_slice %arg10[%mul3A_0, %dma_wait3A_18] : memref<10240x128xf32, #tpu.memory_space<vmem_shared>> -> memref<640x128xf32, #tpu.memory_space<vmem_shared>>
      tpu.wait_dma2 semaphore(%run_scoped3A : memref<!tpu.dma_semaphore, #tpu.memory_space<semaphore_mem>>) src(%dma_wait3A_19 : memref<640x128xf32, #tpu.memory_space<vmem_shared>>) dst(%dma_wait3A_17 : memref<640x128xf32, #tpu.memory_space<hbm>>)
      tpu.yield
    }) : () -> ()
    return
  }
}

module attributes {stable_mosaic.version = 14 : i64} {
  func.func @body(%arg0: i32, %arg1: memref<2048x128xf32, #tpu.memory_space<vmem>>, %arg2: memref<128x128xf32, #tpu.memory_space<vmem>>, %arg3: memref<1x128xf32, #tpu.memory_space<vmem>>, %arg4: memref<128x128xf32, #tpu.memory_space<vmem>>, %arg5: memref<1x128xf32, #tpu.memory_space<vmem>>, %arg6: memref<2048x128xi32, #tpu.memory_space<vmem>>) attributes {dimension_semantics = [#tpu.dimension_semantics<arbitrary>], iteration_bounds = array<i64: 5>, scalar_prefetch = 0 : i64, scratch_operands = 0 : i64, tpu.core_type = #tpu.core_type<tc>, window_params = [{transform_indices = @transform_0, window_bounds = array<i64: 2048, 128>}, {pipeline_mode = #tpu.pipeline_mode<synchronous>, transform_indices = @transform_1, window_bounds = array<i64: 128, 128>}, {pipeline_mode = #tpu.pipeline_mode<synchronous>, transform_indices = @transform_2, window_bounds = array<i64: 1, 128>}, {pipeline_mode = #tpu.pipeline_mode<synchronous>, transform_indices = @transform_3, window_bounds = array<i64: 128, 128>}, {pipeline_mode = #tpu.pipeline_mode<synchronous>, transform_indices = @transform_4, window_bounds = array<i64: 1, 128>}, {transform_indices = @transform_5, window_bounds = array<i64: 2048, 128>}]} {
    %get3A = arith.constant 0 : index
    %get3A_0 = arith.constant 0 : index
    %get3A_1 = vector.load %arg1[%get3A, %get3A_0] : memref<2048x128xf32, #tpu.memory_space<vmem>>, vector<2048x128xf32>
    %get3A_2 = arith.constant 0 : index
    %get3A_3 = arith.constant 0 : index
    %get3A_4 = vector.load %arg2[%get3A_2, %get3A_3] : memref<128x128xf32, #tpu.memory_space<vmem>>, vector<128x128xf32>
    %dot_general3A = arith.constant dense<0.000000e+00> : vector<2048x128xf32>
    %dot_general3A_5 = tpu.matmul %get3A_1, %get3A_4, %dot_general3A {dimension_numbers = #tpu.dot_dimension_numbers<[1], [0], [0], [1], [0, 0, 1, 1], [], []>, transpose_lhs_hint = false} : vector<2048x128xf32>, vector<128x128xf32>, vector<2048x128xf32> -> vector<2048x128xf32>
    %get3A_6 = arith.constant 0 : index
    %get3A_7 = arith.constant 0 : index
    %get3A_8 = vector.load %arg3[%get3A_6, %get3A_7] : memref<1x128xf32, #tpu.memory_space<vmem>>, vector<1x128xf32>
    %add3A = vector.broadcast %get3A_8 : vector<1x128xf32> to vector<2048x128xf32>
    %add3A_9 = arith.addf %dot_general3A_5, %add3A : vector<2048x128xf32>
    %get3A_10 = arith.constant 0 : index
    %get3A_11 = arith.constant 0 : index
    %get3A_12 = vector.load %arg4[%get3A_10, %get3A_11] : memref<128x128xf32, #tpu.memory_space<vmem>>, vector<128x128xf32>
    %dot_general3A_13 = arith.constant dense<0.000000e+00> : vector<2048x128xf32>
    %dot_general3A_14 = tpu.matmul %get3A_1, %get3A_12, %dot_general3A_13 {dimension_numbers = #tpu.dot_dimension_numbers<[1], [0], [0], [1], [0, 0, 1, 1], [], []>, transpose_lhs_hint = false} : vector<2048x128xf32>, vector<128x128xf32>, vector<2048x128xf32> -> vector<2048x128xf32>
    %get3A_15 = arith.constant 0 : index
    %get3A_16 = arith.constant 0 : index
    %get3A_17 = vector.load %arg5[%get3A_15, %get3A_16] : memref<1x128xf32, #tpu.memory_space<vmem>>, vector<1x128xf32>
    %add3A_18 = vector.broadcast %get3A_17 : vector<1x128xf32> to vector<2048x128xf32>
    %add3A_19 = arith.addf %dot_general3A_14, %add3A_18 : vector<2048x128xf32>
    %jit3A = arith.constant -6.000000e+04 : f32
    %jit3A_20 = arith.constant 6.000000e+04 : f32
    %max3A = vector.broadcast %jit3A : f32 to vector<2048x128xf32>
    %max3A_21 = arith.maximumf %max3A, %add3A_9 : vector<2048x128xf32>
    %min3A = vector.broadcast %jit3A_20 : f32 to vector<2048x128xf32>
    %min3A_22 = arith.minimumf %min3A, %max3A_21 : vector<2048x128xf32>
    %bitcast_convert_type3A = tpu.bitcast %min3A_22 : vector<2048x128xf32> -> vector<2048x128xi32>
    %shift_right_logical3A = arith.constant 16 : i32
    %shift_right_logical3A_23 = vector.broadcast %shift_right_logical3A : i32 to vector<2048x128xi32>
    %shift_right_logical3A_24 = arith.shrui %bitcast_convert_type3A, %shift_right_logical3A_23 : vector<2048x128xi32>
    %and3A = arith.constant 32768 : i32
    %and3A_25 = vector.broadcast %and3A : i32 to vector<2048x128xi32>
    %and3A_26 = arith.andi %shift_right_logical3A_24, %and3A_25 : vector<2048x128xi32>
    %and3A_27 = arith.constant 2147483647 : i32
    %and3A_28 = vector.broadcast %and3A_27 : i32 to vector<2048x128xi32>
    %and3A_29 = arith.andi %bitcast_convert_type3A, %and3A_28 : vector<2048x128xi32>
    %add3A_30 = arith.constant 4095 : i32
    %add3A_31 = vector.broadcast %add3A_30 : i32 to vector<2048x128xi32>
    %add3A_32 = arith.addi %and3A_29, %add3A_31 : vector<2048x128xi32>
    %shift_right_logical3A_33 = arith.constant 13 : i32
    %shift_right_logical3A_34 = vector.broadcast %shift_right_logical3A_33 : i32 to vector<2048x128xi32>
    %shift_right_logical3A_35 = arith.shrui %and3A_29, %shift_right_logical3A_34 : vector<2048x128xi32>
    %and3A_36 = arith.constant 1 : i32
    %and3A_37 = vector.broadcast %and3A_36 : i32 to vector<2048x128xi32>
    %and3A_38 = arith.andi %shift_right_logical3A_35, %and3A_37 : vector<2048x128xi32>
    %add3A_39 = arith.addi %add3A_32, %and3A_38 : vector<2048x128xi32>
    %shift_right_logical3A_40 = arith.constant 13 : i32
    %shift_right_logical3A_41 = vector.broadcast %shift_right_logical3A_40 : i32 to vector<2048x128xi32>
    %shift_right_logical3A_42 = arith.shrui %add3A_39, %shift_right_logical3A_41 : vector<2048x128xi32>
    %sub3A = arith.constant 114688 : i32
    %sub3A_43 = vector.broadcast %sub3A : i32 to vector<2048x128xi32>
    %sub3A_44 = arith.subi %shift_right_logical3A_42, %sub3A_43 : vector<2048x128xi32>
    %lt3A = arith.constant 947912704 : i32
    %lt3A_45 = vector.broadcast %lt3A : i32 to vector<2048x128xi32>
    %lt3A_46 = arith.cmpi ult, %and3A_29, %lt3A_45 : vector<2048x128xi32>
    %jit3A_47 = arith.constant 0 : i32
    %broadcast_in_dim3A = vector.broadcast %jit3A_47 : i32 to vector<2048x128xi32>
    %select_n3A = arith.select %lt3A_46, %broadcast_in_dim3A, %sub3A_44 : vector<2048x128xi1>, vector<2048x128xi32>
    %or3A = arith.ori %and3A_26, %select_n3A : vector<2048x128xi32>
    %jit3A_48 = arith.constant -6.000000e+04 : f32
    %jit3A_49 = arith.constant 6.000000e+04 : f32
    %max3A_50 = vector.broadcast %jit3A_48 : f32 to vector<2048x128xf32>
    %max3A_51 = arith.maximumf %max3A_50, %add3A_19 : vector<2048x128xf32>
    %min3A_52 = vector.broadcast %jit3A_49 : f32 to vector<2048x128xf32>
    %min3A_53 = arith.minimumf %min3A_52, %max3A_51 : vector<2048x128xf32>
    %bitcast_convert_type3A_54 = tpu.bitcast %min3A_53 : vector<2048x128xf32> -> vector<2048x128xi32>
    %shift_right_logical3A_55 = arith.constant 16 : i32
    %shift_right_logical3A_56 = vector.broadcast %shift_right_logical3A_55 : i32 to vector<2048x128xi32>
    %shift_right_logical3A_57 = arith.shrui %bitcast_convert_type3A_54, %shift_right_logical3A_56 : vector<2048x128xi32>
    %and3A_58 = arith.constant 32768 : i32
    %and3A_59 = vector.broadcast %and3A_58 : i32 to vector<2048x128xi32>
    %and3A_60 = arith.andi %shift_right_logical3A_57, %and3A_59 : vector<2048x128xi32>
    %and3A_61 = arith.constant 2147483647 : i32
    %and3A_62 = vector.broadcast %and3A_61 : i32 to vector<2048x128xi32>
    %and3A_63 = arith.andi %bitcast_convert_type3A_54, %and3A_62 : vector<2048x128xi32>
    %add3A_64 = arith.constant 4095 : i32
    %add3A_65 = vector.broadcast %add3A_64 : i32 to vector<2048x128xi32>
    %add3A_66 = arith.addi %and3A_63, %add3A_65 : vector<2048x128xi32>
    %shift_right_logical3A_67 = arith.constant 13 : i32
    %shift_right_logical3A_68 = vector.broadcast %shift_right_logical3A_67 : i32 to vector<2048x128xi32>
    %shift_right_logical3A_69 = arith.shrui %and3A_63, %shift_right_logical3A_68 : vector<2048x128xi32>
    %and3A_70 = arith.constant 1 : i32
    %and3A_71 = vector.broadcast %and3A_70 : i32 to vector<2048x128xi32>
    %and3A_72 = arith.andi %shift_right_logical3A_69, %and3A_71 : vector<2048x128xi32>
    %add3A_73 = arith.addi %add3A_66, %and3A_72 : vector<2048x128xi32>
    %shift_right_logical3A_74 = arith.constant 13 : i32
    %shift_right_logical3A_75 = vector.broadcast %shift_right_logical3A_74 : i32 to vector<2048x128xi32>
    %shift_right_logical3A_76 = arith.shrui %add3A_73, %shift_right_logical3A_75 : vector<2048x128xi32>
    %sub3A_77 = arith.constant 114688 : i32
    %sub3A_78 = vector.broadcast %sub3A_77 : i32 to vector<2048x128xi32>
    %sub3A_79 = arith.subi %shift_right_logical3A_76, %sub3A_78 : vector<2048x128xi32>
    %lt3A_80 = arith.constant 947912704 : i32
    %lt3A_81 = vector.broadcast %lt3A_80 : i32 to vector<2048x128xi32>
    %lt3A_82 = arith.cmpi ult, %and3A_63, %lt3A_81 : vector<2048x128xi32>
    %jit3A_83 = arith.constant 0 : i32
    %broadcast_in_dim3A_84 = vector.broadcast %jit3A_83 : i32 to vector<2048x128xi32>
    %select_n3A_85 = arith.select %lt3A_82, %broadcast_in_dim3A_84, %sub3A_79 : vector<2048x128xi1>, vector<2048x128xi32>
    %or3A_86 = arith.ori %and3A_60, %select_n3A_85 : vector<2048x128xi32>
    %shift_left3A = arith.constant 16 : i32
    %shift_left3A_87 = vector.broadcast %shift_left3A : i32 to vector<2048x128xi32>
    %shift_left3A_88 = arith.shli %or3A_86, %shift_left3A_87 : vector<2048x128xi32>
    %or3A_89 = arith.ori %or3A, %shift_left3A_88 : vector<2048x128xi32>
    %bitcast_convert_type3A_90 = tpu.bitcast %or3A_89 : vector<2048x128xi32> -> vector<2048x128xi32>
    %swap3A = arith.constant 0 : index
    %swap3A_91 = arith.constant 0 : index
    %swap3A_92 = vector.load %arg6[%swap3A, %swap3A_91] : memref<2048x128xi32, #tpu.memory_space<vmem>>, vector<2048x128xi32>
    tpu.vector_store %arg6[%swap3A, %swap3A_91], %bitcast_convert_type3A_90 {strides = array<i32>} : memref<2048x128xi32, #tpu.memory_space<vmem>>, vector<2048x128xi32>,
    return
  }
  func.func @transform_0(%arg0: i32) -> (i32, i32) {
    %c0_i32 = arith.constant 0 : i32
    %c0_i32_0 = arith.constant 0 : i32
    return %arg0, %c0_i32 : i32, i32
  }
  func.func @transform_1(%arg0: i32) -> (i32, i32) {
    %c0_i32 = arith.constant 0 : i32
    %c0_i32_0 = arith.constant 0 : i32
    %c0_i32_1 = arith.constant 0 : i32
    return %c0_i32, %c0_i32_0 : i32, i32
  }
  func.func @transform_2(%arg0: i32) -> (i32, i32) {
    %c0_i32 = arith.constant 0 : i32
    %c0_i32_0 = arith.constant 0 : i32
    %c0_i32_1 = arith.constant 0 : i32
    return %c0_i32, %c0_i32_0 : i32, i32
  }
  func.func @transform_3(%arg0: i32) -> (i32, i32) {
    %c0_i32 = arith.constant 0 : i32
    %c0_i32_0 = arith.constant 0 : i32
    %c0_i32_1 = arith.constant 0 : i32
    return %c0_i32, %c0_i32_0 : i32, i32
  }
  func.func @transform_4(%arg0: i32) -> (i32, i32) {
    %c0_i32 = arith.constant 0 : i32
    %c0_i32_0 = arith.constant 0 : i32
    %c0_i32_1 = arith.constant 0 : i32
    return %c0_i32, %c0_i32_0 : i32, i32
  }
  func.func @transform_5(%arg0: i32) -> (i32, i32) {
    %c0_i32 = arith.constant 0 : i32
    %c0_i32_0 = arith.constant 0 : i32
    return %arg0, %c0_i32 : i32, i32
  }
}

module attributes {stable_mosaic.version = 14 : i64} {
  func.func @body(%arg0: i32, %arg1: memref<2048x128xi32, #tpu.memory_space<vmem>>, %arg2: memref<2048x16xf32, #tpu.memory_space<vmem>>, %arg3: memref<16x128xf32, #tpu.memory_space<vmem>>, %arg4: memref<1x128xf32, #tpu.memory_space<vmem>>, %arg5: memref<16x128xf32, #tpu.memory_space<vmem>>, %arg6: memref<1x128xf32, #tpu.memory_space<vmem>>, %arg7: memref<2048x128xf32, #tpu.memory_space<vmem>>) attributes {dimension_semantics = [#tpu.dimension_semantics<arbitrary>], iteration_bounds = array<i64: 160>, scalar_prefetch = 0 : i64, scratch_operands = 0 : i64, tpu.core_type = #tpu.core_type<tc>, window_params = [{transform_indices = @transform_0, window_bounds = array<i64: 2048, 128>}, {transform_indices = @transform_1, window_bounds = array<i64: 2048, 16>}, {pipeline_mode = #tpu.pipeline_mode<synchronous>, transform_indices = @transform_2, window_bounds = array<i64: 16, 128>}, {pipeline_mode = #tpu.pipeline_mode<synchronous>, transform_indices = @transform_3, window_bounds = array<i64: 1, 128>}, {pipeline_mode = #tpu.pipeline_mode<synchronous>, transform_indices = @transform_4, window_bounds = array<i64: 16, 128>}, {pipeline_mode = #tpu.pipeline_mode<synchronous>, transform_indices = @transform_5, window_bounds = array<i64: 1, 128>}, {transform_indices = @transform_6, window_bounds = array<i64: 2048, 128>}]} {
    %get3A = arith.constant 0 : index
    %get3A_0 = arith.constant 0 : index
    %get3A_1 = vector.load %arg2[%get3A, %get3A_0] : memref<2048x16xf32, #tpu.memory_space<vmem>>, vector<2048x16xf32>
    %get3A_2 = arith.constant 0 : index
    %get3A_3 = arith.constant 0 : index
    %get3A_4 = vector.load %arg1[%get3A_2, %get3A_3] : memref<2048x128xi32, #tpu.memory_space<vmem>>, vector<2048x128xi32>
    %bitcast_convert_type3A = tpu.bitcast %get3A_4 : vector<2048x128xi32> -> vector<2048x128xi32>
    %and3A = arith.constant 32768 : i32
    %and3A_5 = vector.broadcast %and3A : i32 to vector<2048x128xi32>
    %and3A_6 = arith.andi %bitcast_convert_type3A, %and3A_5 : vector<2048x128xi32>
    %shift_left3A = arith.constant 16 : i32
    %shift_left3A_7 = vector.broadcast %shift_left3A : i32 to vector<2048x128xi32>
    %shift_left3A_8 = arith.shli %and3A_6, %shift_left3A_7 : vector<2048x128xi32>
    %and3A_9 = arith.constant 32767 : i32
    %and3A_10 = vector.broadcast %and3A_9 : i32 to vector<2048x128xi32>
    %and3A_11 = arith.andi %bitcast_convert_type3A, %and3A_10 : vector<2048x128xi32>
    %eq3A = arith.constant 0 : i32
    %eq3A_12 = vector.broadcast %eq3A : i32 to vector<2048x128xi32>
    %eq3A_13 = arith.cmpi eq, %and3A_11, %eq3A_12 : vector<2048x128xi32>
    %shift_left3A_14 = arith.constant 13 : i32
    %shift_left3A_15 = vector.broadcast %shift_left3A_14 : i32 to vector<2048x128xi32>
    %shift_left3A_16 = arith.shli %and3A_11, %shift_left3A_15 : vector<2048x128xi32>
    %add3A = arith.constant 939524096 : i32
    %add3A_17 = vector.broadcast %add3A : i32 to vector<2048x128xi32>
    %add3A_18 = arith.addi %shift_left3A_16, %add3A_17 : vector<2048x128xi32>
    %jit3A = arith.constant 0 : i32
    %broadcast_in_dim3A = vector.broadcast %jit3A : i32 to vector<2048x128xi32>
    %select_n3A = arith.select %eq3A_13, %broadcast_in_dim3A, %add3A_18 : vector<2048x128xi1>, vector<2048x128xi32>
    %or3A = arith.ori %shift_left3A_8, %select_n3A : vector<2048x128xi32>
    %bitcast_convert_type3A_19 = tpu.bitcast %or3A : vector<2048x128xi32> -> vector<2048x128xf32>
    %shift_right_logical3A = arith.constant 16 : i32
    %shift_right_logical3A_20 = vector.broadcast %shift_right_logical3A : i32 to vector<2048x128xi32>
    %shift_right_logical3A_21 = arith.shrui %bitcast_convert_type3A, %shift_right_logical3A_20 : vector<2048x128xi32>
    %and3A_22 = arith.constant 32768 : i32
    %and3A_23 = vector.broadcast %and3A_22 : i32 to vector<2048x128xi32>
    %and3A_24 = arith.andi %shift_right_logical3A_21, %and3A_23 : vector<2048x128xi32>
    %shift_left3A_25 = arith.constant 16 : i32
    %shift_left3A_26 = vector.broadcast %shift_left3A_25 : i32 to vector<2048x128xi32>
    %shift_left3A_27 = arith.shli %and3A_24, %shift_left3A_26 : vector<2048x128xi32>
    %and3A_28 = arith.constant 32767 : i32
    %and3A_29 = vector.broadcast %and3A_28 : i32 to vector<2048x128xi32>
    %and3A_30 = arith.andi %shift_right_logical3A_21, %and3A_29 : vector<2048x128xi32>
    %eq3A_31 = arith.constant 0 : i32
    %eq3A_32 = vector.broadcast %eq3A_31 : i32 to vector<2048x128xi32>
    %eq3A_33 = arith.cmpi eq, %and3A_30, %eq3A_32 : vector<2048x128xi32>
    %shift_left3A_34 = arith.constant 13 : i32
    %shift_left3A_35 = vector.broadcast %shift_left3A_34 : i32 to vector<2048x128xi32>
    %shift_left3A_36 = arith.shli %and3A_30, %shift_left3A_35 : vector<2048x128xi32>
    %add3A_37 = arith.constant 939524096 : i32
    %add3A_38 = vector.broadcast %add3A_37 : i32 to vector<2048x128xi32>
    %add3A_39 = arith.addi %shift_left3A_36, %add3A_38 : vector<2048x128xi32>
    %jit3A_40 = arith.constant 0 : i32
    %broadcast_in_dim3A_41 = vector.broadcast %jit3A_40 : i32 to vector<2048x128xi32>
    %select_n3A_42 = arith.select %eq3A_33, %broadcast_in_dim3A_41, %add3A_39 : vector<2048x128xi1>, vector<2048x128xi32>
    %or3A_43 = arith.ori %shift_left3A_27, %select_n3A_42 : vector<2048x128xi32>
    %bitcast_convert_type3A_44 = tpu.bitcast %or3A_43 : vector<2048x128xi32> -> vector<2048x128xf32>
    %get3A_45 = arith.constant 0 : index
    %get3A_46 = arith.constant 0 : index
    %get3A_47 = vector.load %arg3[%get3A_45, %get3A_46] : memref<16x128xf32, #tpu.memory_space<vmem>>, vector<16x128xf32>
    %dot_general3A = arith.constant dense<0.000000e+00> : vector<2048x128xf32>
    %dot_general3A_48 = tpu.matmul %get3A_1, %get3A_47, %dot_general3A {dimension_numbers = #tpu.dot_dimension_numbers<[1], [0], [0], [1], [0, 0, 1, 1], [], []>, transpose_lhs_hint = false} : vector<2048x16xf32>, vector<16x128xf32>, vector<2048x128xf32> -> vector<2048x128xf32>
    %get3A_49 = arith.constant 0 : index
    %get3A_50 = arith.constant 0 : index
    %get3A_51 = vector.load %arg4[%get3A_49, %get3A_50] : memref<1x128xf32, #tpu.memory_space<vmem>>, vector<1x128xf32>
    %add3A_52 = vector.broadcast %get3A_51 : vector<1x128xf32> to vector<2048x128xf32>
    %add3A_53 = arith.addf %dot_general3A_48, %add3A_52 : vector<2048x128xf32>
    %add3A_54 = arith.addf %bitcast_convert_type3A_19, %add3A_53 : vector<2048x128xf32>
    %get3A_55 = arith.constant 0 : index
    %get3A_56 = arith.constant 0 : index
    %get3A_57 = vector.load %arg5[%get3A_55, %get3A_56] : memref<16x128xf32, #tpu.memory_space<vmem>>, vector<16x128xf32>
    %dot_general3A_58 = arith.constant dense<0.000000e+00> : vector<2048x128xf32>
    %dot_general3A_59 = tpu.matmul %get3A_1, %get3A_57, %dot_general3A_58 {dimension_numbers = #tpu.dot_dimension_numbers<[1], [0], [0], [1], [0, 0, 1, 1], [], []>, transpose_lhs_hint = false} : vector<2048x16xf32>, vector<16x128xf32>, vector<2048x128xf32> -> vector<2048x128xf32>
    %get3A_60 = arith.constant 0 : index
    %get3A_61 = arith.constant 0 : index
    %get3A_62 = vector.load %arg6[%get3A_60, %get3A_61] : memref<1x128xf32, #tpu.memory_space<vmem>>, vector<1x128xf32>
    %add3A_63 = vector.broadcast %get3A_62 : vector<1x128xf32> to vector<2048x128xf32>
    %add3A_64 = arith.addf %dot_general3A_59, %add3A_63 : vector<2048x128xf32>
    %add3A_65 = arith.addf %bitcast_convert_type3A_44, %add3A_64 : vector<2048x128xf32>
    %mul3A = arith.constant -1.44269502 : f32
    %mul3A_66 = vector.broadcast %mul3A : f32 to vector<2048x128xf32>
    %mul3A_67 = arith.mulf %add3A_54, %mul3A_66 : vector<2048x128xf32>
    %exp23A = math.exp2 %mul3A_67 : vector<2048x128xf32>
    %add3A_68 = arith.constant 1.000000e+00 : f32
    %add3A_69 = vector.broadcast %add3A_68 : f32 to vector<2048x128xf32>
    %add3A_70 = arith.addf %add3A_69, %exp23A : vector<2048x128xf32>
    %div3A = arith.constant 1.000000e+00 : f32
    %div3A_71 = vector.broadcast %div3A : f32 to vector<2048x128xf32>
    %div3A_72 = arith.divf %div3A_71, %add3A_70 : vector<2048x128xf32>
    %abs3A = math.absf %add3A_65 : vector<2048x128xf32>
    %mul3A_73 = arith.constant -1.44269502 : f32
    %mul3A_74 = vector.broadcast %mul3A_73 : f32 to vector<2048x128xf32>
    %mul3A_75 = arith.mulf %abs3A, %mul3A_74 : vector<2048x128xf32>
    %exp23A_76 = math.exp2 %mul3A_75 : vector<2048x128xf32>
    %max3A = arith.constant 0.000000e+00 : f32
    %max3A_77 = vector.broadcast %max3A : f32 to vector<2048x128xf32>
    %max3A_78 = arith.maximumf %add3A_65, %max3A_77 : vector<2048x128xf32>
    %add3A_79 = arith.constant 1.000000e+00 : f32
    %add3A_80 = vector.broadcast %add3A_79 : f32 to vector<2048x128xf32>
    %add3A_81 = arith.addf %add3A_80, %exp23A_76 : vector<2048x128xf32>
    %log3A = math.log %add3A_81 : vector<2048x128xf32>
    %log3A_82 = arith.constant 2.000000e+00 : f32
    %log3A_83 = math.log %log3A_82 : f32
    %div3A_84 = vector.broadcast %log3A_83 : f32 to vector<2048x128xf32>
    %div3A_85 = arith.divf %log3A, %div3A_84 : vector<2048x128xf32>
    %mul3A_86 = arith.constant 0.693147182 : f32
    %mul3A_87 = vector.broadcast %mul3A_86 : f32 to vector<2048x128xf32>
    %mul3A_88 = arith.mulf %div3A_85, %mul3A_87 : vector<2048x128xf32>
    %add3A_89 = arith.addf %max3A_78, %mul3A_88 : vector<2048x128xf32>
    %mul3A_90 = arith.mulf %div3A_72, %add3A_89 : vector<2048x128xf32>
    %mul3A_91 = arith.constant 2048 : i32
    %mul3A_92 = arith.muli %arg0, %mul3A_91 : i32
    %iota3A = tpu.iota {dimensions = array<i32: 0>} : vector<2048x1xi32>
    %add3A_93 = vector.broadcast %mul3A_92 : i32 to vector<2048x1xi32>
    %add3A_94 = arith.addi %add3A_93, %iota3A : vector<2048x1xi32>
    %lt3A = arith.constant 320000 : i32
    %lt3A_95 = vector.broadcast %lt3A : i32 to vector<2048x1xi32>
    %lt3A_96 = arith.cmpi slt, %add3A_94, %lt3A_95 : vector<2048x1xi32>
    %jit3A_97 = arith.constant 0.000000e+00 : f32
    %broadcast_in_dim3A_98 = vector.shape_cast %lt3A_96 : vector<2048x1xi1> to vector<2048x1xi1>
    %broadcast_in_dim3A_99 = vector.broadcast %broadcast_in_dim3A_98 : vector<2048x1xi1> to vector<2048x128xi1>
    %broadcast_in_dim3A_100 = vector.broadcast %jit3A_97 : f32 to vector<2048x128xf32>
    %select_n3A_101 = arith.select %broadcast_in_dim3A_99, %mul3A_90, %broadcast_in_dim3A_100 : vector<2048x128xi1>, vector<2048x128xf32>
    %swap3A = arith.constant 0 : index
    %swap3A_102 = arith.constant 0 : index
    %swap3A_103 = vector.load %arg7[%swap3A, %swap3A_102] : memref<2048x128xf32, #tpu.memory_space<vmem>>, vector<2048x128xf32>
    tpu.vector_store %arg7[%swap3A, %swap3A_102], %select_n3A_101 {strides = array<i32>} : memref<2048x128xf32, #tpu.memory_space<vmem>>, vector<2048x128xf32>,
    return
  }
  func.func @transform_0(%arg0: i32) -> (i32, i32) {
    %c0_i32 = arith.constant 0 : i32
    %c0_i32_0 = arith.constant 0 : i32
    return %arg0, %c0_i32 : i32, i32
  }
  func.func @transform_1(%arg0: i32) -> (i32, i32) {
    %c0_i32 = arith.constant 0 : i32
    %c0_i32_0 = arith.constant 0 : i32
    return %arg0, %c0_i32 : i32, i32
  }
  func.func @transform_2(%arg0: i32) -> (i32, i32) {
    %c0_i32 = arith.constant 0 : i32
    %c0_i32_0 = arith.constant 0 : i32
    %c0_i32_1 = arith.constant 0 : i32
    return %c0_i32, %c0_i32_0 : i32, i32
  }
  func.func @transform_3(%arg0: i32) -> (i32, i32) {
    %c0_i32 = arith.constant 0 : i32
    %c0_i32_0 = arith.constant 0 : i32
    %c0_i32_1 = arith.constant 0 : i32
    return %c0_i32, %c0_i32_0 : i32, i32
  }
  func.func @transform_4(%arg0: i32) -> (i32, i32) {
    %c0_i32 = arith.constant 0 : i32
    %c0_i32_0 = arith.constant 0 : i32
    %c0_i32_1 = arith.constant 0 : i32
    return %c0_i32, %c0_i32_0 : i32, i32
  }
  func.func @transform_5(%arg0: i32) -> (i32, i32) {
    %c0_i32 = arith.constant 0 : i32
    %c0_i32_0 = arith.constant 0 : i32
    %c0_i32_1 = arith.constant 0 : i32
    return %c0_i32, %c0_i32_0 : i32, i32
  }
  func.func @transform_6(%arg0: i32) -> (i32, i32) {
    %c0_i32 = arith.constant 0 : i32
    %c0_i32_0 = arith.constant 0 : i32
    return %arg0, %c0_i32 : i32, i32
  }
}

module attributes {stable_mosaic.version = 14 : i64} {
  func.func @body(%arg0: i32, %arg1: memref<2000x128xf32, #tpu.memory_space<vmem>>, %arg2: memref<2000x128xf32, #tpu.memory_space<vmem>>, %arg3: memref<2000x128xf32, #tpu.memory_space<vmem>>, %arg4: memref<8x128xf32, #tpu.memory_space<vmem>>) attributes {dimension_semantics = [#tpu.dimension_semantics<arbitrary>], iteration_bounds = array<i64: 5>, scalar_prefetch = 0 : i64, scratch_operands = 0 : i64, tpu.core_type = #tpu.core_type<tc>, window_params = [{transform_indices = @transform_0, window_bounds = array<i64: 2000, 128>}, {transform_indices = @transform_1, window_bounds = array<i64: 2000, 128>}, {transform_indices = @transform_2, window_bounds = array<i64: 2000, 128>}, {pipeline_mode = #tpu.pipeline_mode<synchronous>, transform_indices = @transform_3, window_bounds = array<i64: 8, 128>}]} {
    %get3A = arith.constant 0 : index
    %get3A_0 = arith.constant 0 : index
    %get3A_1 = vector.load %arg1[%get3A, %get3A_0] : memref<2000x128xf32, #tpu.memory_space<vmem>>, vector<2000x128xf32>
    %get3A_2 = arith.constant 0 : index
    %get3A_3 = arith.constant 0 : index
    %get3A_4 = vector.load %arg2[%get3A_2, %get3A_3] : memref<2000x128xf32, #tpu.memory_space<vmem>>, vector<2000x128xf32>
    %add3A = arith.addf %get3A_1, %get3A_4 : vector<2000x128xf32>
    %swap3A = arith.constant 0 : index
    %swap3A_5 = arith.constant 0 : index
    %swap3A_6 = vector.load %arg3[%swap3A, %swap3A_5] : memref<2000x128xf32, #tpu.memory_space<vmem>>, vector<2000x128xf32>
    tpu.vector_store %arg3[%swap3A, %swap3A_5], %add3A {strides = array<i32>} : memref<2000x128xf32, #tpu.memory_space<vmem>>, vector<2000x128xf32>,
    %eq3A = arith.constant 0 : i32
    %eq3A_7 = arith.cmpi eq, %arg0, %eq3A : i32
    %convert_element_type3A = arith.extui %eq3A_7 : i1 to i32
    %cond3A = arith.constant 0 : i32
    %cond3A_8 = arith.cmpi ne, %convert_element_type3A, %cond3A : i32
    scf.if %cond3A_8 {
      %broadcast_in_dim3A_27 = arith.constant 0.000000e+00 : f32
      %broadcast_in_dim3A_28 = vector.broadcast %broadcast_in_dim3A_27 : f32 to vector<8x128xf32>
      %swap3A_29 = arith.constant 0 : index
      %swap3A_30 = arith.constant 0 : index
      %swap3A_31 = vector.load %arg4[%swap3A_29, %swap3A_30] : memref<8x128xf32, #tpu.memory_space<vmem>>, vector<8x128xf32>
      tpu.vector_store %arg4[%swap3A_29, %swap3A_30], %broadcast_in_dim3A_28 {strides = array<i32>} : memref<8x128xf32, #tpu.memory_space<vmem>>, vector<8x128xf32>,
    } else {
    }
    %get3A_9 = arith.constant 0 : index
    %get3A_10 = arith.constant 0 : index
    %get3A_11 = vector.load %arg4[%get3A_9, %get3A_10] : memref<8x128xf32, #tpu.memory_space<vmem>>, vector<1x128xf32>
    %reduce_sum3A = arith.constant dense<0.000000e+00> : vector<128xf32>
    %reduce_sum3A_12 = vector.multi_reduction <add>, %add3A, %reduce_sum3A [0] : vector<2000x128xf32> to vector<128xf32>
    %broadcast_in_dim3A = vector.shape_cast %reduce_sum3A_12 : vector<128xf32> to vector<1x128xf32>
    %add3A_13 = arith.addf %get3A_11, %broadcast_in_dim3A : vector<1x128xf32>
    %swap3A_14 = arith.constant 0 : index
    %swap3A_15 = arith.constant 0 : index
    %swap3A_16 = vector.load %arg4[%swap3A_14, %swap3A_15] : memref<8x128xf32, #tpu.memory_space<vmem>>, vector<1x128xf32>
    tpu.vector_store %arg4[%swap3A_14, %swap3A_15], %add3A_13 {strides = array<i32>} : memref<8x128xf32, #tpu.memory_space<vmem>>, vector<1x128xf32>,
    %get3A_17 = arith.constant 1 : index
    %get3A_18 = arith.constant 0 : index
    %get3A_19 = vector.load %arg4[%get3A_17, %get3A_18] : memref<8x128xf32, #tpu.memory_space<vmem>>, vector<1x128xf32>
    %mul3A = arith.mulf %add3A, %add3A : vector<2000x128xf32>
    %reduce_sum3A_20 = arith.constant dense<0.000000e+00> : vector<128xf32>
    %reduce_sum3A_21 = vector.multi_reduction <add>, %mul3A, %reduce_sum3A_20 [0] : vector<2000x128xf32> to vector<128xf32>
    %broadcast_in_dim3A_22 = vector.shape_cast %reduce_sum3A_21 : vector<128xf32> to vector<1x128xf32>
    %add3A_23 = arith.addf %get3A_19, %broadcast_in_dim3A_22 : vector<1x128xf32>
    %swap3A_24 = arith.constant 1 : index
    %swap3A_25 = arith.constant 0 : index
    %swap3A_26 = vector.load %arg4[%swap3A_24, %swap3A_25] : memref<8x128xf32, #tpu.memory_space<vmem>>, vector<1x128xf32>
    tpu.vector_store %arg4[%swap3A_24, %swap3A_25], %add3A_23 {strides = array<i32>} : memref<8x128xf32, #tpu.memory_space<vmem>>, vector<1x128xf32>,
    return
  }
  func.func @transform_0(%arg0: i32) -> (i32, i32) {
    %c0_i32 = arith.constant 0 : i32
    %c0_i32_0 = arith.constant 0 : i32
    return %arg0, %c0_i32 : i32, i32
  }
  func.func @transform_1(%arg0: i32) -> (i32, i32) {
    %c0_i32 = arith.constant 0 : i32
    %c0_i32_0 = arith.constant 0 : i32
    return %arg0, %c0_i32 : i32, i32
  }
  func.func @transform_2(%arg0: i32) -> (i32, i32) {
    %c0_i32 = arith.constant 0 : i32
    %c0_i32_0 = arith.constant 0 : i32
    return %arg0, %c0_i32 : i32, i32
  }
  func.func @transform_3(%arg0: i32) -> (i32, i32) {
    %c0_i32 = arith.constant 0 : i32
    %c0_i32_0 = arith.constant 0 : i32
    %c0_i32_1 = arith.constant 0 : i32
    return %c0_i32, %c0_i32_0 : i32, i32
  }
}

module attributes {stable_mosaic.version = 14 : i64} {
  func.func @body(%arg0: i32, %arg1: memref<2000x128xf32, #tpu.memory_space<vmem>>, %arg2: memref<8x128xf32, #tpu.memory_space<vmem>>, %arg3: memref<1x128xf32, #tpu.memory_space<vmem>>, %arg4: memref<1x128xf32, #tpu.memory_space<vmem>>, %arg5: memref<2000x128xf32, #tpu.memory_space<vmem>>, %arg6: memref<2000x128xf32, #tpu.memory_space<vmem>>) attributes {dimension_semantics = [#tpu.dimension_semantics<arbitrary>], iteration_bounds = array<i64: 5>, scalar_prefetch = 0 : i64, scratch_operands = 0 : i64, tpu.core_type = #tpu.core_type<tc>, window_params = [{transform_indices = @transform_0, window_bounds = array<i64: 2000, 128>}, {pipeline_mode = #tpu.pipeline_mode<synchronous>, transform_indices = @transform_1, window_bounds = array<i64: 8, 128>}, {pipeline_mode = #tpu.pipeline_mode<synchronous>, transform_indices = @transform_2, window_bounds = array<i64: 1, 128>}, {pipeline_mode = #tpu.pipeline_mode<synchronous>, transform_indices = @transform_3, window_bounds = array<i64: 1, 128>}, {transform_indices = @transform_4, window_bounds = array<i64: 2000, 128>}, {transform_indices = @transform_5, window_bounds = array<i64: 2000, 128>}]} {
    %get3A = arith.constant 0 : index
    %get3A_0 = arith.constant 0 : index
    %get3A_1 = vector.load %arg2[%get3A, %get3A_0] : memref<8x128xf32, #tpu.memory_space<vmem>>, vector<1x128xf32>
    %div3A = arith.constant 1.000000e+04 : f32
    %div3A_2 = vector.broadcast %div3A : f32 to vector<1x128xf32>
    %div3A_3 = arith.divf %get3A_1, %div3A_2 : vector<1x128xf32>
    %get3A_4 = arith.constant 1 : index
    %get3A_5 = arith.constant 0 : index
    %get3A_6 = vector.load %arg2[%get3A_4, %get3A_5] : memref<8x128xf32, #tpu.memory_space<vmem>>, vector<1x128xf32>
    %div3A_7 = arith.constant 1.000000e+04 : f32
    %div3A_8 = vector.broadcast %div3A_7 : f32 to vector<1x128xf32>
    %div3A_9 = arith.divf %get3A_6, %div3A_8 : vector<1x128xf32>
    %mul3A = arith.mulf %div3A_3, %div3A_3 : vector<1x128xf32>
    %sub3A = arith.subf %div3A_9, %mul3A : vector<1x128xf32>
    %get3A_10 = arith.constant 0 : index
    %get3A_11 = arith.constant 0 : index
    %get3A_12 = vector.load %arg3[%get3A_10, %get3A_11] : memref<1x128xf32, #tpu.memory_space<vmem>>, vector<1x128xf32>
    %get3A_13 = arith.constant 0 : index
    %get3A_14 = arith.constant 0 : index
    %get3A_15 = vector.load %arg1[%get3A_13, %get3A_14] : memref<2000x128xf32, #tpu.memory_space<vmem>>, vector<2000x128xf32>
    %sub3A_16 = vector.broadcast %div3A_3 : vector<1x128xf32> to vector<2000x128xf32>
    %sub3A_17 = arith.subf %get3A_15, %sub3A_16 : vector<2000x128xf32>
    %mul3A_18 = vector.broadcast %get3A_12 : vector<1x128xf32> to vector<2000x128xf32>
    %mul3A_19 = arith.mulf %mul3A_18, %sub3A_17 : vector<2000x128xf32>
    %add3A = arith.constant 9.99999974E-6 : f32
    %add3A_20 = vector.broadcast %add3A : f32 to vector<1x128xf32>
    %add3A_21 = arith.addf %sub3A, %add3A_20 : vector<1x128xf32>
    %sqrt3A = math.sqrt %add3A_21 : vector<1x128xf32>
    %div3A_22 = vector.broadcast %sqrt3A : vector<1x128xf32> to vector<2000x128xf32>
    %div3A_23 = arith.divf %mul3A_19, %div3A_22 : vector<2000x128xf32>
    %get3A_24 = arith.constant 0 : index
    %get3A_25 = arith.constant 0 : index
    %get3A_26 = vector.load %arg4[%get3A_24, %get3A_25] : memref<1x128xf32, #tpu.memory_space<vmem>>, vector<1x128xf32>
    %add3A_27 = vector.broadcast %get3A_26 : vector<1x128xf32> to vector<2000x128xf32>
    %add3A_28 = arith.addf %div3A_23, %add3A_27 : vector<2000x128xf32>
    %get3A_29 = arith.constant 0 : index
    %get3A_30 = arith.constant 0 : index
    %get3A_31 = vector.load %arg5[%get3A_29, %get3A_30] : memref<2000x128xf32, #tpu.memory_space<vmem>>, vector<2000x128xf32>
    %add3A_32 = arith.addf %add3A_28, %get3A_31 : vector<2000x128xf32>
    %swap3A = arith.constant 0 : index
    %swap3A_33 = arith.constant 0 : index
    %swap3A_34 = vector.load %arg6[%swap3A, %swap3A_33] : memref<2000x128xf32, #tpu.memory_space<vmem>>, vector<2000x128xf32>
    tpu.vector_store %arg6[%swap3A, %swap3A_33], %add3A_32 {strides = array<i32>} : memref<2000x128xf32, #tpu.memory_space<vmem>>, vector<2000x128xf32>,
    return
  }
  func.func @transform_0(%arg0: i32) -> (i32, i32) {
    %c0_i32 = arith.constant 0 : i32
    %c0_i32_0 = arith.constant 0 : i32
    return %arg0, %c0_i32 : i32, i32
  }
  func.func @transform_1(%arg0: i32) -> (i32, i32) {
    %c0_i32 = arith.constant 0 : i32
    %c0_i32_0 = arith.constant 0 : i32
    %c0_i32_1 = arith.constant 0 : i32
    return %c0_i32, %c0_i32_0 : i32, i32
  }
  func.func @transform_2(%arg0: i32) -> (i32, i32) {
    %c0_i32 = arith.constant 0 : i32
    %c0_i32_0 = arith.constant 0 : i32
    %c0_i32_1 = arith.constant 0 : i32
    return %c0_i32, %c0_i32_0 : i32, i32
  }
  func.func @transform_3(%arg0: i32) -> (i32, i32) {
    %c0_i32 = arith.constant 0 : i32
    %c0_i32_0 = arith.constant 0 : i32
    %c0_i32_1 = arith.constant 0 : i32
    return %c0_i32, %c0_i32_0 : i32, i32
  }
  func.func @transform_4(%arg0: i32) -> (i32, i32) {
    %c0_i32 = arith.constant 0 : i32
    %c0_i32_0 = arith.constant 0 : i32
    return %arg0, %c0_i32 : i32, i32
  }
  func.func @transform_5(%arg0: i32) -> (i32, i32) {
    %c0_i32 = arith.constant 0 : i32
    %c0_i32_0 = arith.constant 0 : i32
    return %arg0, %c0_i32 : i32, i32
  }
}

module attributes {stable_mosaic.version = 14 : i64} {
  func.func @body(%arg0: i32, %arg1: memref<2000x128xf32, #tpu.memory_space<vmem>>, %arg2: memref<2000x1xi32, #tpu.memory_space<vmem>>, %arg3: memref<64x128xf32, #tpu.memory_space<vmem>>, %arg4: memref<64x128xf32, #tpu.memory_space<vmem>>) attributes {dimension_semantics = [#tpu.dimension_semantics<arbitrary>], iteration_bounds = array<i64: 5>, scalar_prefetch = 0 : i64, scratch_operands = 1 : i64, tpu.core_type = #tpu.core_type<tc>, window_params = [{transform_indices = @transform_0, window_bounds = array<i64: 2000, 128>}, {transform_indices = @transform_1, window_bounds = array<i64: 2000, 1>}, {pipeline_mode = #tpu.pipeline_mode<synchronous>, transform_indices = @transform_2, window_bounds = array<i64: 64, 128>}]} {
    %eq3A = arith.constant 0 : i32
    %eq3A_0 = arith.cmpi eq, %arg0, %eq3A : i32
    %convert_element_type3A = arith.extui %eq3A_0 : i1 to i32
    %cond3A = arith.constant 0 : i32
    %cond3A_1 = arith.cmpi ne, %convert_element_type3A, %cond3A : i32
    scf.if %cond3A_1 {
      %broadcast_in_dim3A = arith.constant 0xFF800000 : f32
      %broadcast_in_dim3A_29 = vector.broadcast %broadcast_in_dim3A : f32 to vector<64x128xf32>
      %swap3A_30 = arith.constant 0 : index
      %swap3A_31 = arith.constant 0 : index
      %swap3A_32 = vector.load %arg4[%swap3A_30, %swap3A_31] : memref<64x128xf32, #tpu.memory_space<vmem>>, vector<64x128xf32>
      tpu.vector_store %arg4[%swap3A_30, %swap3A_31], %broadcast_in_dim3A_29 {strides = array<i32>} : memref<64x128xf32, #tpu.memory_space<vmem>>, vector<64x128xf32>,
    } else {
    }
    %get3A = arith.constant 0 : index
    %get3A_2 = arith.constant 0 : index
    %get3A_3 = vector.load %arg1[%get3A, %get3A_2] : memref<2000x128xf32, #tpu.memory_space<vmem>>, vector<2000x128xf32>
    %get3A_4 = arith.constant 0 : index
    %get3A_5 = arith.constant 0 : index
    %get3A_6 = vector.load %arg2[%get3A_4, %get3A_5] : memref<2000x1xi32, #tpu.memory_space<vmem>>, vector<2000x1xi32>
    %get3A_7 = arith.constant 0 : index
    %get3A_8 = arith.constant 0 : index
    %get3A_9 = vector.load %arg2[%get3A_7, %get3A_8] : memref<2000x1xi32, #tpu.memory_space<vmem>>, vector<1x1xi32>
    %get3A_10 = vector.extract %get3A_9[0, 0] : i32 from vector<1x1xi32>
    %get3A_11 = arith.constant 1999 : index
    %get3A_12 = arith.constant 0 : index
    %get3A_13 = vector.load %arg2[%get3A_11, %get3A_12] : memref<2000x1xi32, #tpu.memory_space<vmem>>, vector<1x1xi32>
    %get3A_14 = vector.extract %get3A_13[0, 0] : i32 from vector<1x1xi32>
    %add3A = arith.constant 1 : i32
    %add3A_15 = arith.addi %get3A_14, %add3A : i32
    %while3A = arith.constant 0 : i32
    %while3A_16 = arith.subi %add3A_15, %get3A_10 : i32
    %while3A_17 = arith.addi %get3A_10, %while3A_16 : i32
    %while3A_18 = arith.constant 1 : i32
    %while3A_19 = arith.divsi %while3A_16, %while3A_18 : i32
    %while3A_20 = arith.muli %while3A_19, %while3A_18 : i32
    %while3A_21 = arith.addi %get3A_10, %while3A_20 : i32
    %while3A_22 = arith.constant 1 : i32
    scf.for %while3A_29 = %get3A_10 to %while3A_21 step %while3A_22  : i32 {
      %eq3A_30 = vector.broadcast %while3A_29 : i32 to vector<2000x1xi32>
      %eq3A_31 = arith.cmpi eq, %get3A_6, %eq3A_30 : vector<2000x1xi32>
      %jit3A = arith.constant 0xFF800000 : f32
      %broadcast_in_dim3A = vector.shape_cast %eq3A_31 : vector<2000x1xi1> to vector<2000x1xi1>
      %broadcast_in_dim3A_32 = vector.broadcast %broadcast_in_dim3A : vector<2000x1xi1> to vector<2000x128xi1>
      %broadcast_in_dim3A_33 = vector.broadcast %jit3A : f32 to vector<2000x128xf32>
      %select_n3A = arith.select %broadcast_in_dim3A_32, %get3A_3, %broadcast_in_dim3A_33 : vector<2000x128xi1>, vector<2000x128xf32>
      %reduce_max3A = arith.constant dense<0xFF800000> : vector<128xf32>
      %reduce_max3A_34 = vector.multi_reduction <maximumf>, %select_n3A, %reduce_max3A [0] : vector<2000x128xf32> to vector<128xf32>
      %broadcast_in_dim3A_35 = vector.shape_cast %reduce_max3A_34 : vector<128xf32> to vector<1x128xf32>
      %get3A_36 = arith.index_cast %while3A_29 : i32 to index
      %get3A_37 = arith.constant 0 : index
      %get3A_38 = vector.load %arg4[%get3A_36, %get3A_37] : memref<64x128xf32, #tpu.memory_space<vmem>>, vector<1x128xf32>
      %max3A = arith.maximumf %get3A_38, %broadcast_in_dim3A_35 : vector<1x128xf32>
      %swap3A_39 = arith.index_cast %while3A_29 : i32 to index
      %swap3A_40 = arith.constant 0 : index
      %swap3A_41 = vector.load %arg4[%swap3A_39, %swap3A_40] : memref<64x128xf32, #tpu.memory_space<vmem>>, vector<1x128xf32>
      tpu.vector_store %arg4[%swap3A_39, %swap3A_40], %max3A {strides = array<i32>} : memref<64x128xf32, #tpu.memory_space<vmem>>, vector<1x128xf32>,
    }
    %while3A_23 = arith.constant 1 : i32
    scf.for %while3A_29 = %while3A_21 to %while3A_17 step %while3A_23  : i32 {
      %eq3A_30 = vector.broadcast %while3A_29 : i32 to vector<2000x1xi32>
      %eq3A_31 = arith.cmpi eq, %get3A_6, %eq3A_30 : vector<2000x1xi32>
      %jit3A = arith.constant 0xFF800000 : f32
      %broadcast_in_dim3A = vector.shape_cast %eq3A_31 : vector<2000x1xi1> to vector<2000x1xi1>
      %broadcast_in_dim3A_32 = vector.broadcast %broadcast_in_dim3A : vector<2000x1xi1> to vector<2000x128xi1>
      %broadcast_in_dim3A_33 = vector.broadcast %jit3A : f32 to vector<2000x128xf32>
      %select_n3A = arith.select %broadcast_in_dim3A_32, %get3A_3, %broadcast_in_dim3A_33 : vector<2000x128xi1>, vector<2000x128xf32>
      %reduce_max3A = arith.constant dense<0xFF800000> : vector<128xf32>
      %reduce_max3A_34 = vector.multi_reduction <maximumf>, %select_n3A, %reduce_max3A [0] : vector<2000x128xf32> to vector<128xf32>
      %broadcast_in_dim3A_35 = vector.shape_cast %reduce_max3A_34 : vector<128xf32> to vector<1x128xf32>
      %get3A_36 = arith.index_cast %while3A_29 : i32 to index
      %get3A_37 = arith.constant 0 : index
      %get3A_38 = vector.load %arg4[%get3A_36, %get3A_37] : memref<64x128xf32, #tpu.memory_space<vmem>>, vector<1x128xf32>
      %max3A = arith.maximumf %get3A_38, %broadcast_in_dim3A_35 : vector<1x128xf32>
      %swap3A_39 = arith.index_cast %while3A_29 : i32 to index
      %swap3A_40 = arith.constant 0 : index
      %swap3A_41 = vector.load %arg4[%swap3A_39, %swap3A_40] : memref<64x128xf32, #tpu.memory_space<vmem>>, vector<1x128xf32>
      tpu.vector_store %arg4[%swap3A_39, %swap3A_40], %max3A {strides = array<i32>} : memref<64x128xf32, #tpu.memory_space<vmem>>, vector<1x128xf32>,
    }
    %get3A_24 = arith.constant 0 : index
    %get3A_25 = arith.constant 0 : index
    %get3A_26 = vector.load %arg4[%get3A_24, %get3A_25] : memref<64x128xf32, #tpu.memory_space<vmem>>, vector<64x128xf32>
    %swap3A = arith.constant 0 : index
    %swap3A_27 = arith.constant 0 : index
    %swap3A_28 = vector.load %arg3[%swap3A, %swap3A_27] : memref<64x128xf32, #tpu.memory_space<vmem>>, vector<64x128xf32>
    tpu.vector_store %arg3[%swap3A, %swap3A_27], %get3A_26 {strides = array<i32>} : memref<64x128xf32, #tpu.memory_space<vmem>>, vector<64x128xf32>,
    return
  }
  func.func @transform_0(%arg0: i32) -> (i32, i32) {
    %c0_i32 = arith.constant 0 : i32
    %c0_i32_0 = arith.constant 0 : i32
    return %arg0, %c0_i32 : i32, i32
  }
  func.func @transform_1(%arg0: i32) -> (i32, i32) {
    %c0_i32 = arith.constant 0 : i32
    %c0_i32_0 = arith.constant 0 : i32
    return %arg0, %c0_i32 : i32, i32
  }
  func.func @transform_2(%arg0: i32) -> (i32, i32) {
    %c0_i32 = arith.constant 0 : i32
    %c0_i32_0 = arith.constant 0 : i32
    %c0_i32_1 = arith.constant 0 : i32
    return %c0_i32, %c0_i32_0 : i32, i32
  }
}

module attributes {stable_mosaic.version = 14 : i64} {
  func.func @body(%arg0: memref<64x128xf32, #tpu.memory_space<vmem>>, %arg1: memref<128x256xf32, #tpu.memory_space<vmem>>, %arg2: memref<1x256xf32, #tpu.memory_space<vmem>>, %arg3: memref<1x256xf32, #tpu.memory_space<vmem>>, %arg4: memref<1x256xf32, #tpu.memory_space<vmem>>, %arg5: memref<256x128xf32, #tpu.memory_space<vmem>>, %arg6: memref<1x128xf32, #tpu.memory_space<vmem>>, %arg7: memref<64x128xf32, #tpu.memory_space<vmem>>) attributes {dimension_semantics = [], scalar_prefetch = 0 : i64, scratch_operands = 0 : i64, tpu.core_type = #tpu.core_type<tc>} {
    %get3A = arith.constant 0 : index
    %get3A_0 = arith.constant 0 : index
    %get3A_1 = vector.load %arg0[%get3A, %get3A_0] : memref<64x128xf32, #tpu.memory_space<vmem>>, vector<64x128xf32>
    %get3A_2 = arith.constant 0 : index
    %get3A_3 = arith.constant 0 : index
    %get3A_4 = vector.load %arg1[%get3A_2, %get3A_3] : memref<128x256xf32, #tpu.memory_space<vmem>>, vector<128x256xf32>
    %dot_general3A = arith.constant dense<0.000000e+00> : vector<64x256xf32>
    %dot_general3A_5 = tpu.matmul %get3A_1, %get3A_4, %dot_general3A {dimension_numbers = #tpu.dot_dimension_numbers<[1], [0], [0], [1], [0, 0, 1, 1], [], []>, transpose_lhs_hint = false} : vector<64x128xf32>, vector<128x256xf32>, vector<64x256xf32> -> vector<64x256xf32>
    %get3A_6 = arith.constant 0 : index
    %get3A_7 = arith.constant 0 : index
    %get3A_8 = vector.load %arg2[%get3A_6, %get3A_7] : memref<1x256xf32, #tpu.memory_space<vmem>>, vector<1x256xf32>
    %add3A = vector.broadcast %get3A_8 : vector<1x256xf32> to vector<64x256xf32>
    %add3A_9 = arith.addf %dot_general3A_5, %add3A : vector<64x256xf32>
    %max3A = arith.constant 0.000000e+00 : f32
    %max3A_10 = vector.broadcast %max3A : f32 to vector<64x256xf32>
    %max3A_11 = arith.maximumf %add3A_9, %max3A_10 : vector<64x256xf32>
    %reduce_sum3A = arith.constant dense<0.000000e+00> : vector<256xf32>
    %reduce_sum3A_12 = vector.multi_reduction <add>, %max3A_11, %reduce_sum3A [0] : vector<64x256xf32> to vector<256xf32>
    %broadcast_in_dim3A = vector.shape_cast %reduce_sum3A_12 : vector<256xf32> to vector<1x256xf32>
    %div3A = arith.constant 6.400000e+01 : f32
    %div3A_13 = vector.broadcast %div3A : f32 to vector<1x256xf32>
    %div3A_14 = arith.divf %broadcast_in_dim3A, %div3A_13 : vector<1x256xf32>
    %mul3A = arith.mulf %max3A_11, %max3A_11 : vector<64x256xf32>
    %reduce_sum3A_15 = arith.constant dense<0.000000e+00> : vector<256xf32>
    %reduce_sum3A_16 = vector.multi_reduction <add>, %mul3A, %reduce_sum3A_15 [0] : vector<64x256xf32> to vector<256xf32>
    %broadcast_in_dim3A_17 = vector.shape_cast %reduce_sum3A_16 : vector<256xf32> to vector<1x256xf32>
    %div3A_18 = arith.constant 6.400000e+01 : f32
    %div3A_19 = vector.broadcast %div3A_18 : f32 to vector<1x256xf32>
    %div3A_20 = arith.divf %broadcast_in_dim3A_17, %div3A_19 : vector<1x256xf32>
    %mul3A_21 = arith.mulf %div3A_14, %div3A_14 : vector<1x256xf32>
    %sub3A = arith.subf %div3A_20, %mul3A_21 : vector<1x256xf32>
    %get3A_22 = arith.constant 0 : index
    %get3A_23 = arith.constant 0 : index
    %get3A_24 = vector.load %arg3[%get3A_22, %get3A_23] : memref<1x256xf32, #tpu.memory_space<vmem>>, vector<1x256xf32>
    %sub3A_25 = vector.broadcast %div3A_14 : vector<1x256xf32> to vector<64x256xf32>
    %sub3A_26 = arith.subf %max3A_11, %sub3A_25 : vector<64x256xf32>
    %mul3A_27 = vector.broadcast %get3A_24 : vector<1x256xf32> to vector<64x256xf32>
    %mul3A_28 = arith.mulf %mul3A_27, %sub3A_26 : vector<64x256xf32>
    %add3A_29 = arith.constant 9.99999974E-6 : f32
    %add3A_30 = vector.broadcast %add3A_29 : f32 to vector<1x256xf32>
    %add3A_31 = arith.addf %sub3A, %add3A_30 : vector<1x256xf32>
    %sqrt3A = math.sqrt %add3A_31 : vector<1x256xf32>
    %div3A_32 = vector.broadcast %sqrt3A : vector<1x256xf32> to vector<64x256xf32>
    %div3A_33 = arith.divf %mul3A_28, %div3A_32 : vector<64x256xf32>
    %get3A_34 = arith.constant 0 : index
    %get3A_35 = arith.constant 0 : index
    %get3A_36 = vector.load %arg4[%get3A_34, %get3A_35] : memref<1x256xf32, #tpu.memory_space<vmem>>, vector<1x256xf32>
    %add3A_37 = vector.broadcast %get3A_36 : vector<1x256xf32> to vector<64x256xf32>
    %add3A_38 = arith.addf %div3A_33, %add3A_37 : vector<64x256xf32>
    %get3A_39 = arith.constant 0 : index
    %get3A_40 = arith.constant 0 : index
    %get3A_41 = vector.load %arg5[%get3A_39, %get3A_40] : memref<256x128xf32, #tpu.memory_space<vmem>>, vector<256x128xf32>
    %dot_general3A_42 = arith.constant dense<0.000000e+00> : vector<64x128xf32>
    %dot_general3A_43 = tpu.matmul %add3A_38, %get3A_41, %dot_general3A_42 {dimension_numbers = #tpu.dot_dimension_numbers<[1], [0], [0], [1], [0, 0, 1, 1], [], []>, transpose_lhs_hint = false} : vector<64x256xf32>, vector<256x128xf32>, vector<64x128xf32> -> vector<64x128xf32>
    %get3A_44 = arith.constant 0 : index
    %get3A_45 = arith.constant 0 : index
    %get3A_46 = vector.load %arg6[%get3A_44, %get3A_45] : memref<1x128xf32, #tpu.memory_space<vmem>>, vector<1x128xf32>
    %add3A_47 = vector.broadcast %get3A_46 : vector<1x128xf32> to vector<64x128xf32>
    %add3A_48 = arith.addf %dot_general3A_43, %add3A_47 : vector<64x128xf32>
    %logistic3A = arith.negf %add3A_48 : vector<64x128xf32>
    %logistic3A_49 = math.exp %logistic3A : vector<64x128xf32>
    %logistic3A_50 = arith.constant 1.000000e+00 : f32
    %logistic3A_51 = vector.broadcast %logistic3A_50 : f32 to vector<64x128xf32>
    %logistic3A_52 = arith.addf %logistic3A_51, %logistic3A_49 : vector<64x128xf32>
    %logistic3A_53 = arith.divf %logistic3A_51, %logistic3A_52 : vector<64x128xf32>
    %swap3A = arith.constant 0 : index
    %swap3A_54 = arith.constant 0 : index
    %swap3A_55 = vector.load %arg7[%swap3A, %swap3A_54] : memref<64x128xf32, #tpu.memory_space<vmem>>, vector<64x128xf32>
    tpu.vector_store %arg7[%swap3A, %swap3A_54], %logistic3A_53 {strides = array<i32>} : memref<64x128xf32, #tpu.memory_space<vmem>>, vector<64x128xf32>,
    return
  }
}

</mosaic_0001>

<sc_bundles>
// kernel: kernel.22.cloned.1.call-start
scs
__scs_entry_jumppad:
0x0: {  	(pc) =	sbr.rel $0x88, $3  }
0x1: {  	(tag) =	ssettag $0x0;
	lr =	simm.s32 $0x1  }
0x2: {  	[smem:$0x3F8D] =	sst lr;
	_ =	strace $0xD0000000  }
0x3: {  	_ = 	snop  }
0x4: {  	_ = 	snop  }
0x5: {  	_ = 	snop  }
0x6: {  	_ = 	snop  }
0x7: {  	_ = 	snop  }
__scs_overlays_trampoline_lowered:
0x8: {  	[smem:$0x3F9C] =	sst s0  }
0x9: {  	[smem:$0x3F9D] =	sst s1  }
0xa: {  	[smem:$0x3F9E] =	sst s2  }
0xb: {  	[smem:$0x3F9F] =	sst s3  }
0xc: {  	[smem:$0x3FA0] =	sst s4  }
0xd: {  	[smem:$0x3FA1] =	sst s5  }
0xe: {  	[smem:$0x3FA2] =	sst s6  }
0xf: {  	[smem:$0x3FA3] =	sst s7  }
0x10: {  	[smem:$0x3FA4] =	sst s8  }
0x11: {  	[smem:$0x3FA5] =	sst s9;
	s0 =	simm.s32 @!p0 $0x0  }
0x12: {  	s1 =	sld [smem:$0x3F8B];
	s0 =	simm.s32 @p0 $0x1  }
0x13: {  	[smem:$0x3FA6] =	sst s0;
	s0 =	simm.s32 @!p1 $0x0  }
0x14: {  	s2 =	sld [smem:$0x3F8A];
	s0 =	simm.s32 @p1 $0x1  }
0x15: {  	[smem:$0x3FA7] =	sst s0;
	s0 =	simm.s32 @!p2 $0x0  }
0x16: {  	s3 =	sld [smem:$0x3FDB];
	s0 =	simm.s32 @p2 $0x1  }
0x17: {  	s4 =	simm.s32 $0x1BF5;
	[smem:$0x3FA9] =	sst s0  }
0x18: {  	s0 =	sld [smem:$0x3F8C];
	_ =	swait.ge [sflag:s4], $0x0  }
0x19: {  	s7 =	sld [smem:$0x3F8D]  }
0x1a: {  	s8 =	sadd.s32 $0xFFFFE003, lr  }
0x1b: {  	s9 =	sadd.s32 $0xFFFFFEF7, lr;
	s5 =	simm.s32 $0xFFFFFFFF;
	p2 =	slt.u32 s8, $0xFFFFF086  }
0x1c: {  	p1 =	slt.u32 s9, $0xF7A;
	s5 =	simm.s32 @!p2 $0x0  }
0x1d: {  	s5 =	simm.s32 @p1 $0x1;
	p0 =	seq.s32 s7, s2  }
0x1e: {  	s7 =	smul.u32 @!p0 $0xF7A, s2;
	p2 =	seq.s32 @!p0 s5, $0x0  }
0x1f: {  	s9 =	smul.u32 $0xF7A, s1;
	s8 =	simm.s32 @!p0 $0x1BF5;
	p2 =	por !p2, p0  }
0x20: {  	[sflag:s8] =	ssyncset.s32 @!p0 $0xFFFFF086;
	s6 =	sadd.s32 @!p0 s3, s7;
	s7 =	simm.s32 @!p0 $0x108  }
0x21: {  	s3 =	sadd.s32 s3, s9;
	s6 =	sadd.s32 @!p0 $0x88, s6;
	s7 =	simm.s32 @p2 $0x1082  }
0x22: {  	[simem:s7], [sflag:s8] =	dma.local @!p0 [hbm:s6], $0xF7A  }
0x23: {  	s9 =	sor.u32 $0xD0000000, s2;
	s6 =	simm.s32 $0x108;
	_ =	swait.ge @!p0 [sflag:s8], $0x0  }
0x24: {  	s3 =	sadd.s32 $0x88, s3;
	s6 =	simm.s32 @!p1 $0x1082;
	[sflag:s4] =	ssyncset.s32 $0xFFFFF086  }
0x25: {  	[simem:s6], [sflag:s4] =	dma.local [hbm:s3], $0xF7A  }
0x26: {  	[smem:$0x3F8D] =	sst s1;
	(tag) =	ssettag s2;
	_ =	strace s9  }
0x27: {  	s1 =	sld [smem:$0x3F9D]  }
0x28: {  	s2 =	sld [smem:$0x3F9E]  }
0x29: {  	s4 =	sld [smem:$0x3FA0]  }
0x2a: {  	p0 =	seq.s32 s5, $0x0;
	s5 =	sld [smem:$0x3FA1]  }
0x2b: {  	s6 =	sld [smem:$0x3FA2]  }
0x2c: {  	s7 =	sld [smem:$0x3FA3]  }
0x2d: {  	s3 =	simm.s32 $0x108;
	s8 =	sld [smem:$0x3FA4]  }
0x2e: {  	s3 =	simm.s32 @!p0 $0x1082;
	s9 =	sld [smem:$0x3FA5]  }
0x2f: {  	lr =	sadd.s32 s0, s3;
	s0 =	sld [smem:$0x3F9C]  }
0x30: {  	s3 =	sld [smem:$0x3F9F]  }
0x31: {  	[smem:$0x3FA8] =	sst s10  }
0x32: {  	s10 =	sld [smem:$0x3FA6];
	_ =	sdelay $0x3  }
0x33: {  	p0 =	seq.s32 s10, $0x1;
	s10 =	sld [smem:$0x3FA8];
	_ =	sdelay $0x3  }
0x34: {  	[smem:$0x3FA8] =	sst s10  }
0x35: {  	s10 =	sld [smem:$0x3FA7];
	_ =	sdelay $0x3  }
0x36: {  	p1 =	seq.s32 s10, $0x1;
	s10 =	sld [smem:$0x3FA8];
	_ =	sdelay $0x3  }
0x37: {  	[smem:$0x3FA8] =	sst s10  }
0x38: {  	s10 =	sld [smem:$0x3FA9]  }
0x39: {  	_ = 	snop;
	(pc) =	sbr.ind lr, $3  }
0x3a: {  	_ = 	snop  }
0x3b: {  	_ = 	snop  }
0x3c: {  	p2 =	seq.s32 s10, $0x1;
	s10 =	sld [smem:$0x3FA8]  }
0x3d: {  	_ =	shalt  }
0x3e: {  	_ =	shalt  }
0x3f: {  	_ =	shalt  }
0x40: {  	_ =	shalt  }
0x41: {  	_ =	shalt  }
0x42: {  	_ =	shalt  }
0x43: {  	_ =	shalt  }
0x44: {  	_ =	shalt  }
0x45: {  	_ =	shalt  }
0x46: {  	_ =	shalt  }
0x47: {  	_ =	shalt  }
0x48: {  	_ =	shalt  }
0x49: {  	_ =	shalt  }
0x4a: {  	_ =	shalt  }
0x4b: {  	_ =	shalt  }
0x4c: {  	_ =	shalt  }
0x4d: {  	_ =	shalt  }
0x4e: {  	_ =	shalt  }
0x4f: {  	_ =	shalt  }
0x50: {  	_ =	shalt  }
0x51: {  	_ =	shalt  }
0x52: {  	_ =	shalt  }
0x53: {  	_ =	shalt  }
0x54: {  	_ =	shalt  }
0x55: {  	_ =	shalt  }
0x56: {  	_ =	shalt  }
0x57: {  	_ =	shalt  }
0x58: {  	_ =	shalt  }
0x59: {  	_ =	shalt  }
0x5a: {  	_ =	shalt  }
0x5b: {  	_ =	shalt  }
0x5c: {  	_ =	shalt  }
0x5d: {  	_ =	shalt  }
0x5e: {  	_ =	shalt  }
0x5f: {  	_ =	shalt  }
0x60: {  	_ =	shalt  }
0x61: {  	_ =	shalt  }
0x62: {  	_ =	shalt  }
0x63: {  	_ =	shalt  }
0x64: {  	_ =	shalt  }
0x65: {  	_ =	shalt  }
0x66: {  	_ =	shalt  }
0x67: {  	_ =	shalt  }
0x68: {  	_ =	shalt  }
0x69: {  	_ =	shalt  }
0x6a: {  	_ =	shalt  }
0x6b: {  	_ =	shalt  }
0x6c: {  	_ =	shalt  }
0x6d: {  	_ =	shalt  }
0x6e: {  	_ =	shalt  }
0x6f: {  	_ =	shalt  }
0x70: {  	_ =	shalt  }
0x71: {  	_ =	shalt  }
0x72: {  	_ =	shalt  }
0x73: {  	_ =	shalt  }
0x74: {  	_ =	shalt  }
0x75: {  	_ =	shalt  }
0x76: {  	_ =	shalt  }
0x77: {  	_ =	shalt  }
0x78: {  	_ =	shalt  }
0x79: {  	_ =	shalt  }
0x7a: {  	_ =	shalt  }
0x7b: {  	_ =	shalt  }
0x7c: {  	_ =	shalt  }
0x7d: {  	_ =	shalt  }
0x7e: {  	_ =	shalt  }
0x7f: {  	_ =	shalt  }
0x80: {  	_ =	shalt  }
0x81: {  	_ =	shalt  }
0x82: {  	_ =	shalt  }
0x83: {  	_ =	shalt  }
0x84: {  	_ =	shalt  }
0x85: {  	_ =	shalt  }
0x86: {  	_ =	shalt  }
0x87: {  	_ =	shalt  }
.Lfunc_end0:
.L_simem_size_0:
called_computation_lowered:
.L_overlay_start_0:
0x88: {  	s2 =	sld [smem:$0x3FD9]  }
0x89: {  	s3 =	sld [smem:$0x3FFE];
	_ =	sdelay $0x1  }
0x8a: {  	s1 =	srdreg.scid  }
0x8b: {  	s0 =	sand.u32 $0x1, s1  }
0x8c: {  	s16 =	sshll.u32 s0, $0xA;
	s2 =	sadd.s32 s3, s2  }
0x8d: {  	s2 =	sadd.s32 s2, s16  }
0x8e: {  	[smem:$0x3FB4] =	sst s2  }
0x8f: {  	_ = 	snop  }
0x90: {  	(tm) =	ssettm $0x1  }
0x91: {  	s17 =	sld [smem:$0x3FFB];
	_ =	sdelay $0x3  }
0x92: {  	_ =	strace s17  }
0x93: {  	s2 =	sld [smem:$0x3FFC];
	_ =	sdelay $0x3  }
0x94: {  	_ =	strace s2  }
0x95: {  	s2 =	sld [smem:$0x3FFD];
	_ =	sdelay $0x3  }
0x96: {  	_ =	strace s2  }
0x97: {  	_ =	strace $0x8FFFFFFF  }
0x98: {  	s18 =	sld [smem:$0x3FDB];
	_ =	sdelay $0x1  }
0x99: {  	s19 =	simm.s32 $_scs_section_size  }
0x9a: {  	s4 =	simm.s32 $_size__tile_overlayer_lowered;
	s5 =	simm.s32 $_tile_overlayer_lowered  }
0x9b: {  	s22 =	simm.s32 $0x1BFF;
	s21 =	sshll.u32 s5, $0x1;
	s2 =	sadd.s32 s19, s18  }
0x9c: {  	s6 =	simm.s32 $0x0;
	s20 =	sshll.u32 s4, $0x1;
	s4 =	sadd.s32 s21, s2  }
0x9d: {  	[timem:s6], [sflag:s22] =	dma.local [hbm:s4], s20  }
0x9e: {  	_ =	swait.ge [sflag:s22], s20  }
0x9f: {  	s3 =	ssub.s32 $0x0, s20;
	[sflag:s22] =	ssyncset.done $0x0  }
0xa0: {  	[sflag:s22] =	ssyncadd.s32 s3;
	_ =	sdelay $0x1  }
0xa1: {  	s23 =	simm.s32 $0x1B8B  }
0xa2: {  	_ =	swait.ge [sflag:s23], $0x1  }
0xa3: {  	[sflag:s23] =	ssyncset.done $0x0  }
0xa4: {  	s25 =	simm.s32 $0x1B8E;
	s24 =	sld [smem:$0x3FFE];
	[sflag:s23] =	ssyncadd.s32 $0xFFFFFFFF  }
0xa5: {  	s26 =	simm.s32 $execute0_lowered;
	[smem:$0x3FD2] =	sst s25  }
0xa6: {  	s4 =	sshll.u32 s26, $0x1;
	_ =	strace $0x80000046;
	[dreg:$0x1] =	wrdreg $0xFFFFFFFF  }
0xa7: {  	s28 =	simm.s32 $_size_execute0_lowered;
	s2 =	sadd.s32 s2, s4;
	[dreg:$0x0] =	wrdreg $0x0  }
0xa8: {  	s4 =	sshll.u32 s28, $0x1;
	[dreg:$0x2] =	wrdreg s2  }
0xa9: {  	[dreg:$0x3] =	wrdreg s4  }
0xaa: {  	[dreg:$0x4] =	wrdreg $0xC0  }
0xab: {  	_ =	task [dreg:s6], $0x5FFFF  }
0xac: {  	[dreg:$0x1] =	wrdreg $0xFFFFFFFF  }
0xad: {  	[dreg:$0x0] =	wrdreg $0x60  }
0xae: {  	[dreg:$0x2] =	wrdreg s24  }
0xaf: {  	[dreg:$0x3] =	wrdreg $0x81000  }
0xb0: {  	[dreg:$0x4] =	wrdreg $0x9  }
0xb1: {  	_ =	task.clear_ibuf [dreg:s6], $0x5FFFF;
	_ =	strace $0x90000046  }
0xb2: {  	s29 =	simm.s32 $0x9;
	_ =	strace $0x80000048  }
0xb3: {  	_ =	swait.ge [sflag:s29], $0x1  }
0xb4: {  	[sflag:s29] =	ssyncadd.s32 $0xFFFFFFFF  }
0xb5: {  	_ =	strace $0x90000048  }
0xb6: {  	_ =	sfence  }
0xb7: {  	s30 =	sld [smem:$0x0];
	_ =	sdelay $0x2  }
0xb8: {  	s31 =	sshll.u32 s1, $0xD;
	s1 =	sshrl.u32 s1, $0x2  }
0xb9: {  	s3 =	sand.u32 $0x4000, s31;
	s1 =	sadd.s32 s1, s30  }
0xba: {  	s0 =	sor.u32 s3, s0;
	s1 =	sshll.u32 s1, $0x11  }
0xbb: {  	s0 =	sor.u32 s1, s0  }
0xbc: {  	s0 =	sadd.s32 $0x8F2B, s0  }
0xbd: {  	[sflag:s0] =	ssyncadd.remote.s32 $0x1  }
0xbe: {  	_ =	sfence.sel $0xFFFF  }
0xbf: {  	[dreg:$0x0] =	wrdreg $0xFFFFFFFF;
	(pc) =	sbr.abs _section_cstart, $3  }
0xc0: {  	[dreg:$0x1] =	wrdreg $0xFFFFFFFF  }
0xc1: {  	_ =	task.clear_ibuf [dreg:s6], $0x2FFFF;
	_ =	strace $0x9FFFFFFF  }
0xc2: {  	(tm) =	ssettm $0x7FFFFFFF  }
0xc3: {  	_ =	shalt  }
tec
execute0_lowered:
.L_overlay_start_1:
0x0: {  	(tag) =	ssettag $0x1  }
0x1: {  	s4 =	rddreg [dreg:$0x0]  }
0x2: {  	s2 =	rddreg [dreg:$0x1]  }
0x3: {  	s0 =	rddreg [dreg:$0x2];
	s3 =	simm.s32 $0x0  }
0x4: {  	s1 =	stileid.u32;
	s7 =	srdreg.scid;
	s14 =	simm.s32 $0x100  }
0x5: {  	s15 =	simm.s32 $0x2;
	s16 =	simm.s32 $0x4100;
	s17 =	simm.s32 $0x3  }
0x6: {  	s18 =	simm.s32 $0x4;
	s19 =	simm.s32 $0x5;
	s5 =	smul.u32 $0x2800, s1  }
0x7: {  	s20 =	simm.s32 $0x6;
	s21 =	simm.s32 $0x0;
	s6 =	smul.u32 $0x50000, s1  }
0x8: {  	[smem:$0x7FF] =	sst s3;
	s7 =	sand.u32 $0x1, s7;
	s10 =	smul.u32 $0x5000, s1  }
0x9: {  	s9 =	sadd.s32 $0xA200, s4;
	s29 =	sshll.u32 s1, $0x6;
	s12 =	smul.u32 $0x2800, s7  }
0xa: {  	_ =	strace $0x80000047;
	s28 =	ssub.s32 $0x2, s7;
	s7 =	smul.u32 $0x28000, s7  }
0xb: {  	s8 =	sadd.s32 s6, s4;
	s11 =	sshrl.u32 s28, $0x1;
	s6 =	sshrl.u32 s6, $0x2  }
0xc: {  	s5 =	sadd.s32 s5, s4;
	s11 =	ssub.s32 s28, s11;
	s13 =	sadd.s32 s6, s2  }
0xd: {  	s4 =	sadd.s32 $0x14200, s5;
	s10 =	sadd.s32 s12, s10;
	s5 =	sor.u32 $0x1C07, s29  }
0xe: {  	s7 =	sadd.s32 s7, s8;
	s12 =	simm.s32 $0x80;
	s30 =	sor.u32 $0x80, s10  }
0xf: {  	s6 =	smax.u32 s11, $0x1;
	s10 =	sshrl.u32 s10, $0x3;
	s31 =	sshrl.u32 s30, $0x3  }
0x10: {  	s7 =	sadd.s32 $0x3CA00, s7;
	s11 =	simm.s32 $0x7;
	s8 =	sadd.s32 s31, s9  }
0x11: {  	s9 =	sadd.s32 s10, s9;
	s10 =	sshrl.u32 s13, $0x3;
	s13 =	simm.s32 $0x1  }
.LBB2_1:
0x12: {  	[spmem:s10], [sflag:s5] =	dma.local [hbm:s4], $0x2800  }
0x13: {  	_ =	swait.ge [sflag:s11], $0x2800  }
0x14: {  	[sflag:s11] =	ssyncset.done $0x0  }
0x15: {  	[sflag:s11] =	ssyncadd.s32 $0xFFFFD800  }
0x16: {  	s22 =	sadd.s32 $0x0, s9;
	[bflag:$0x0] =	sbarrier.arrive $0xFFFF  }
0x17: {  	[tilespmem:s3], [sflag:$0x1] =	stream.linear.gather [hbm4b:s22+s3], $0x80, $0x38;
	[tilespmem:$0x1C100] =	vst v63  }
0x18: {  	s30 =	sadd.s32 $0x0, s8  }
0x19: {  	[tilespmem:s12], [sflag:$0x2] =	stream.linear.gather [hbm4b:s30+s3], $0x80, $0x38;
	[tilespmem:$0x1C100] =	vst v63  }
0x1a: {  	_ =	swait.ge [sflag:s13], $0x80  }
0x1b: {  	[sflag:s13] =	ssyncset.done $0x0  }
0x1c: {  	[sflag:s13] =	ssyncadd.s32 $0xFFFFFF80  }
0x1d: {  	[tilespmem:s14], [sflag:$0x3] =	stream.indirect.gather [spmem:s2], $0x80, s3, s12, $0xb8;
	[tilespmem:$0x1C100] =	vst v63  }
0x1e: {  	_ =	swait.ge [sflag:s15], $0x80  }
0x1f: {  	[sflag:s15] =	ssyncset.done $0x0  }
0x20: {  	[sflag:s15] =	ssyncadd.s32 $0xFFFFFF80  }
0x21: {  	[tilespmem:s16], [sflag:$0x4] =	stream.indirect.gather [spmem:s2], $0x80, s12, s12, $0xb8;
	[tilespmem:$0x1C100] =	vst v63  }
0x22: {  	_ =	swait.ge [sflag:s17], $0x4000  }
0x23: {  	[sflag:s17] =	ssyncset.done $0x0  }
0x24: {  	s31 =	sadd.s32 $0xFFFFF800, s7;
	[sflag:s17] =	ssyncadd.s32 $0xFFFFC000  }
0x25: {  	[hbm4b:s31+s3] =	stream.linear.scatter [tilespmem:s14], [sflag:$0x5], $0x4000, $0x38;
	[tilespmem:$0x1C100] =	vst v63  }
0x26: {  	_ =	swait.ge [sflag:s18], $0x4000  }
0x27: {  	[sflag:s18] =	ssyncset.done $0x0  }
0x28: {  	[sflag:s18] =	ssyncadd.s32 $0xFFFFC000  }
0x29: {  	[hbm4b:s7+s3] =	stream.linear.scatter [tilespmem:s16], [sflag:$0x6], $0x4000, $0x38;
	[tilespmem:$0x1C100] =	vst v63  }
0x2a: {  	_ =	swait.ge [sflag:s19], $0x4000  }
0x2b: {  	[sflag:s19] =	ssyncset.done $0x0  }
0x2c: {  	[sflag:s19] =	ssyncadd.s32 $0xFFFFC000  }
0x2d: {  	s23 =	simm.s32 $0x20;
	_ =	swait.ge [sflag:s20], $0x4000  }
0x2e: {  	s24 =	simm.s32 $0x40;
	s22 =	sadd.s32 $0x1000, s7;
	[sflag:s20] =	ssyncset.done $0x0  }
.LBB2_2:
0x2f: {  	s25 =	sadd.s32 s23, s9  }
0x30: {  	[sflag:s20] =	ssyncadd.s32 $0xFFFFC000;
	s26 =	smov.u32 s24;
	s28 =	sadd.s32 $0x20, s24  }
0x31: {  	[tilespmem:s3], [sflag:$0x1] =	stream.linear.gather [hbm4b:s25+s3], $0x80, $0x38;
	[tilespmem:$0x1C100] =	vst v63  }
0x32: {  	p0 =	sne.s32 s24, $0x4E0;
	s24 =	sadd.s32 s23, s8;
	s23 =	smov.u32 s26  }
0x33: {  	[tilespmem:s12], [sflag:$0x2] =	stream.linear.gather [hbm4b:s24+s3], $0x80, $0x38;
	[tilespmem:$0x1C100] =	vst v63  }
0x34: {  	_ =	swait.ge [sflag:s13], $0x80  }
0x35: {  	[sflag:s13] =	ssyncset.done $0x0  }
0x36: {  	[sflag:s13] =	ssyncadd.s32 $0xFFFFFF80  }
0x37: {  	[tilespmem:s14], [sflag:$0x3] =	stream.indirect.gather [spmem:s2], $0x80, s3, s12, $0xb8;
	[tilespmem:$0x1C100] =	vst v63  }
0x38: {  	_ =	swait.ge [sflag:s15], $0x80  }
0x39: {  	[sflag:s15] =	ssyncset.done $0x0  }
0x3a: {  	[sflag:s15] =	ssyncadd.s32 $0xFFFFFF80  }
0x3b: {  	[tilespmem:s16], [sflag:$0x4] =	stream.indirect.gather [spmem:s2], $0x80, s12, s12, $0xb8;
	[tilespmem:$0x1C100] =	vst v63  }
0x3c: {  	_ =	swait.ge [sflag:s17], $0x4000  }
0x3d: {  	[sflag:s17] =	ssyncset.done $0x0  }
0x3e: {  	s24 =	sadd.s32 $0xFFFFF800, s22;
	[sflag:s17] =	ssyncadd.s32 $0xFFFFC000  }
0x3f: {  	[hbm4b:s24+s3] =	stream.linear.scatter [tilespmem:s14], [sflag:$0x5], $0x4000, $0x38;
	[tilespmem:$0x1C100] =	vst v63  }
0x40: {  	_ =	swait.ge [sflag:s18], $0x4000  }
0x41: {  	[sflag:s18] =	ssyncset.done $0x0  }
0x42: {  	[sflag:s18] =	ssyncadd.s32 $0xFFFFC000  }
0x43: {  	[hbm4b:s22+s3] =	stream.linear.scatter [tilespmem:s16], [sflag:$0x6], $0x4000, $0x38;
	[tilespmem:$0x1C100] =	vst v63  }
.Ltmp0:
0x44: {  	_ =	swait.ge [sflag:s19], $0x4000;
	(pc) =	sbr.rel @p0 .LBB2_2-.Ltmp0, $4  }
0x45: {  	[sflag:s19] =	ssyncset.done $0x0  }
0x46: {  	[sflag:s19] =	ssyncadd.s32 $0xFFFFC000  }
0x47: {  	_ =	swait.ge [sflag:s20], $0x4000  }
0x48: {  	s24 =	smov.u32 s28;
	s22 =	sadd.s32 $0x1000, s22;
	[sflag:s20] =	ssyncset.done $0x0  }
0x49: {  	s24 =	sadd.s32 s23, s9;
	[sflag:s20] =	ssyncadd.s32 $0xFFFFC000  }
0x4a: {  	[tilespmem:s3], [sflag:$0x1] =	stream.linear.gather [hbm4b:s24+s3], $0x80, $0x38;
	[tilespmem:$0x1C100] =	vst v63  }
0x4b: {  	s30 =	sadd.s32 s23, s8  }
0x4c: {  	[tilespmem:s12], [sflag:$0x2] =	stream.linear.gather [hbm4b:s30+s3], $0x80, $0x38;
	[tilespmem:$0x1C100] =	vst v63  }
0x4d: {  	_ =	swait.ge [sflag:s13], $0x80  }
0x4e: {  	[sflag:s13] =	ssyncset.done $0x0  }
0x4f: {  	[sflag:s13] =	ssyncadd.s32 $0xFFFFFF80  }
0x50: {  	[tilespmem:s14], [sflag:$0x3] =	stream.indirect.gather [spmem:s2], $0x80, s3, s12, $0xb8;
	[tilespmem:$0x1C100] =	vst v63  }
0x51: {  	_ =	swait.ge [sflag:s15], $0x80  }
0x52: {  	[sflag:s15] =	ssyncset.done $0x0  }
0x53: {  	[sflag:s15] =	ssyncadd.s32 $0xFFFFFF80  }
0x54: {  	[tilespmem:s16], [sflag:$0x4] =	stream.indirect.gather [spmem:s2], $0x80, s12, s12, $0xb8;
	[tilespmem:$0x1C100] =	vst v63  }
0x55: {  	_ =	swait.ge [sflag:s17], $0x4000  }
0x56: {  	[sflag:s17] =	ssyncset.done $0x0  }
0x57: {  	s31 =	sadd.s32 $0xFFFFF800, s22;
	[sflag:s17] =	ssyncadd.s32 $0xFFFFC000  }
0x58: {  	[hbm4b:s31+s3] =	stream.linear.scatter [tilespmem:s14], [sflag:$0x5], $0x4000, $0x38;
	[tilespmem:$0x1C100] =	vst v63  }
0x59: {  	_ =	swait.ge [sflag:s18], $0x4000  }
0x5a: {  	[sflag:s18] =	ssyncset.done $0x0  }
0x5b: {  	s21 =	sadd.s32 $0x1, s21;
	[sflag:s18] =	ssyncadd.s32 $0xFFFFC000  }
0x5c: {  	[hbm4b:s22+s3] =	stream.linear.scatter [tilespmem:s16], [sflag:$0x6], $0x4000, $0x38;
	[tilespmem:$0x1C100] =	vst v63  }
0x5d: {  	p0 =	sne.s32 s21, s6;
	_ =	swait.ge [sflag:s19], $0x4000  }
.Ltmp1:
0x5e: {  	[sflag:s19] =	ssyncset.done $0x0;
	(pc) =	sbr.rel @p0 .LBB2_1-.Ltmp1, $4  }
0x5f: {  	[sflag:s19] =	ssyncadd.s32 $0xFFFFC000  }
0x60: {  	_ =	swait.ge [sflag:s20], $0x4000  }
0x61: {  	[sflag:s20] =	ssyncset.done $0x0  }
0x62: {  	[sflag:s20] =	ssyncadd.s32 $0xFFFFC000  }
0x63: {  	_ =	sfence.sel $0x180000  }
0x64: {  	[bflag:$0x0] =	sbarrier.arrive $0xFFFF  }
0x65: {  	p0 =	sne.s32 s1, $0x0;
	_ =	strace $0x90000047  }
0x66: {  	s0 =	sadd.s32 @!p0 $0x100000, s0;
	[bflag:$0x2] =	sbarrier.arrive $0xFFFF  }
0x67: {  	[sflag:s0] =	ssyncadd.tile.s32 @!p0 $0x1;
	_ =	shalt  }
.Lfunc_end2:
_tile_overlayer_lowered:
.L_overlay_start_2:
0x68: {  	(tag) =	ssettag $0x2  }
0x69: {  	s0 =	rddreg [dreg:$0x0];
	s2 =	stileid.u32  }
0x6a: {  	s1 =	rddreg [dreg:$0x1];
	p0 =	sne.s32 s2, $0x0  }
0x6b: {  	s3 =	rddreg [dreg:$0x2];
	[bflag:$0x3] =	sbarrier.arrive $0xFFFF;
	s2 =	simm.s32 @!p0 $0x1C07  }
0x6c: {  	[timem:s3], [sflag:s2] =	dma.local @!p0 [hbm:s0], s1  }
0x6d: {  	s0 =	simm.s32 @!p0 $0x7  }
0x6e: {  	_ =	swait.ge @!p0 [sflag:s0], s1  }
0x6f: {  	s1 =	ssub.s32 @!p0 $0x0, s1;
	[sflag:s0] =	ssyncset.done @!p0 $0x0  }
0x70: {  	[sflag:s0] =	ssyncadd.s32 @!p0 s1  }
0x71: {  	[bflag:$0x3] =	sbarrier.arrive $0xFFFF  }
0x72: {  	_ =	shalt  }

// kernel: kernel.25.cloned.1.call-start
scs
__scs_entry_jumppad:
0x0: {  	(pc) =	sbr.rel $0x88, $3  }
0x1: {  	(tag) =	ssettag $0x0;
	lr =	simm.s32 $0x1  }
0x2: {  	[smem:$0x3F8D] =	sst lr;
	_ =	strace $0xD0000000  }
0x3: {  	_ = 	snop  }
0x4: {  	_ = 	snop  }
0x5: {  	_ = 	snop  }
0x6: {  	_ = 	snop  }
0x7: {  	_ = 	snop  }
__scs_overlays_trampoline_lowered:
0x8: {  	[smem:$0x3F9C] =	sst s0  }
0x9: {  	[smem:$0x3F9D] =	sst s1  }
0xa: {  	[smem:$0x3F9E] =	sst s2  }
0xb: {  	[smem:$0x3F9F] =	sst s3  }
0xc: {  	[smem:$0x3FA0] =	sst s4  }
0xd: {  	[smem:$0x3FA1] =	sst s5  }
0xe: {  	[smem:$0x3FA2] =	sst s6  }
0xf: {  	[smem:$0x3FA3] =	sst s7  }
0x10: {  	[smem:$0x3FA4] =	sst s8  }
0x11: {  	[smem:$0x3FA5] =	sst s9;
	s0 =	simm.s32 @!p0 $0x0  }
0x12: {  	s1 =	sld [smem:$0x3F8B];
	s0 =	simm.s32 @p0 $0x1  }
0x13: {  	[smem:$0x3FA6] =	sst s0;
	s0 =	simm.s32 @!p1 $0x0  }
0x14: {  	s2 =	sld [smem:$0x3F8A];
	s0 =	simm.s32 @p1 $0x1  }
0x15: {  	[smem:$0x3FA7] =	sst s0;
	s0 =	simm.s32 @!p2 $0x0  }
0x16: {  	s3 =	sld [smem:$0x3FDB];
	s0 =	simm.s32 @p2 $0x1  }
0x17: {  	s4 =	simm.s32 $0x1BF5;
	[smem:$0x3FA9] =	sst s0  }
0x18: {  	s0 =	sld [smem:$0x3F8C];
	_ =	swait.ge [sflag:s4], $0x0  }
0x19: {  	s7 =	sld [smem:$0x3F8D]  }
0x1a: {  	s8 =	sadd.s32 $0xFFFFE003, lr  }
0x1b: {  	s9 =	sadd.s32 $0xFFFFFEF7, lr;
	s5 =	simm.s32 $0xFFFFFFFF;
	p2 =	slt.u32 s8, $0xFFFFF086  }
0x1c: {  	p1 =	slt.u32 s9, $0xF7A;
	s5 =	simm.s32 @!p2 $0x0  }
0x1d: {  	s5 =	simm.s32 @p1 $0x1;
	p0 =	seq.s32 s7, s2  }
0x1e: {  	s7 =	smul.u32 @!p0 $0xF7A, s2;
	p2 =	seq.s32 @!p0 s5, $0x0  }
0x1f: {  	s9 =	smul.u32 $0xF7A, s1;
	s8 =	simm.s32 @!p0 $0x1BF5;
	p2 =	por !p2, p0  }
0x20: {  	[sflag:s8] =	ssyncset.s32 @!p0 $0xFFFFF086;
	s6 =	sadd.s32 @!p0 s3, s7;
	s7 =	simm.s32 @!p0 $0x108  }
0x21: {  	s3 =	sadd.s32 s3, s9;
	s6 =	sadd.s32 @!p0 $0x88, s6;
	s7 =	simm.s32 @p2 $0x1082  }
0x22: {  	[simem:s7], [sflag:s8] =	dma.local @!p0 [hbm:s6], $0xF7A  }
0x23: {  	s9 =	sor.u32 $0xD0000000, s2;
	s6 =	simm.s32 $0x108;
	_ =	swait.ge @!p0 [sflag:s8], $0x0  }
0x24: {  	s3 =	sadd.s32 $0x88, s3;
	s6 =	simm.s32 @!p1 $0x1082;
	[sflag:s4] =	ssyncset.s32 $0xFFFFF086  }
0x25: {  	[simem:s6], [sflag:s4] =	dma.local [hbm:s3], $0xF7A  }
0x26: {  	[smem:$0x3F8D] =	sst s1;
	(tag) =	ssettag s2;
	_ =	strace s9  }
0x27: {  	s1 =	sld [smem:$0x3F9D]  }
0x28: {  	s2 =	sld [smem:$0x3F9E]  }
0x29: {  	s4 =	sld [smem:$0x3FA0]  }
0x2a: {  	p0 =	seq.s32 s5, $0x0;
	s5 =	sld [smem:$0x3FA1]  }
0x2b: {  	s6 =	sld [smem:$0x3FA2]  }
0x2c: {  	s7 =	sld [smem:$0x3FA3]  }
0x2d: {  	s3 =	simm.s32 $0x108;
	s8 =	sld [smem:$0x3FA4]  }
0x2e: {  	s3 =	simm.s32 @!p0 $0x1082;
	s9 =	sld [smem:$0x3FA5]  }
0x2f: {  	lr =	sadd.s32 s0, s3;
	s0 =	sld [smem:$0x3F9C]  }
0x30: {  	s3 =	sld [smem:$0x3F9F]  }
0x31: {  	[smem:$0x3FA8] =	sst s10  }
0x32: {  	s10 =	sld [smem:$0x3FA6];
	_ =	sdelay $0x3  }
0x33: {  	p0 =	seq.s32 s10, $0x1;
	s10 =	sld [smem:$0x3FA8];
	_ =	sdelay $0x3  }
0x34: {  	[smem:$0x3FA8] =	sst s10  }
0x35: {  	s10 =	sld [smem:$0x3FA7];
	_ =	sdelay $0x3  }
0x36: {  	p1 =	seq.s32 s10, $0x1;
	s10 =	sld [smem:$0x3FA8];
	_ =	sdelay $0x3  }
0x37: {  	[smem:$0x3FA8] =	sst s10  }
0x38: {  	s10 =	sld [smem:$0x3FA9]  }
0x39: {  	_ = 	snop;
	(pc) =	sbr.ind lr, $3  }
0x3a: {  	_ = 	snop  }
0x3b: {  	_ = 	snop  }
0x3c: {  	p2 =	seq.s32 s10, $0x1;
	s10 =	sld [smem:$0x3FA8]  }
0x3d: {  	_ =	shalt  }
0x3e: {  	_ =	shalt  }
0x3f: {  	_ =	shalt  }
0x40: {  	_ =	shalt  }
0x41: {  	_ =	shalt  }
0x42: {  	_ =	shalt  }
0x43: {  	_ =	shalt  }
0x44: {  	_ =	shalt  }
0x45: {  	_ =	shalt  }
0x46: {  	_ =	shalt  }
0x47: {  	_ =	shalt  }
0x48: {  	_ =	shalt  }
0x49: {  	_ =	shalt  }
0x4a: {  	_ =	shalt  }
0x4b: {  	_ =	shalt  }
0x4c: {  	_ =	shalt  }
0x4d: {  	_ =	shalt  }
0x4e: {  	_ =	shalt  }
0x4f: {  	_ =	shalt  }
0x50: {  	_ =	shalt  }
0x51: {  	_ =	shalt  }
0x52: {  	_ =	shalt  }
0x53: {  	_ =	shalt  }
0x54: {  	_ =	shalt  }
0x55: {  	_ =	shalt  }
0x56: {  	_ =	shalt  }
0x57: {  	_ =	shalt  }
0x58: {  	_ =	shalt  }
0x59: {  	_ =	shalt  }
0x5a: {  	_ =	shalt  }
0x5b: {  	_ =	shalt  }
0x5c: {  	_ =	shalt  }
0x5d: {  	_ =	shalt  }
0x5e: {  	_ =	shalt  }
0x5f: {  	_ =	shalt  }
0x60: {  	_ =	shalt  }
0x61: {  	_ =	shalt  }
0x62: {  	_ =	shalt  }
0x63: {  	_ =	shalt  }
0x64: {  	_ =	shalt  }
0x65: {  	_ =	shalt  }
0x66: {  	_ =	shalt  }
0x67: {  	_ =	shalt  }
0x68: {  	_ =	shalt  }
0x69: {  	_ =	shalt  }
0x6a: {  	_ =	shalt  }
0x6b: {  	_ =	shalt  }
0x6c: {  	_ =	shalt  }
0x6d: {  	_ =	shalt  }
0x6e: {  	_ =	shalt  }
0x6f: {  	_ =	shalt  }
0x70: {  	_ =	shalt  }
0x71: {  	_ =	shalt  }
0x72: {  	_ =	shalt  }
0x73: {  	_ =	shalt  }
0x74: {  	_ =	shalt  }
0x75: {  	_ =	shalt  }
0x76: {  	_ =	shalt  }
0x77: {  	_ =	shalt  }
0x78: {  	_ =	shalt  }
0x79: {  	_ =	shalt  }
0x7a: {  	_ =	shalt  }
0x7b: {  	_ =	shalt  }
0x7c: {  	_ =	shalt  }
0x7d: {  	_ =	shalt  }
0x7e: {  	_ =	shalt  }
0x7f: {  	_ =	shalt  }
0x80: {  	_ =	shalt  }
0x81: {  	_ =	shalt  }
0x82: {  	_ =	shalt  }
0x83: {  	_ =	shalt  }
0x84: {  	_ =	shalt  }
0x85: {  	_ =	shalt  }
0x86: {  	_ =	shalt  }
0x87: {  	_ =	shalt  }
.Lfunc_end0:
.L_simem_size_0:
called_computation.1_lowered:
.L_overlay_start_0:
0x88: {  	s2 =	sld [smem:$0x3FD9]  }
0x89: {  	s3 =	sld [smem:$0x3FFE];
	_ =	sdelay $0x1  }
0x8a: {  	s1 =	srdreg.scid  }
0x8b: {  	s0 =	sand.u32 $0x1, s1  }
0x8c: {  	s16 =	sshll.u32 s0, $0xA;
	s2 =	sadd.s32 s3, s2  }
0x8d: {  	s2 =	sadd.s32 s2, s16  }
0x8e: {  	[smem:$0x3FB4] =	sst s2  }
0x8f: {  	_ = 	snop  }
0x90: {  	(tm) =	ssettm $0x1  }
0x91: {  	s17 =	sld [smem:$0x3FFB];
	_ =	sdelay $0x3  }
0x92: {  	_ =	strace s17  }
0x93: {  	s2 =	sld [smem:$0x3FFC];
	_ =	sdelay $0x3  }
0x94: {  	_ =	strace s2  }
0x95: {  	s2 =	sld [smem:$0x3FFD];
	_ =	sdelay $0x3  }
0x96: {  	_ =	strace s2  }
0x97: {  	_ =	strace $0x8FFFFFFF  }
0x98: {  	s18 =	sld [smem:$0x3FDB];
	_ =	sdelay $0x1  }
0x99: {  	s19 =	simm.s32 $_scs_section_size  }
0x9a: {  	s4 =	simm.s32 $_size__tile_overlayer_lowered;
	s5 =	simm.s32 $_tile_overlayer_lowered  }
0x9b: {  	s22 =	simm.s32 $0x1BFF;
	s21 =	sshll.u32 s5, $0x1;
	s2 =	sadd.s32 s19, s18  }
0x9c: {  	s6 =	simm.s32 $0x0;
	s20 =	sshll.u32 s4, $0x1;
	s4 =	sadd.s32 s21, s2  }
0x9d: {  	[timem:s6], [sflag:s22] =	dma.local [hbm:s4], s20  }
0x9e: {  	_ =	swait.ge [sflag:s22], s20  }
0x9f: {  	s3 =	ssub.s32 $0x0, s20;
	[sflag:s22] =	ssyncset.done $0x0  }
0xa0: {  	[sflag:s22] =	ssyncadd.s32 s3;
	_ =	sdelay $0x1  }
0xa1: {  	s23 =	simm.s32 $0x1B8B  }
0xa2: {  	_ =	swait.ge [sflag:s23], $0x1  }
0xa3: {  	[sflag:s23] =	ssyncset.done $0x0  }
0xa4: {  	s25 =	simm.s32 $0x1B8E;
	s24 =	sld [smem:$0x3FFE];
	[sflag:s23] =	ssyncadd.s32 $0xFFFFFFFF  }
0xa5: {  	s26 =	simm.s32 $execute0_lowered;
	[smem:$0x3FD2] =	sst s25  }
0xa6: {  	s4 =	sshll.u32 s26, $0x1;
	_ =	strace $0x80000049;
	[dreg:$0x1] =	wrdreg $0xFFFFFFFF  }
0xa7: {  	s28 =	simm.s32 $_size_execute0_lowered;
	s2 =	sadd.s32 s2, s4;
	[dreg:$0x0] =	wrdreg $0x0  }
0xa8: {  	s4 =	sshll.u32 s28, $0x1;
	[dreg:$0x2] =	wrdreg s2  }
0xa9: {  	[dreg:$0x3] =	wrdreg s4  }
0xaa: {  	[dreg:$0x4] =	wrdreg $0xC0  }
0xab: {  	_ =	task [dreg:s6], $0x5FFFF  }
0xac: {  	[dreg:$0x1] =	wrdreg $0xFFFFFFFF  }
0xad: {  	[dreg:$0x0] =	wrdreg $0x60  }
0xae: {  	[dreg:$0x2] =	wrdreg s24  }
0xaf: {  	[dreg:$0x3] =	wrdreg $0x81000  }
0xb0: {  	[dreg:$0x4] =	wrdreg $0x9  }
0xb1: {  	_ =	task.clear_ibuf [dreg:s6], $0x5FFFF;
	_ =	strace $0x90000049  }
0xb2: {  	s29 =	simm.s32 $0x9;
	_ =	strace $0x8000004B  }
0xb3: {  	_ =	swait.ge [sflag:s29], $0x1  }
0xb4: {  	[sflag:s29] =	ssyncadd.s32 $0xFFFFFFFF  }
0xb5: {  	_ =	strace $0x9000004B  }
0xb6: {  	_ =	sfence  }
0xb7: {  	s30 =	sld [smem:$0x0];
	_ =	sdelay $0x2  }
0xb8: {  	s31 =	sshll.u32 s1, $0xD;
	s1 =	sshrl.u32 s1, $0x2  }
0xb9: {  	s3 =	sand.u32 $0x4000, s31;
	s1 =	sadd.s32 s1, s30  }
0xba: {  	s0 =	sor.u32 s3, s0;
	s1 =	sshll.u32 s1, $0x11  }
0xbb: {  	s0 =	sor.u32 s1, s0  }
0xbc: {  	s0 =	sadd.s32 $0x8F2B, s0  }
0xbd: {  	[sflag:s0] =	ssyncadd.remote.s32 $0x1  }
0xbe: {  	_ =	sfence.sel $0xFFFF  }
0xbf: {  	[dreg:$0x0] =	wrdreg $0xFFFFFFFF;
	(pc) =	sbr.abs _section_cstart, $3  }
0xc0: {  	[dreg:$0x1] =	wrdreg $0xFFFFFFFF  }
0xc1: {  	_ =	task.clear_ibuf [dreg:s6], $0x2FFFF;
	_ =	strace $0x9FFFFFFF  }
0xc2: {  	(tm) =	ssettm $0x7FFFFFFF  }
0xc3: {  	_ =	shalt  }
tec
execute0_lowered:
.L_overlay_start_1:
0x0: {  	(tag) =	ssettag $0x1  }
0x1: {  	s4 =	rddreg [dreg:$0x0]  }
0x2: {  	s2 =	rddreg [dreg:$0x1]  }
0x3: {  	s0 =	rddreg [dreg:$0x2]  }
0x4: {  	s1 =	stileid.u32;
	s6 =	srdreg.scid  }
0x5: {  	s3 =	simm.s32 $0x0;
	s16 =	simm.s32 $0x1;
	s17 =	simm.s32 $0x3  }
0x6: {  	s18 =	simm.s32 $0x2;
	s19 =	simm.s32 $0x4;
	s5 =	smul.u32 $0x50000, s1  }
0x7: {  	s20 =	simm.s32 $0x0;
	s7 =	smul.u32 $0x2800, s1;
	s6 =	sand.u32 $0x1, s6  }
0x8: {  	[smem:$0x7FF] =	sst s3;
	s10 =	sadd.s32 $0xA200, s4;
	s13 =	smul.u32 $0x5000, s1  }
0x9: {  	s29 =	sshll.u32 s1, $0x6;
	s8 =	smul.u32 $0x28000, s6;
	_ =	strace $0x8000004A  }
0xa: {  	s12 =	ssub.s32 $0x2, s6;
	s14 =	smul.u32 $0x2800, s6;
	s9 =	sadd.s32 s5, s4  }
0xb: {  	s11 =	sadd.s32 s7, s4;
	s26 =	sshrl.u32 s12, $0x1;
	s28 =	sshrl.u32 s5, $0x2  }
0xc: {  	s5 =	sor.u32 $0x1C05, s29;
	s7 =	sadd.s32 s7, s8;
	s12 =	ssub.s32 s12, s26  }
0xd: {  	s15 =	sadd.s32 s28, s2;
	s30 =	sadd.s32 s14, s13;
	s8 =	sadd.s32 s8, s9  }
0xe: {  	s13 =	simm.s32 $0x100;
	s14 =	simm.s32 $0x80;
	s7 =	sadd.s32 s7, s4  }
0xf: {  	s4 =	sadd.s32 $0x53DC00, s11;
	s31 =	sor.u32 $0x80, s30;
	s8 =	sadd.s32 $0xF1EA00, s8  }
0x10: {  	s11 =	sshrl.u32 s30, $0x3;
	s6 =	sadd.s32 $0x565C00, s7;
	s9 =	sshrl.u32 s31, $0x3  }
0x11: {  	s7 =	smax.u32 s12, $0x1;
	s12 =	simm.s32 $0x5;
	s9 =	sadd.s32 s9, s10  }
0x12: {  	s10 =	sadd.s32 s11, s10;
	s11 =	sshrl.u32 s15, $0x3;
	s15 =	simm.s32 $0x4100  }
.LBB2_1:
0x13: {  	[spmem:s11], [sflag:s5] =	dma.local [hbm:s4], $0x2800  }
0x14: {  	_ =	swait.ge [sflag:s12], $0x2800  }
0x15: {  	[sflag:s12] =	ssyncset.done $0x0  }
0x16: {  	[sflag:s12] =	ssyncadd.s32 $0xFFFFD800  }
0x17: {  	s21 =	sadd.s32 $0x0, s10;
	[bflag:$0x0] =	sbarrier.arrive $0xFFFF  }
0x18: {  	[tilespmem:s3], [sflag:$0x1] =	stream.linear.gather [hbm4b:s21+s3], $0x80, $0x38;
	[tilespmem:$0x1C100] =	vst v63  }
0x19: {  	s30 =	sadd.s32 $0xFFFFF800, s8  }
0x1a: {  	[tilespmem:s13], [sflag:$0x3] =	stream.linear.gather [hbm4b:s30+s3], $0x4000, $0x38;
	[tilespmem:$0x1C100] =	vst v63  }
0x1b: {  	s31 =	sadd.s32 $0x0, s9  }
0x1c: {  	[tilespmem:s14], [sflag:$0x2] =	stream.linear.gather [hbm4b:s31+s3], $0x80, $0x38;
	[tilespmem:$0x1C100] =	vst v63  }
0x1d: {  	_ = 	snop  }
0x1e: {  	[tilespmem:s15], [sflag:$0x4] =	stream.linear.gather [hbm4b:s8+s3], $0x4000, $0x38;
	[tilespmem:$0x1C100] =	vst v63  }
0x1f: {  	_ =	swait.ge [sflag:s16], $0x80  }
0x20: {  	[sflag:s16] =	ssyncset.done $0x0  }
0x21: {  	[sflag:s16] =	ssyncadd.s32 $0xFFFFFF80  }
0x22: {  	_ =	swait.ge [sflag:s17], $0x4000  }
0x23: {  	[sflag:s17] =	ssyncset.done $0x0  }
0x24: {  	[sflag:s17] =	ssyncadd.s32 $0xFFFFC000  }
0x25: {  	[spmem:s2] =	stream.indirect.scatter.add.f32 [tilespmem:s13], [sflag:$0x5], $0x80, s3, s14, $0xb8;
	[tilespmem:$0x1C100] =	vst v63  }
0x26: {  	_ =	swait.ge [sflag:s12], $0x4000  }
0x27: {  	[sflag:s12] =	ssyncset.done $0x0  }
0x28: {  	[sflag:s12] =	ssyncadd.s32 $0xFFFFC000  }
0x29: {  	_ =	swait.ge [sflag:s18], $0x80  }
0x2a: {  	[sflag:s18] =	ssyncset.done $0x0  }
0x2b: {  	[sflag:s18] =	ssyncadd.s32 $0xFFFFFF80  }
0x2c: {  	_ =	swait.ge [sflag:s19], $0x4000  }
0x2d: {  	[sflag:s19] =	ssyncset.done $0x0  }
0x2e: {  	[sflag:s19] =	ssyncadd.s32 $0xFFFFC000  }
0x2f: {  	[spmem:s2] =	stream.indirect.scatter.add.f32 [tilespmem:s15], [sflag:$0x5], $0x80, s14, s14, $0xb8;
	[tilespmem:$0x1C100] =	vst v63  }
0x30: {  	s23 =	simm.s32 $0x40;
	_ =	swait.ge [sflag:s12], $0x4000  }
0x31: {  	s22 =	sadd.s32 $0x1000, s8;
	s21 =	simm.s32 $0x20;
	[sflag:s12] =	ssyncset.done $0x0  }
.LBB2_2:
0x32: {  	s24 =	sadd.s32 s21, s10  }
0x33: {  	[sflag:s12] =	ssyncadd.s32 $0xFFFFC000;
	s25 =	smov.u32 s23;
	s26 =	sadd.s32 $0x20, s23  }
0x34: {  	[tilespmem:s3], [sflag:$0x1] =	stream.linear.gather [hbm4b:s24+s3], $0x80, $0x38;
	[tilespmem:$0x1C100] =	vst v63  }
0x35: {  	p0 =	sne.s32 s23, $0x4E0;
	s23 =	sadd.s32 $0xFFFFF800, s22  }
0x36: {  	[tilespmem:s13], [sflag:$0x3] =	stream.linear.gather [hbm4b:s23+s3], $0x4000, $0x38;
	[tilespmem:$0x1C100] =	vst v63  }
0x37: {  	s23 =	sadd.s32 s21, s9;
	s21 =	smov.u32 s25  }
0x38: {  	[tilespmem:s14], [sflag:$0x2] =	stream.linear.gather [hbm4b:s23+s3], $0x80, $0x38;
	[tilespmem:$0x1C100] =	vst v63  }
0x39: {  	_ = 	snop  }
0x3a: {  	[tilespmem:s15], [sflag:$0x4] =	stream.linear.gather [hbm4b:s22+s3], $0x4000, $0x38;
	[tilespmem:$0x1C100] =	vst v63  }
0x3b: {  	_ =	swait.ge [sflag:s16], $0x80  }
0x3c: {  	[sflag:s16] =	ssyncset.done $0x0  }
0x3d: {  	[sflag:s16] =	ssyncadd.s32 $0xFFFFFF80  }
0x3e: {  	_ =	swait.ge [sflag:s17], $0x4000  }
0x3f: {  	[sflag:s17] =	ssyncset.done $0x0  }
0x40: {  	[sflag:s17] =	ssyncadd.s32 $0xFFFFC000  }
0x41: {  	[spmem:s2] =	stream.indirect.scatter.add.f32 [tilespmem:s13], [sflag:$0x5], $0x80, s3, s14, $0xb8;
	[tilespmem:$0x1C100] =	vst v63  }
0x42: {  	_ =	swait.ge [sflag:s12], $0x4000  }
0x43: {  	[sflag:s12] =	ssyncset.done $0x0  }
0x44: {  	[sflag:s12] =	ssyncadd.s32 $0xFFFFC000  }
0x45: {  	_ =	swait.ge [sflag:s18], $0x80  }
0x46: {  	[sflag:s18] =	ssyncset.done $0x0  }
0x47: {  	[sflag:s18] =	ssyncadd.s32 $0xFFFFFF80  }
0x48: {  	_ =	swait.ge [sflag:s19], $0x4000  }
.Ltmp0:
0x49: {  	[sflag:s19] =	ssyncset.done $0x0;
	(pc) =	sbr.rel @p0 .LBB2_2-.Ltmp0, $4  }
0x4a: {  	[sflag:s19] =	ssyncadd.s32 $0xFFFFC000  }
0x4b: {  	[spmem:s2] =	stream.indirect.scatter.add.f32 [tilespmem:s15], [sflag:$0x5], $0x80, s14, s14, $0xb8;
	[tilespmem:$0x1C100] =	vst v63  }
0x4c: {  	_ =	swait.ge [sflag:s12], $0x4000  }
0x4d: {  	s23 =	smov.u32 s26;
	s22 =	sadd.s32 $0x1000, s22;
	[sflag:s12] =	ssyncset.done $0x0  }
0x4e: {  	s23 =	sadd.s32 s21, s10;
	[sflag:s12] =	ssyncadd.s32 $0xFFFFC000  }
0x4f: {  	[tilespmem:s3], [sflag:$0x1] =	stream.linear.gather [hbm4b:s23+s3], $0x80, $0x38;
	[tilespmem:$0x1C100] =	vst v63  }
0x50: {  	s30 =	sadd.s32 $0xFFFFF800, s22  }
0x51: {  	[tilespmem:s13], [sflag:$0x3] =	stream.linear.gather [hbm4b:s30+s3], $0x4000, $0x38;
	[tilespmem:$0x1C100] =	vst v63  }
0x52: {  	s31 =	sadd.s32 s21, s9  }
0x53: {  	[tilespmem:s14], [sflag:$0x2] =	stream.linear.gather [hbm4b:s31+s3], $0x80, $0x38;
	[tilespmem:$0x1C100] =	vst v63  }
0x54: {  	_ = 	snop  }
0x55: {  	[tilespmem:s15], [sflag:$0x4] =	stream.linear.gather [hbm4b:s22+s3], $0x4000, $0x38;
	[tilespmem:$0x1C100] =	vst v63  }
0x56: {  	_ =	swait.ge [sflag:s16], $0x80  }
0x57: {  	[sflag:s16] =	ssyncset.done $0x0  }
0x58: {  	[sflag:s16] =	ssyncadd.s32 $0xFFFFFF80  }
0x59: {  	_ =	swait.ge [sflag:s17], $0x4000  }
0x5a: {  	[sflag:s17] =	ssyncset.done $0x0  }
0x5b: {  	[sflag:s17] =	ssyncadd.s32 $0xFFFFC000  }
0x5c: {  	[spmem:s2] =	stream.indirect.scatter.add.f32 [tilespmem:s13], [sflag:$0x5], $0x80, s3, s14, $0xb8;
	[tilespmem:$0x1C100] =	vst v63  }
0x5d: {  	_ =	swait.ge [sflag:s12], $0x4000  }
0x5e: {  	[sflag:s12] =	ssyncset.done $0x0  }
0x5f: {  	[sflag:s12] =	ssyncadd.s32 $0xFFFFC000  }
0x60: {  	_ =	swait.ge [sflag:s18], $0x80  }
0x61: {  	[sflag:s18] =	ssyncset.done $0x0  }
0x62: {  	[sflag:s18] =	ssyncadd.s32 $0xFFFFFF80  }
0x63: {  	_ =	swait.ge [sflag:s19], $0x4000  }
0x64: {  	[sflag:s19] =	ssyncset.done $0x0  }
0x65: {  	[sflag:s19] =	ssyncadd.s32 $0xFFFFC000  }
0x66: {  	[spmem:s2] =	stream.indirect.scatter.add.f32 [tilespmem:s15], [sflag:$0x5], $0x80, s14, s14, $0xb8;
	[tilespmem:$0x1C100] =	vst v63  }
0x67: {  	_ =	swait.ge [sflag:s12], $0x4000  }
0x68: {  	s20 =	sadd.s32 $0x1, s20;
	[sflag:s12] =	ssyncset.done $0x0  }
0x69: {  	p0 =	sne.s32 s20, s7;
	[sflag:s12] =	ssyncadd.s32 $0xFFFFC000  }
.Ltmp1:
0x6a: {  	[bflag:$0x0] =	sbarrier.arrive $0xFFFF;
	(pc) =	sbr.rel @p0 .LBB2_1-.Ltmp1, $4  }
0x6b: {  	[hbm:s6], [sflag:s5] =	dma.local [spmem:s11], $0x2800  }
0x6c: {  	_ =	swait.ge [sflag:s12], $0x2800  }
0x6d: {  	[sflag:s12] =	ssyncset.done $0x0  }
0x6e: {  	[sflag:s12] =	ssyncadd.s32 $0xFFFFD800  }
0x6f: {  	_ =	sfence.sel $0x180000  }
0x70: {  	[bflag:$0x0] =	sbarrier.arrive $0xFFFF  }
0x71: {  	p0 =	sne.s32 s1, $0x0;
	_ =	strace $0x9000004A  }
0x72: {  	s0 =	sadd.s32 @!p0 $0x100000, s0;
	[bflag:$0x2] =	sbarrier.arrive $0xFFFF  }
0x73: {  	[sflag:s0] =	ssyncadd.tile.s32 @!p0 $0x1;
	_ =	shalt  }
.Lfunc_end2:
_tile_overlayer_lowered:
.L_overlay_start_2:
0x74: {  	(tag) =	ssettag $0x2  }
0x75: {  	s0 =	rddreg [dreg:$0x0];
	s2 =	stileid.u32  }
0x76: {  	s1 =	rddreg [dreg:$0x1];
	p0 =	sne.s32 s2, $0x0  }
0x77: {  	s3 =	rddreg [dreg:$0x2];
	[bflag:$0x3] =	sbarrier.arrive $0xFFFF;
	s2 =	simm.s32 @!p0 $0x1C05  }
0x78: {  	[timem:s3], [sflag:s2] =	dma.local @!p0 [hbm:s0], s1  }
0x79: {  	s0 =	simm.s32 @!p0 $0x5  }
0x7a: {  	_ =	swait.ge @!p0 [sflag:s0], s1  }
0x7b: {  	s1 =	ssub.s32 @!p0 $0x0, s1;
	[sflag:s0] =	ssyncset.done @!p0 $0x0  }
0x7c: {  	[sflag:s0] =	ssyncadd.s32 @!p0 s1  }
0x7d: {  	[bflag:$0x3] =	sbarrier.arrive $0xFFFF  }
0x7e: {  	_ =	shalt  }

// kernel: kernel.28.cloned.1.call-start
scs
__scs_entry_jumppad:
0x0: {  	(pc) =	sbr.rel $0x88, $3  }
0x1: {  	(tag) =	ssettag $0x0;
	lr =	simm.s32 $0x1  }
0x2: {  	[smem:$0x3F8D] =	sst lr;
	_ =	strace $0xD0000000  }
0x3: {  	_ = 	snop  }
0x4: {  	_ = 	snop  }
0x5: {  	_ = 	snop  }
0x6: {  	_ = 	snop  }
0x7: {  	_ = 	snop  }
__scs_overlays_trampoline_lowered:
0x8: {  	[smem:$0x3F9C] =	sst s0  }
0x9: {  	[smem:$0x3F9D] =	sst s1  }
0xa: {  	[smem:$0x3F9E] =	sst s2  }
0xb: {  	[smem:$0x3F9F] =	sst s3  }
0xc: {  	[smem:$0x3FA0] =	sst s4  }
0xd: {  	[smem:$0x3FA1] =	sst s5  }
0xe: {  	[smem:$0x3FA2] =	sst s6  }
0xf: {  	[smem:$0x3FA3] =	sst s7  }
0x10: {  	[smem:$0x3FA4] =	sst s8  }
0x11: {  	[smem:$0x3FA5] =	sst s9;
	s0 =	simm.s32 @!p0 $0x0  }
0x12: {  	s1 =	sld [smem:$0x3F8B];
	s0 =	simm.s32 @p0 $0x1  }
0x13: {  	[smem:$0x3FA6] =	sst s0;
	s0 =	simm.s32 @!p1 $0x0  }
0x14: {  	s2 =	sld [smem:$0x3F8A];
	s0 =	simm.s32 @p1 $0x1  }
0x15: {  	[smem:$0x3FA7] =	sst s0;
	s0 =	simm.s32 @!p2 $0x0  }
0x16: {  	s3 =	sld [smem:$0x3FDB];
	s0 =	simm.s32 @p2 $0x1  }
0x17: {  	s4 =	simm.s32 $0x1BF5;
	[smem:$0x3FA9] =	sst s0  }
0x18: {  	s0 =	sld [smem:$0x3F8C];
	_ =	swait.ge [sflag:s4], $0x0  }
0x19: {  	s7 =	sld [smem:$0x3F8D]  }
0x1a: {  	s8 =	sadd.s32 $0xFFFFE003, lr  }
0x1b: {  	s9 =	sadd.s32 $0xFFFFFEF7, lr;
	s5 =	simm.s32 $0xFFFFFFFF;
	p2 =	slt.u32 s8, $0xFFFFF086  }
0x1c: {  	p1 =	slt.u32 s9, $0xF7A;
	s5 =	simm.s32 @!p2 $0x0  }
0x1d: {  	s5 =	simm.s32 @p1 $0x1;
	p0 =	seq.s32 s7, s2  }
0x1e: {  	s7 =	smul.u32 @!p0 $0xF7A, s2;
	p2 =	seq.s32 @!p0 s5, $0x0  }
0x1f: {  	s9 =	smul.u32 $0xF7A, s1;
	s8 =	simm.s32 @!p0 $0x1BF5;
	p2 =	por !p2, p0  }
0x20: {  	[sflag:s8] =	ssyncset.s32 @!p0 $0xFFFFF086;
	s6 =	sadd.s32 @!p0 s3, s7;
	s7 =	simm.s32 @!p0 $0x108  }
0x21: {  	s3 =	sadd.s32 s3, s9;
	s6 =	sadd.s32 @!p0 $0x88, s6;
	s7 =	simm.s32 @p2 $0x1082  }
0x22: {  	[simem:s7], [sflag:s8] =	dma.local @!p0 [hbm:s6], $0xF7A  }
0x23: {  	s9 =	sor.u32 $0xD0000000, s2;
	s6 =	simm.s32 $0x108;
	_ =	swait.ge @!p0 [sflag:s8], $0x0  }
0x24: {  	s3 =	sadd.s32 $0x88, s3;
	s6 =	simm.s32 @!p1 $0x1082;
	[sflag:s4] =	ssyncset.s32 $0xFFFFF086  }
0x25: {  	[simem:s6], [sflag:s4] =	dma.local [hbm:s3], $0xF7A  }
0x26: {  	[smem:$0x3F8D] =	sst s1;
	(tag) =	ssettag s2;
	_ =	strace s9  }
0x27: {  	s1 =	sld [smem:$0x3F9D]  }
0x28: {  	s2 =	sld [smem:$0x3F9E]  }
0x29: {  	s4 =	sld [smem:$0x3FA0]  }
0x2a: {  	p0 =	seq.s32 s5, $0x0;
	s5 =	sld [smem:$0x3FA1]  }
0x2b: {  	s6 =	sld [smem:$0x3FA2]  }
0x2c: {  	s7 =	sld [smem:$0x3FA3]  }
0x2d: {  	s3 =	simm.s32 $0x108;
	s8 =	sld [smem:$0x3FA4]  }
0x2e: {  	s3 =	simm.s32 @!p0 $0x1082;
	s9 =	sld [smem:$0x3FA5]  }
0x2f: {  	lr =	sadd.s32 s0, s3;
	s0 =	sld [smem:$0x3F9C]  }
0x30: {  	s3 =	sld [smem:$0x3F9F]  }
0x31: {  	[smem:$0x3FA8] =	sst s10  }
0x32: {  	s10 =	sld [smem:$0x3FA6];
	_ =	sdelay $0x3  }
0x33: {  	p0 =	seq.s32 s10, $0x1;
	s10 =	sld [smem:$0x3FA8];
	_ =	sdelay $0x3  }
0x34: {  	[smem:$0x3FA8] =	sst s10  }
0x35: {  	s10 =	sld [smem:$0x3FA7];
	_ =	sdelay $0x3  }
0x36: {  	p1 =	seq.s32 s10, $0x1;
	s10 =	sld [smem:$0x3FA8];
	_ =	sdelay $0x3  }
0x37: {  	[smem:$0x3FA8] =	sst s10  }
0x38: {  	s10 =	sld [smem:$0x3FA9]  }
0x39: {  	_ = 	snop;
	(pc) =	sbr.ind lr, $3  }
0x3a: {  	_ = 	snop  }
0x3b: {  	_ = 	snop  }
0x3c: {  	p2 =	seq.s32 s10, $0x1;
	s10 =	sld [smem:$0x3FA8]  }
0x3d: {  	_ =	shalt  }
0x3e: {  	_ =	shalt  }
0x3f: {  	_ =	shalt  }
0x40: {  	_ =	shalt  }
0x41: {  	_ =	shalt  }
0x42: {  	_ =	shalt  }
0x43: {  	_ =	shalt  }
0x44: {  	_ =	shalt  }
0x45: {  	_ =	shalt  }
0x46: {  	_ =	shalt  }
0x47: {  	_ =	shalt  }
0x48: {  	_ =	shalt  }
0x49: {  	_ =	shalt  }
0x4a: {  	_ =	shalt  }
0x4b: {  	_ =	shalt  }
0x4c: {  	_ =	shalt  }
0x4d: {  	_ =	shalt  }
0x4e: {  	_ =	shalt  }
0x4f: {  	_ =	shalt  }
0x50: {  	_ =	shalt  }
0x51: {  	_ =	shalt  }
0x52: {  	_ =	shalt  }
0x53: {  	_ =	shalt  }
0x54: {  	_ =	shalt  }
0x55: {  	_ =	shalt  }
0x56: {  	_ =	shalt  }
0x57: {  	_ =	shalt  }
0x58: {  	_ =	shalt  }
0x59: {  	_ =	shalt  }
0x5a: {  	_ =	shalt  }
0x5b: {  	_ =	shalt  }
0x5c: {  	_ =	shalt  }
0x5d: {  	_ =	shalt  }
0x5e: {  	_ =	shalt  }
0x5f: {  	_ =	shalt  }
0x60: {  	_ =	shalt  }
0x61: {  	_ =	shalt  }
0x62: {  	_ =	shalt  }
0x63: {  	_ =	shalt  }
0x64: {  	_ =	shalt  }
0x65: {  	_ =	shalt  }
0x66: {  	_ =	shalt  }
0x67: {  	_ =	shalt  }
0x68: {  	_ =	shalt  }
0x69: {  	_ =	shalt  }
0x6a: {  	_ =	shalt  }
0x6b: {  	_ =	shalt  }
0x6c: {  	_ =	shalt  }
0x6d: {  	_ =	shalt  }
0x6e: {  	_ =	shalt  }
0x6f: {  	_ =	shalt  }
0x70: {  	_ =	shalt  }
0x71: {  	_ =	shalt  }
0x72: {  	_ =	shalt  }
0x73: {  	_ =	shalt  }
0x74: {  	_ =	shalt  }
0x75: {  	_ =	shalt  }
0x76: {  	_ =	shalt  }
0x77: {  	_ =	shalt  }
0x78: {  	_ =	shalt  }
0x79: {  	_ =	shalt  }
0x7a: {  	_ =	shalt  }
0x7b: {  	_ =	shalt  }
0x7c: {  	_ =	shalt  }
0x7d: {  	_ =	shalt  }
0x7e: {  	_ =	shalt  }
0x7f: {  	_ =	shalt  }
0x80: {  	_ =	shalt  }
0x81: {  	_ =	shalt  }
0x82: {  	_ =	shalt  }
0x83: {  	_ =	shalt  }
0x84: {  	_ =	shalt  }
0x85: {  	_ =	shalt  }
0x86: {  	_ =	shalt  }
0x87: {  	_ =	shalt  }
.Lfunc_end0:
.L_simem_size_0:
called_computation.2_lowered:
.L_overlay_start_0:
0x88: {  	s2 =	sld [smem:$0x3FD9]  }
0x89: {  	s3 =	sld [smem:$0x3FFE];
	_ =	sdelay $0x1  }
0x8a: {  	s1 =	srdreg.scid  }
0x8b: {  	s0 =	sand.u32 $0x1, s1  }
0x8c: {  	s16 =	sshll.u32 s0, $0xA;
	s2 =	sadd.s32 s3, s2  }
0x8d: {  	s2 =	sadd.s32 s2, s16  }
0x8e: {  	[smem:$0x3FB4] =	sst s2  }
0x8f: {  	_ = 	snop  }
0x90: {  	(tm) =	ssettm $0x1  }
0x91: {  	s17 =	sld [smem:$0x3FFB];
	_ =	sdelay $0x3  }
0x92: {  	_ =	strace s17  }
0x93: {  	s2 =	sld [smem:$0x3FFC];
	_ =	sdelay $0x3  }
0x94: {  	_ =	strace s2  }
0x95: {  	s2 =	sld [smem:$0x3FFD];
	_ =	sdelay $0x3  }
0x96: {  	_ =	strace s2  }
0x97: {  	_ =	strace $0x8FFFFFFF  }
0x98: {  	s18 =	sld [smem:$0x3FDB];
	_ =	sdelay $0x1  }
0x99: {  	s19 =	simm.s32 $_scs_section_size  }
0x9a: {  	s4 =	simm.s32 $_size__tile_overlayer_lowered;
	s5 =	simm.s32 $_tile_overlayer_lowered  }
0x9b: {  	s22 =	simm.s32 $0x1BFF;
	s21 =	sshll.u32 s5, $0x1;
	s2 =	sadd.s32 s19, s18  }
0x9c: {  	s6 =	simm.s32 $0x0;
	s20 =	sshll.u32 s4, $0x1;
	s4 =	sadd.s32 s21, s2  }
0x9d: {  	[timem:s6], [sflag:s22] =	dma.local [hbm:s4], s20  }
0x9e: {  	_ =	swait.ge [sflag:s22], s20  }
0x9f: {  	s3 =	ssub.s32 $0x0, s20;
	[sflag:s22] =	ssyncset.done $0x0  }
0xa0: {  	[sflag:s22] =	ssyncadd.s32 s3;
	_ =	sdelay $0x1  }
0xa1: {  	s23 =	simm.s32 $0x1B8B  }
0xa2: {  	_ =	swait.ge [sflag:s23], $0x1  }
0xa3: {  	[sflag:s23] =	ssyncset.done $0x0  }
0xa4: {  	s25 =	simm.s32 $0x1B8E;
	s24 =	sld [smem:$0x3FFE];
	[sflag:s23] =	ssyncadd.s32 $0xFFFFFFFF  }
0xa5: {  	s26 =	simm.s32 $execute0_lowered;
	[smem:$0x3FD2] =	sst s25  }
0xa6: {  	s4 =	sshll.u32 s26, $0x1;
	_ =	strace $0x8000004C;
	[dreg:$0x1] =	wrdreg $0xFFFFFFFF  }
0xa7: {  	s28 =	simm.s32 $_size_execute0_lowered;
	s2 =	sadd.s32 s2, s4;
	[dreg:$0x0] =	wrdreg $0x0  }
0xa8: {  	s4 =	sshll.u32 s28, $0x1;
	[dreg:$0x2] =	wrdreg s2  }
0xa9: {  	[dreg:$0x3] =	wrdreg s4  }
0xaa: {  	[dreg:$0x4] =	wrdreg $0xC0  }
0xab: {  	_ =	task [dreg:s6], $0x5FFFF  }
0xac: {  	[dreg:$0x1] =	wrdreg $0xFFFFFFFF  }
0xad: {  	[dreg:$0x0] =	wrdreg $0x60  }
0xae: {  	[dreg:$0x2] =	wrdreg s24  }
0xaf: {  	[dreg:$0x3] =	wrdreg $0x81000  }
0xb0: {  	[dreg:$0x4] =	wrdreg $0x9  }
0xb1: {  	_ =	task.clear_ibuf [dreg:s6], $0x5FFFF;
	_ =	strace $0x9000004C  }
0xb2: {  	s29 =	simm.s32 $0x9;
	_ =	strace $0x8000004E  }
0xb3: {  	_ =	swait.ge [sflag:s29], $0x1  }
0xb4: {  	[sflag:s29] =	ssyncadd.s32 $0xFFFFFFFF  }
0xb5: {  	_ =	strace $0x9000004E  }
0xb6: {  	_ =	sfence  }
0xb7: {  	s30 =	sld [smem:$0x0];
	_ =	sdelay $0x2  }
0xb8: {  	s31 =	sshll.u32 s1, $0xD;
	s1 =	sshrl.u32 s1, $0x2  }
0xb9: {  	s3 =	sand.u32 $0x4000, s31;
	s1 =	sadd.s32 s1, s30  }
0xba: {  	s0 =	sor.u32 s3, s0;
	s1 =	sshll.u32 s1, $0x11  }
0xbb: {  	s0 =	sor.u32 s1, s0  }
0xbc: {  	s0 =	sadd.s32 $0x8F2B, s0  }
0xbd: {  	[sflag:s0] =	ssyncadd.remote.s32 $0x1  }
0xbe: {  	_ =	sfence.sel $0xFFFF  }
0xbf: {  	[dreg:$0x0] =	wrdreg $0xFFFFFFFF;
	(pc) =	sbr.abs _section_cstart, $3  }
0xc0: {  	[dreg:$0x1] =	wrdreg $0xFFFFFFFF  }
0xc1: {  	_ =	task.clear_ibuf [dreg:s6], $0x2FFFF;
	_ =	strace $0x9FFFFFFF  }
0xc2: {  	(tm) =	ssettm $0x7FFFFFFF  }
0xc3: {  	_ =	shalt  }
tec
execute0_lowered:
.L_overlay_start_1:
0x0: {  	(tag) =	ssettag $0x1  }
0x1: {  	s4 =	rddreg [dreg:$0x0]  }
0x2: {  	s2 =	rddreg [dreg:$0x1]  }
0x3: {  	s0 =	rddreg [dreg:$0x2];
	s3 =	simm.s32 $0x0  }
0x4: {  	s1 =	stileid.u32;
	s7 =	srdreg.scid;
	s14 =	simm.s32 $0x100  }
0x5: {  	s15 =	simm.s32 $0x2;
	s16 =	simm.s32 $0x4100;
	s17 =	simm.s32 $0x3  }
0x6: {  	s18 =	simm.s32 $0x4;
	s19 =	simm.s32 $0x5;
	s5 =	smul.u32 $0x2800, s1  }
0x7: {  	s20 =	simm.s32 $0x6;
	s21 =	simm.s32 $0x0;
	s6 =	smul.u32 $0x50000, s1  }
0x8: {  	[smem:$0x7FF] =	sst s3;
	s7 =	sand.u32 $0x1, s7;
	s10 =	smul.u32 $0x5000, s1  }
0x9: {  	s9 =	sadd.s32 $0xA200, s4;
	s29 =	sshll.u32 s1, $0x6;
	s12 =	smul.u32 $0x2800, s7  }
0xa: {  	_ =	strace $0x8000004D;
	s28 =	ssub.s32 $0x2, s7;
	s7 =	smul.u32 $0x28000, s7  }
0xb: {  	s8 =	sadd.s32 s6, s4;
	s11 =	sshrl.u32 s28, $0x1;
	s6 =	sshrl.u32 s6, $0x2  }
0xc: {  	s5 =	sadd.s32 s5, s4;
	s11 =	ssub.s32 s28, s11;
	s13 =	sadd.s32 s6, s2  }
0xd: {  	s4 =	sadd.s32 $0x58CE00, s5;
	s10 =	sadd.s32 s12, s10;
	s5 =	sor.u32 $0x1C07, s29  }
0xe: {  	s7 =	sadd.s32 s7, s8;
	s12 =	simm.s32 $0x80;
	s30 =	sor.u32 $0x80, s10  }
0xf: {  	s6 =	smax.u32 s11, $0x1;
	s10 =	sshrl.u32 s10, $0x3;
	s31 =	sshrl.u32 s30, $0x3  }
0x10: {  	s7 =	sadd.s32 $0x14A00, s7;
	s11 =	simm.s32 $0x7;
	s8 =	sadd.s32 s31, s9  }
0x11: {  	s9 =	sadd.s32 s10, s9;
	s10 =	sshrl.u32 s13, $0x3;
	s13 =	simm.s32 $0x1  }
.LBB2_1:
0x12: {  	[spmem:s10], [sflag:s5] =	dma.local [hbm:s4], $0x2800  }
0x13: {  	_ =	swait.ge [sflag:s11], $0x2800  }
0x14: {  	[sflag:s11] =	ssyncset.done $0x0  }
0x15: {  	[sflag:s11] =	ssyncadd.s32 $0xFFFFD800  }
0x16: {  	s22 =	sadd.s32 $0x0, s9;
	[bflag:$0x0] =	sbarrier.arrive $0xFFFF  }
0x17: {  	[tilespmem:s3], [sflag:$0x1] =	stream.linear.gather [hbm4b:s22+s3], $0x80, $0x38;
	[tilespmem:$0x1C100] =	vst v63  }
0x18: {  	s30 =	sadd.s32 $0x0, s8  }
0x19: {  	[tilespmem:s12], [sflag:$0x2] =	stream.linear.gather [hbm4b:s30+s3], $0x80, $0x38;
	[tilespmem:$0x1C100] =	vst v63  }
0x1a: {  	_ =	swait.ge [sflag:s13], $0x80  }
0x1b: {  	[sflag:s13] =	ssyncset.done $0x0  }
0x1c: {  	[sflag:s13] =	ssyncadd.s32 $0xFFFFFF80  }
0x1d: {  	[tilespmem:s14], [sflag:$0x3] =	stream.indirect.gather [spmem:s2], $0x80, s3, s12, $0xb8;
	[tilespmem:$0x1C100] =	vst v63  }
0x1e: {  	_ =	swait.ge [sflag:s15], $0x80  }
0x1f: {  	[sflag:s15] =	ssyncset.done $0x0  }
0x20: {  	[sflag:s15] =	ssyncadd.s32 $0xFFFFFF80  }
0x21: {  	[tilespmem:s16], [sflag:$0x4] =	stream.indirect.gather [spmem:s2], $0x80, s12, s12, $0xb8;
	[tilespmem:$0x1C100] =	vst v63  }
0x22: {  	_ =	swait.ge [sflag:s17], $0x4000  }
0x23: {  	[sflag:s17] =	ssyncset.done $0x0  }
0x24: {  	s31 =	sadd.s32 $0xFFFFF800, s7;
	[sflag:s17] =	ssyncadd.s32 $0xFFFFC000  }
0x25: {  	[hbm4b:s31+s3] =	stream.linear.scatter [tilespmem:s14], [sflag:$0x5], $0x4000, $0x38;
	[tilespmem:$0x1C100] =	vst v63  }
0x26: {  	_ =	swait.ge [sflag:s18], $0x4000  }
0x27: {  	[sflag:s18] =	ssyncset.done $0x0  }
0x28: {  	[sflag:s18] =	ssyncadd.s32 $0xFFFFC000  }
0x29: {  	[hbm4b:s7+s3] =	stream.linear.scatter [tilespmem:s16], [sflag:$0x6], $0x4000, $0x38;
	[tilespmem:$0x1C100] =	vst v63  }
0x2a: {  	_ =	swait.ge [sflag:s19], $0x4000  }
0x2b: {  	[sflag:s19] =	ssyncset.done $0x0  }
0x2c: {  	[sflag:s19] =	ssyncadd.s32 $0xFFFFC000  }
0x2d: {  	s23 =	simm.s32 $0x20;
	_ =	swait.ge [sflag:s20], $0x4000  }
0x2e: {  	s24 =	simm.s32 $0x40;
	s22 =	sadd.s32 $0x1000, s7;
	[sflag:s20] =	ssyncset.done $0x0  }
.LBB2_2:
0x2f: {  	s25 =	sadd.s32 s23, s9  }
0x30: {  	[sflag:s20] =	ssyncadd.s32 $0xFFFFC000;
	s26 =	smov.u32 s24;
	s28 =	sadd.s32 $0x20, s24  }
0x31: {  	[tilespmem:s3], [sflag:$0x1] =	stream.linear.gather [hbm4b:s25+s3], $0x80, $0x38;
	[tilespmem:$0x1C100] =	vst v63  }
0x32: {  	p0 =	sne.s32 s24, $0x4E0;
	s24 =	sadd.s32 s23, s8;
	s23 =	smov.u32 s26  }
0x33: {  	[tilespmem:s12], [sflag:$0x2] =	stream.linear.gather [hbm4b:s24+s3], $0x80, $0x38;
	[tilespmem:$0x1C100] =	vst v63  }
0x34: {  	_ =	swait.ge [sflag:s13], $0x80  }
0x35: {  	[sflag:s13] =	ssyncset.done $0x0  }
0x36: {  	[sflag:s13] =	ssyncadd.s32 $0xFFFFFF80  }
0x37: {  	[tilespmem:s14], [sflag:$0x3] =	stream.indirect.gather [spmem:s2], $0x80, s3, s12, $0xb8;
	[tilespmem:$0x1C100] =	vst v63  }
0x38: {  	_ =	swait.ge [sflag:s15], $0x80  }
0x39: {  	[sflag:s15] =	ssyncset.done $0x0  }
0x3a: {  	[sflag:s15] =	ssyncadd.s32 $0xFFFFFF80  }
0x3b: {  	[tilespmem:s16], [sflag:$0x4] =	stream.indirect.gather [spmem:s2], $0x80, s12, s12, $0xb8;
	[tilespmem:$0x1C100] =	vst v63  }
0x3c: {  	_ =	swait.ge [sflag:s17], $0x4000  }
0x3d: {  	[sflag:s17] =	ssyncset.done $0x0  }
0x3e: {  	s24 =	sadd.s32 $0xFFFFF800, s22;
	[sflag:s17] =	ssyncadd.s32 $0xFFFFC000  }
0x3f: {  	[hbm4b:s24+s3] =	stream.linear.scatter [tilespmem:s14], [sflag:$0x5], $0x4000, $0x38;
	[tilespmem:$0x1C100] =	vst v63  }
0x40: {  	_ =	swait.ge [sflag:s18], $0x4000  }
0x41: {  	[sflag:s18] =	ssyncset.done $0x0  }
0x42: {  	[sflag:s18] =	ssyncadd.s32 $0xFFFFC000  }
0x43: {  	[hbm4b:s22+s3] =	stream.linear.scatter [tilespmem:s16], [sflag:$0x6], $0x4000, $0x38;
	[tilespmem:$0x1C100] =	vst v63  }
.Ltmp0:
0x44: {  	_ =	swait.ge [sflag:s19], $0x4000;
	(pc) =	sbr.rel @p0 .LBB2_2-.Ltmp0, $4  }
0x45: {  	[sflag:s19] =	ssyncset.done $0x0  }
0x46: {  	[sflag:s19] =	ssyncadd.s32 $0xFFFFC000  }
0x47: {  	_ =	swait.ge [sflag:s20], $0x4000  }
0x48: {  	s24 =	smov.u32 s28;
	s22 =	sadd.s32 $0x1000, s22;
	[sflag:s20] =	ssyncset.done $0x0  }
0x49: {  	s24 =	sadd.s32 s23, s9;
	[sflag:s20] =	ssyncadd.s32 $0xFFFFC000  }
0x4a: {  	[tilespmem:s3], [sflag:$0x1] =	stream.linear.gather [hbm4b:s24+s3], $0x80, $0x38;
	[tilespmem:$0x1C100] =	vst v63  }
0x4b: {  	s30 =	sadd.s32 s23, s8  }
0x4c: {  	[tilespmem:s12], [sflag:$0x2] =	stream.linear.gather [hbm4b:s30+s3], $0x80, $0x38;
	[tilespmem:$0x1C100] =	vst v63  }
0x4d: {  	_ =	swait.ge [sflag:s13], $0x80  }
0x4e: {  	[sflag:s13] =	ssyncset.done $0x0  }
0x4f: {  	[sflag:s13] =	ssyncadd.s32 $0xFFFFFF80  }
0x50: {  	[tilespmem:s14], [sflag:$0x3] =	stream.indirect.gather [spmem:s2], $0x80, s3, s12, $0xb8;
	[tilespmem:$0x1C100] =	vst v63  }
0x51: {  	_ =	swait.ge [sflag:s15], $0x80  }
0x52: {  	[sflag:s15] =	ssyncset.done $0x0  }
0x53: {  	[sflag:s15] =	ssyncadd.s32 $0xFFFFFF80  }
0x54: {  	[tilespmem:s16], [sflag:$0x4] =	stream.indirect.gather [spmem:s2], $0x80, s12, s12, $0xb8;
	[tilespmem:$0x1C100] =	vst v63  }
0x55: {  	_ =	swait.ge [sflag:s17], $0x4000  }
0x56: {  	[sflag:s17] =	ssyncset.done $0x0  }
0x57: {  	s31 =	sadd.s32 $0xFFFFF800, s22;
	[sflag:s17] =	ssyncadd.s32 $0xFFFFC000  }
0x58: {  	[hbm4b:s31+s3] =	stream.linear.scatter [tilespmem:s14], [sflag:$0x5], $0x4000, $0x38;
	[tilespmem:$0x1C100] =	vst v63  }
0x59: {  	_ =	swait.ge [sflag:s18], $0x4000  }
0x5a: {  	[sflag:s18] =	ssyncset.done $0x0  }
0x5b: {  	s21 =	sadd.s32 $0x1, s21;
	[sflag:s18] =	ssyncadd.s32 $0xFFFFC000  }
0x5c: {  	[hbm4b:s22+s3] =	stream.linear.scatter [tilespmem:s16], [sflag:$0x6], $0x4000, $0x38;
	[tilespmem:$0x1C100] =	vst v63  }
0x5d: {  	p0 =	sne.s32 s21, s6;
	_ =	swait.ge [sflag:s19], $0x4000  }
.Ltmp1:
0x5e: {  	[sflag:s19] =	ssyncset.done $0x0;
	(pc) =	sbr.rel @p0 .LBB2_1-.Ltmp1, $4  }
0x5f: {  	[sflag:s19] =	ssyncadd.s32 $0xFFFFC000  }
0x60: {  	_ =	swait.ge [sflag:s20], $0x4000  }
0x61: {  	[sflag:s20] =	ssyncset.done $0x0  }
0x62: {  	[sflag:s20] =	ssyncadd.s32 $0xFFFFC000  }
0x63: {  	_ =	sfence.sel $0x180000  }
0x64: {  	[bflag:$0x0] =	sbarrier.arrive $0xFFFF  }
0x65: {  	p0 =	sne.s32 s1, $0x0;
	_ =	strace $0x9000004D  }
0x66: {  	s0 =	sadd.s32 @!p0 $0x100000, s0;
	[bflag:$0x2] =	sbarrier.arrive $0xFFFF  }
0x67: {  	[sflag:s0] =	ssyncadd.tile.s32 @!p0 $0x1;
	_ =	shalt  }
.Lfunc_end2:
_tile_overlayer_lowered:
.L_overlay_start_2:
0x68: {  	(tag) =	ssettag $0x2  }
0x69: {  	s0 =	rddreg [dreg:$0x0];
	s2 =	stileid.u32  }
0x6a: {  	s1 =	rddreg [dreg:$0x1];
	p0 =	sne.s32 s2, $0x0  }
0x6b: {  	s3 =	rddreg [dreg:$0x2];
	[bflag:$0x3] =	sbarrier.arrive $0xFFFF;
	s2 =	simm.s32 @!p0 $0x1C07  }
0x6c: {  	[timem:s3], [sflag:s2] =	dma.local @!p0 [hbm:s0], s1  }
0x6d: {  	s0 =	simm.s32 @!p0 $0x7  }
0x6e: {  	_ =	swait.ge @!p0 [sflag:s0], s1  }
0x6f: {  	s1 =	ssub.s32 @!p0 $0x0, s1;
	[sflag:s0] =	ssyncset.done @!p0 $0x0  }
0x70: {  	[sflag:s0] =	ssyncadd.s32 @!p0 s1  }
0x71: {  	[bflag:$0x3] =	sbarrier.arrive $0xFFFF  }
0x72: {  	_ =	shalt  }

// kernel: kernel.31.cloned.1.call-start
scs
__scs_entry_jumppad:
0x0: {  	(pc) =	sbr.rel $0x88, $3  }
0x1: {  	(tag) =	ssettag $0x0;
	lr =	simm.s32 $0x1  }
0x2: {  	[smem:$0x3F8D] =	sst lr;
	_ =	strace $0xD0000000  }
0x3: {  	_ = 	snop  }
0x4: {  	_ = 	snop  }
0x5: {  	_ = 	snop  }
0x6: {  	_ = 	snop  }
0x7: {  	_ = 	snop  }
__scs_overlays_trampoline_lowered:
0x8: {  	[smem:$0x3F9C] =	sst s0  }
0x9: {  	[smem:$0x3F9D] =	sst s1  }
0xa: {  	[smem:$0x3F9E] =	sst s2  }
0xb: {  	[smem:$0x3F9F] =	sst s3  }
0xc: {  	[smem:$0x3FA0] =	sst s4  }
0xd: {  	[smem:$0x3FA1] =	sst s5  }
0xe: {  	[smem:$0x3FA2] =	sst s6  }
0xf: {  	[smem:$0x3FA3] =	sst s7  }
0x10: {  	[smem:$0x3FA4] =	sst s8  }
0x11: {  	[smem:$0x3FA5] =	sst s9;
	s0 =	simm.s32 @!p0 $0x0  }
0x12: {  	s1 =	sld [smem:$0x3F8B];
	s0 =	simm.s32 @p0 $0x1  }
0x13: {  	[smem:$0x3FA6] =	sst s0;
	s0 =	simm.s32 @!p1 $0x0  }
0x14: {  	s2 =	sld [smem:$0x3F8A];
	s0 =	simm.s32 @p1 $0x1  }
0x15: {  	[smem:$0x3FA7] =	sst s0;
	s0 =	simm.s32 @!p2 $0x0  }
0x16: {  	s3 =	sld [smem:$0x3FDB];
	s0 =	simm.s32 @p2 $0x1  }
0x17: {  	s4 =	simm.s32 $0x1BF5;
	[smem:$0x3FA9] =	sst s0  }
0x18: {  	s0 =	sld [smem:$0x3F8C];
	_ =	swait.ge [sflag:s4], $0x0  }
0x19: {  	s7 =	sld [smem:$0x3F8D]  }
0x1a: {  	s8 =	sadd.s32 $0xFFFFE003, lr  }
0x1b: {  	s9 =	sadd.s32 $0xFFFFFEF7, lr;
	s5 =	simm.s32 $0xFFFFFFFF;
	p2 =	slt.u32 s8, $0xFFFFF086  }
0x1c: {  	p1 =	slt.u32 s9, $0xF7A;
	s5 =	simm.s32 @!p2 $0x0  }
0x1d: {  	s5 =	simm.s32 @p1 $0x1;
	p0 =	seq.s32 s7, s2  }
0x1e: {  	s7 =	smul.u32 @!p0 $0xF7A, s2;
	p2 =	seq.s32 @!p0 s5, $0x0  }
0x1f: {  	s9 =	smul.u32 $0xF7A, s1;
	s8 =	simm.s32 @!p0 $0x1BF5;
	p2 =	por !p2, p0  }
0x20: {  	[sflag:s8] =	ssyncset.s32 @!p0 $0xFFFFF086;
	s6 =	sadd.s32 @!p0 s3, s7;
	s7 =	simm.s32 @!p0 $0x108  }
0x21: {  	s3 =	sadd.s32 s3, s9;
	s6 =	sadd.s32 @!p0 $0x88, s6;
	s7 =	simm.s32 @p2 $0x1082  }
0x22: {  	[simem:s7], [sflag:s8] =	dma.local @!p0 [hbm:s6], $0xF7A  }
0x23: {  	s9 =	sor.u32 $0xD0000000, s2;
	s6 =	simm.s32 $0x108;
	_ =	swait.ge @!p0 [sflag:s8], $0x0  }
0x24: {  	s3 =	sadd.s32 $0x88, s3;
	s6 =	simm.s32 @!p1 $0x1082;
	[sflag:s4] =	ssyncset.s32 $0xFFFFF086  }
0x25: {  	[simem:s6], [sflag:s4] =	dma.local [hbm:s3], $0xF7A  }
0x26: {  	[smem:$0x3F8D] =	sst s1;
	(tag) =	ssettag s2;
	_ =	strace s9  }
0x27: {  	s1 =	sld [smem:$0x3F9D]  }
0x28: {  	s2 =	sld [smem:$0x3F9E]  }
0x29: {  	s4 =	sld [smem:$0x3FA0]  }
0x2a: {  	p0 =	seq.s32 s5, $0x0;
	s5 =	sld [smem:$0x3FA1]  }
0x2b: {  	s6 =	sld [smem:$0x3FA2]  }
0x2c: {  	s7 =	sld [smem:$0x3FA3]  }
0x2d: {  	s3 =	simm.s32 $0x108;
	s8 =	sld [smem:$0x3FA4]  }
0x2e: {  	s3 =	simm.s32 @!p0 $0x1082;
	s9 =	sld [smem:$0x3FA5]  }
0x2f: {  	lr =	sadd.s32 s0, s3;
	s0 =	sld [smem:$0x3F9C]  }
0x30: {  	s3 =	sld [smem:$0x3F9F]  }
0x31: {  	[smem:$0x3FA8] =	sst s10  }
0x32: {  	s10 =	sld [smem:$0x3FA6];
	_ =	sdelay $0x3  }
0x33: {  	p0 =	seq.s32 s10, $0x1;
	s10 =	sld [smem:$0x3FA8];
	_ =	sdelay $0x3  }
0x34: {  	[smem:$0x3FA8] =	sst s10  }
0x35: {  	s10 =	sld [smem:$0x3FA7];
	_ =	sdelay $0x3  }
0x36: {  	p1 =	seq.s32 s10, $0x1;
	s10 =	sld [smem:$0x3FA8];
	_ =	sdelay $0x3  }
0x37: {  	[smem:$0x3FA8] =	sst s10  }
0x38: {  	s10 =	sld [smem:$0x3FA9]  }
0x39: {  	_ = 	snop;
	(pc) =	sbr.ind lr, $3  }
0x3a: {  	_ = 	snop  }
0x3b: {  	_ = 	snop  }
0x3c: {  	p2 =	seq.s32 s10, $0x1;
	s10 =	sld [smem:$0x3FA8]  }
0x3d: {  	_ =	shalt  }
0x3e: {  	_ =	shalt  }
0x3f: {  	_ =	shalt  }
0x40: {  	_ =	shalt  }
0x41: {  	_ =	shalt  }
0x42: {  	_ =	shalt  }
0x43: {  	_ =	shalt  }
0x44: {  	_ =	shalt  }
0x45: {  	_ =	shalt  }
0x46: {  	_ =	shalt  }
0x47: {  	_ =	shalt  }
0x48: {  	_ =	shalt  }
0x49: {  	_ =	shalt  }
0x4a: {  	_ =	shalt  }
0x4b: {  	_ =	shalt  }
0x4c: {  	_ =	shalt  }
0x4d: {  	_ =	shalt  }
0x4e: {  	_ =	shalt  }
0x4f: {  	_ =	shalt  }
0x50: {  	_ =	shalt  }
0x51: {  	_ =	shalt  }
0x52: {  	_ =	shalt  }
0x53: {  	_ =	shalt  }
0x54: {  	_ =	shalt  }
0x55: {  	_ =	shalt  }
0x56: {  	_ =	shalt  }
0x57: {  	_ =	shalt  }
0x58: {  	_ =	shalt  }
0x59: {  	_ =	shalt  }
0x5a: {  	_ =	shalt  }
0x5b: {  	_ =	shalt  }
0x5c: {  	_ =	shalt  }
0x5d: {  	_ =	shalt  }
0x5e: {  	_ =	shalt  }
0x5f: {  	_ =	shalt  }
0x60: {  	_ =	shalt  }
0x61: {  	_ =	shalt  }
0x62: {  	_ =	shalt  }
0x63: {  	_ =	shalt  }
0x64: {  	_ =	shalt  }
0x65: {  	_ =	shalt  }
0x66: {  	_ =	shalt  }
0x67: {  	_ =	shalt  }
0x68: {  	_ =	shalt  }
0x69: {  	_ =	shalt  }
0x6a: {  	_ =	shalt  }
0x6b: {  	_ =	shalt  }
0x6c: {  	_ =	shalt  }
0x6d: {  	_ =	shalt  }
0x6e: {  	_ =	shalt  }
0x6f: {  	_ =	shalt  }
0x70: {  	_ =	shalt  }
0x71: {  	_ =	shalt  }
0x72: {  	_ =	shalt  }
0x73: {  	_ =	shalt  }
0x74: {  	_ =	shalt  }
0x75: {  	_ =	shalt  }
0x76: {  	_ =	shalt  }
0x77: {  	_ =	shalt  }
0x78: {  	_ =	shalt  }
0x79: {  	_ =	shalt  }
0x7a: {  	_ =	shalt  }
0x7b: {  	_ =	shalt  }
0x7c: {  	_ =	shalt  }
0x7d: {  	_ =	shalt  }
0x7e: {  	_ =	shalt  }
0x7f: {  	_ =	shalt  }
0x80: {  	_ =	shalt  }
0x81: {  	_ =	shalt  }
0x82: {  	_ =	shalt  }
0x83: {  	_ =	shalt  }
0x84: {  	_ =	shalt  }
0x85: {  	_ =	shalt  }
0x86: {  	_ =	shalt  }
0x87: {  	_ =	shalt  }
.Lfunc_end0:
.L_simem_size_0:
called_computation.3_lowered:
.L_overlay_start_0:
0x88: {  	s2 =	sld [smem:$0x3FD9]  }
0x89: {  	s3 =	sld [smem:$0x3FFE];
	_ =	sdelay $0x1  }
0x8a: {  	s1 =	srdreg.scid  }
0x8b: {  	s0 =	sand.u32 $0x1, s1  }
0x8c: {  	s16 =	sshll.u32 s0, $0xA;
	s2 =	sadd.s32 s3, s2  }
0x8d: {  	s2 =	sadd.s32 s2, s16  }
0x8e: {  	[smem:$0x3FB4] =	sst s2  }
0x8f: {  	_ = 	snop  }
0x90: {  	(tm) =	ssettm $0x1  }
0x91: {  	s17 =	sld [smem:$0x3FFB];
	_ =	sdelay $0x3  }
0x92: {  	_ =	strace s17  }
0x93: {  	s2 =	sld [smem:$0x3FFC];
	_ =	sdelay $0x3  }
0x94: {  	_ =	strace s2  }
0x95: {  	s2 =	sld [smem:$0x3FFD];
	_ =	sdelay $0x3  }
0x96: {  	_ =	strace s2  }
0x97: {  	_ =	strace $0x8FFFFFFF  }
0x98: {  	s18 =	sld [smem:$0x3FDB];
	_ =	sdelay $0x1  }
0x99: {  	s19 =	simm.s32 $_scs_section_size  }
0x9a: {  	s4 =	simm.s32 $_size__tile_overlayer_lowered;
	s5 =	simm.s32 $_tile_overlayer_lowered  }
0x9b: {  	s22 =	simm.s32 $0x1BFF;
	s21 =	sshll.u32 s5, $0x1;
	s2 =	sadd.s32 s19, s18  }
0x9c: {  	s6 =	simm.s32 $0x0;
	s20 =	sshll.u32 s4, $0x1;
	s4 =	sadd.s32 s21, s2  }
0x9d: {  	[timem:s6], [sflag:s22] =	dma.local [hbm:s4], s20  }
0x9e: {  	_ =	swait.ge [sflag:s22], s20  }
0x9f: {  	s3 =	ssub.s32 $0x0, s20;
	[sflag:s22] =	ssyncset.done $0x0  }
0xa0: {  	[sflag:s22] =	ssyncadd.s32 s3;
	_ =	sdelay $0x1  }
0xa1: {  	s23 =	simm.s32 $0x1B8B  }
0xa2: {  	_ =	swait.ge [sflag:s23], $0x1  }
0xa3: {  	[sflag:s23] =	ssyncset.done $0x0  }
0xa4: {  	s25 =	simm.s32 $0x1B8E;
	s24 =	sld [smem:$0x3FFE];
	[sflag:s23] =	ssyncadd.s32 $0xFFFFFFFF  }
0xa5: {  	s26 =	simm.s32 $execute0_lowered;
	[smem:$0x3FD2] =	sst s25  }
0xa6: {  	s4 =	sshll.u32 s26, $0x1;
	_ =	strace $0x8000004F;
	[dreg:$0x1] =	wrdreg $0xFFFFFFFF  }
0xa7: {  	s28 =	simm.s32 $_size_execute0_lowered;
	s2 =	sadd.s32 s2, s4;
	[dreg:$0x0] =	wrdreg $0x0  }
0xa8: {  	s4 =	sshll.u32 s28, $0x1;
	[dreg:$0x2] =	wrdreg s2  }
0xa9: {  	[dreg:$0x3] =	wrdreg s4  }
0xaa: {  	[dreg:$0x4] =	wrdreg $0xC0  }
0xab: {  	_ =	task [dreg:s6], $0x5FFFF  }
0xac: {  	[dreg:$0x1] =	wrdreg $0xFFFFFFFF  }
0xad: {  	[dreg:$0x0] =	wrdreg $0x60  }
0xae: {  	[dreg:$0x2] =	wrdreg s24  }
0xaf: {  	[dreg:$0x3] =	wrdreg $0x81000  }
0xb0: {  	[dreg:$0x4] =	wrdreg $0x9  }
0xb1: {  	_ =	task.clear_ibuf [dreg:s6], $0x5FFFF;
	_ =	strace $0x9000004F  }
0xb2: {  	s29 =	simm.s32 $0x9;
	_ =	strace $0x80000051  }
0xb3: {  	_ =	swait.ge [sflag:s29], $0x1  }
0xb4: {  	[sflag:s29] =	ssyncadd.s32 $0xFFFFFFFF  }
0xb5: {  	_ =	strace $0x90000051  }
0xb6: {  	_ =	sfence  }
0xb7: {  	s30 =	sld [smem:$0x0];
	_ =	sdelay $0x2  }
0xb8: {  	s31 =	sshll.u32 s1, $0xD;
	s1 =	sshrl.u32 s1, $0x2  }
0xb9: {  	s3 =	sand.u32 $0x4000, s31;
	s1 =	sadd.s32 s1, s30  }
0xba: {  	s0 =	sor.u32 s3, s0;
	s1 =	sshll.u32 s1, $0x11  }
0xbb: {  	s0 =	sor.u32 s1, s0  }
0xbc: {  	s0 =	sadd.s32 $0x8F2B, s0  }
0xbd: {  	[sflag:s0] =	ssyncadd.remote.s32 $0x1  }
0xbe: {  	_ =	sfence.sel $0xFFFF  }
0xbf: {  	[dreg:$0x0] =	wrdreg $0xFFFFFFFF;
	(pc) =	sbr.abs _section_cstart, $3  }
0xc0: {  	[dreg:$0x1] =	wrdreg $0xFFFFFFFF  }
0xc1: {  	_ =	task.clear_ibuf [dreg:s6], $0x2FFFF;
	_ =	strace $0x9FFFFFFF  }
0xc2: {  	(tm) =	ssettm $0x7FFFFFFF  }
0xc3: {  	_ =	shalt  }
tec
execute0_lowered:
.L_overlay_start_1:
0x0: {  	(tag) =	ssettag $0x1  }
0x1: {  	s4 =	rddreg [dreg:$0x0]  }
0x2: {  	s2 =	rddreg [dreg:$0x1]  }
0x3: {  	s0 =	rddreg [dreg:$0x2]  }
0x4: {  	s1 =	stileid.u32;
	s6 =	srdreg.scid  }
0x5: {  	s3 =	simm.s32 $0x0;
	s16 =	simm.s32 $0x1;
	s17 =	simm.s32 $0x3  }
0x6: {  	s18 =	simm.s32 $0x2;
	s19 =	simm.s32 $0x4;
	s5 =	smul.u32 $0x50000, s1  }
0x7: {  	s20 =	simm.s32 $0x0;
	s7 =	smul.u32 $0x2800, s1;
	s6 =	sand.u32 $0x1, s6  }
0x8: {  	[smem:$0x7FF] =	sst s3;
	s10 =	sadd.s32 $0xA200, s4;
	s13 =	smul.u32 $0x5000, s1  }
0x9: {  	s29 =	sshll.u32 s1, $0x6;
	s8 =	smul.u32 $0x28000, s6;
	_ =	strace $0x80000050  }
0xa: {  	s12 =	ssub.s32 $0x2, s6;
	s14 =	smul.u32 $0x2800, s6;
	s9 =	sadd.s32 s5, s4  }
0xb: {  	s11 =	sadd.s32 s7, s4;
	s26 =	sshrl.u32 s12, $0x1;
	s28 =	sshrl.u32 s5, $0x2  }
0xc: {  	s5 =	sor.u32 $0x1C05, s29;
	s7 =	sadd.s32 s7, s8;
	s12 =	ssub.s32 s12, s26  }
0xd: {  	s15 =	sadd.s32 s28, s2;
	s30 =	sadd.s32 s14, s13;
	s8 =	sadd.s32 s8, s9  }
0xe: {  	s13 =	simm.s32 $0x100;
	s14 =	simm.s32 $0x80;
	s7 =	sadd.s32 s7, s4  }
0xf: {  	s4 =	sadd.s32 $0x53DC00, s11;
	s31 =	sor.u32 $0x80, s30;
	s8 =	sadd.s32 $0xF1EA00, s8  }
0x10: {  	s11 =	sshrl.u32 s30, $0x3;
	s6 =	sadd.s32 $0x5B6400, s7;
	s9 =	sshrl.u32 s31, $0x3  }
0x11: {  	s7 =	smax.u32 s12, $0x1;
	s12 =	simm.s32 $0x5;
	s9 =	sadd.s32 s9, s10  }
0x12: {  	s10 =	sadd.s32 s11, s10;
	s11 =	sshrl.u32 s15, $0x3;
	s15 =	simm.s32 $0x4100  }
.LBB2_1:
0x13: {  	[spmem:s11], [sflag:s5] =	dma.local [hbm:s4], $0x2800  }
0x14: {  	_ =	swait.ge [sflag:s12], $0x2800  }
0x15: {  	[sflag:s12] =	ssyncset.done $0x0  }
0x16: {  	[sflag:s12] =	ssyncadd.s32 $0xFFFFD800  }
0x17: {  	s21 =	sadd.s32 $0x0, s10;
	[bflag:$0x0] =	sbarrier.arrive $0xFFFF  }
0x18: {  	[tilespmem:s3], [sflag:$0x1] =	stream.linear.gather [hbm4b:s21+s3], $0x80, $0x38;
	[tilespmem:$0x1C100] =	vst v63  }
0x19: {  	s30 =	sadd.s32 $0xFFFFF800, s8  }
0x1a: {  	[tilespmem:s13], [sflag:$0x3] =	stream.linear.gather [hbm4b:s30+s3], $0x4000, $0x38;
	[tilespmem:$0x1C100] =	vst v63  }
0x1b: {  	s31 =	sadd.s32 $0x0, s9  }
0x1c: {  	[tilespmem:s14], [sflag:$0x2] =	stream.linear.gather [hbm4b:s31+s3], $0x80, $0x38;
	[tilespmem:$0x1C100] =	vst v63  }
0x1d: {  	_ = 	snop  }
0x1e: {  	[tilespmem:s15], [sflag:$0x4] =	stream.linear.gather [hbm4b:s8+s3], $0x4000, $0x38;
	[tilespmem:$0x1C100] =	vst v63  }
0x1f: {  	_ =	swait.ge [sflag:s16], $0x80  }
0x20: {  	[sflag:s16] =	ssyncset.done $0x0  }
0x21: {  	[sflag:s16] =	ssyncadd.s32 $0xFFFFFF80  }
0x22: {  	_ =	swait.ge [sflag:s17], $0x4000  }
0x23: {  	[sflag:s17] =	ssyncset.done $0x0  }
0x24: {  	[sflag:s17] =	ssyncadd.s32 $0xFFFFC000  }
0x25: {  	[spmem:s2] =	stream.indirect.scatter.add.f32 [tilespmem:s13], [sflag:$0x5], $0x80, s3, s14, $0xb8;
	[tilespmem:$0x1C100] =	vst v63  }
0x26: {  	_ =	swait.ge [sflag:s12], $0x4000  }
0x27: {  	[sflag:s12] =	ssyncset.done $0x0  }
0x28: {  	[sflag:s12] =	ssyncadd.s32 $0xFFFFC000  }
0x29: {  	_ =	swait.ge [sflag:s18], $0x80  }
0x2a: {  	[sflag:s18] =	ssyncset.done $0x0  }
0x2b: {  	[sflag:s18] =	ssyncadd.s32 $0xFFFFFF80  }
0x2c: {  	_ =	swait.ge [sflag:s19], $0x4000  }
0x2d: {  	[sflag:s19] =	ssyncset.done $0x0  }
0x2e: {  	[sflag:s19] =	ssyncadd.s32 $0xFFFFC000  }
0x2f: {  	[spmem:s2] =	stream.indirect.scatter.add.f32 [tilespmem:s15], [sflag:$0x5], $0x80, s14, s14, $0xb8;
	[tilespmem:$0x1C100] =	vst v63  }
0x30: {  	s23 =	simm.s32 $0x40;
	_ =	swait.ge [sflag:s12], $0x4000  }
0x31: {  	s22 =	sadd.s32 $0x1000, s8;
	s21 =	simm.s32 $0x20;
	[sflag:s12] =	ssyncset.done $0x0  }
.LBB2_2:
0x32: {  	s24 =	sadd.s32 s21, s10  }
0x33: {  	[sflag:s12] =	ssyncadd.s32 $0xFFFFC000;
	s25 =	smov.u32 s23;
	s26 =	sadd.s32 $0x20, s23  }
0x34: {  	[tilespmem:s3], [sflag:$0x1] =	stream.linear.gather [hbm4b:s24+s3], $0x80, $0x38;
	[tilespmem:$0x1C100] =	vst v63  }
0x35: {  	p0 =	sne.s32 s23, $0x4E0;
	s23 =	sadd.s32 $0xFFFFF800, s22  }
0x36: {  	[tilespmem:s13], [sflag:$0x3] =	stream.linear.gather [hbm4b:s23+s3], $0x4000, $0x38;
	[tilespmem:$0x1C100] =	vst v63  }
0x37: {  	s23 =	sadd.s32 s21, s9;
	s21 =	smov.u32 s25  }
0x38: {  	[tilespmem:s14], [sflag:$0x2] =	stream.linear.gather [hbm4b:s23+s3], $0x80, $0x38;
	[tilespmem:$0x1C100] =	vst v63  }
0x39: {  	_ = 	snop  }
0x3a: {  	[tilespmem:s15], [sflag:$0x4] =	stream.linear.gather [hbm4b:s22+s3], $0x4000, $0x38;
	[tilespmem:$0x1C100] =	vst v63  }
0x3b: {  	_ =	swait.ge [sflag:s16], $0x80  }
0x3c: {  	[sflag:s16] =	ssyncset.done $0x0  }
0x3d: {  	[sflag:s16] =	ssyncadd.s32 $0xFFFFFF80  }
0x3e: {  	_ =	swait.ge [sflag:s17], $0x4000  }
0x3f: {  	[sflag:s17] =	ssyncset.done $0x0  }
0x40: {  	[sflag:s17] =	ssyncadd.s32 $0xFFFFC000  }
0x41: {  	[spmem:s2] =	stream.indirect.scatter.add.f32 [tilespmem:s13], [sflag:$0x5], $0x80, s3, s14, $0xb8;
	[tilespmem:$0x1C100] =	vst v63  }
0x42: {  	_ =	swait.ge [sflag:s12], $0x4000  }
0x43: {  	[sflag:s12] =	ssyncset.done $0x0  }
0x44: {  	[sflag:s12] =	ssyncadd.s32 $0xFFFFC000  }
0x45: {  	_ =	swait.ge [sflag:s18], $0x80  }
0x46: {  	[sflag:s18] =	ssyncset.done $0x0  }
0x47: {  	[sflag:s18] =	ssyncadd.s32 $0xFFFFFF80  }
0x48: {  	_ =	swait.ge [sflag:s19], $0x4000  }
.Ltmp0:
0x49: {  	[sflag:s19] =	ssyncset.done $0x0;
	(pc) =	sbr.rel @p0 .LBB2_2-.Ltmp0, $4  }
0x4a: {  	[sflag:s19] =	ssyncadd.s32 $0xFFFFC000  }
0x4b: {  	[spmem:s2] =	stream.indirect.scatter.add.f32 [tilespmem:s15], [sflag:$0x5], $0x80, s14, s14, $0xb8;
	[tilespmem:$0x1C100] =	vst v63  }
0x4c: {  	_ =	swait.ge [sflag:s12], $0x4000  }
0x4d: {  	s23 =	smov.u32 s26;
	s22 =	sadd.s32 $0x1000, s22;
	[sflag:s12] =	ssyncset.done $0x0  }
0x4e: {  	s23 =	sadd.s32 s21, s10;
	[sflag:s12] =	ssyncadd.s32 $0xFFFFC000  }
0x4f: {  	[tilespmem:s3], [sflag:$0x1] =	stream.linear.gather [hbm4b:s23+s3], $0x80, $0x38;
	[tilespmem:$0x1C100] =	vst v63  }
0x50: {  	s30 =	sadd.s32 $0xFFFFF800, s22  }
0x51: {  	[tilespmem:s13], [sflag:$0x3] =	stream.linear.gather [hbm4b:s30+s3], $0x4000, $0x38;
	[tilespmem:$0x1C100] =	vst v63  }
0x52: {  	s31 =	sadd.s32 s21, s9  }
0x53: {  	[tilespmem:s14], [sflag:$0x2] =	stream.linear.gather [hbm4b:s31+s3], $0x80, $0x38;
	[tilespmem:$0x1C100] =	vst v63  }
0x54: {  	_ = 	snop  }
0x55: {  	[tilespmem:s15], [sflag:$0x4] =	stream.linear.gather [hbm4b:s22+s3], $0x4000, $0x38;
	[tilespmem:$0x1C100] =	vst v63  }
0x56: {  	_ =	swait.ge [sflag:s16], $0x80  }
0x57: {  	[sflag:s16] =	ssyncset.done $0x0  }
0x58: {  	[sflag:s16] =	ssyncadd.s32 $0xFFFFFF80  }
0x59: {  	_ =	swait.ge [sflag:s17], $0x4000  }
0x5a: {  	[sflag:s17] =	ssyncset.done $0x0  }
0x5b: {  	[sflag:s17] =	ssyncadd.s32 $0xFFFFC000  }
0x5c: {  	[spmem:s2] =	stream.indirect.scatter.add.f32 [tilespmem:s13], [sflag:$0x5], $0x80, s3, s14, $0xb8;
	[tilespmem:$0x1C100] =	vst v63  }
0x5d: {  	_ =	swait.ge [sflag:s12], $0x4000  }
0x5e: {  	[sflag:s12] =	ssyncset.done $0x0  }
0x5f: {  	[sflag:s12] =	ssyncadd.s32 $0xFFFFC000  }
0x60: {  	_ =	swait.ge [sflag:s18], $0x80  }
0x61: {  	[sflag:s18] =	ssyncset.done $0x0  }
0x62: {  	[sflag:s18] =	ssyncadd.s32 $0xFFFFFF80  }
0x63: {  	_ =	swait.ge [sflag:s19], $0x4000  }
0x64: {  	[sflag:s19] =	ssyncset.done $0x0  }
0x65: {  	[sflag:s19] =	ssyncadd.s32 $0xFFFFC000  }
0x66: {  	[spmem:s2] =	stream.indirect.scatter.add.f32 [tilespmem:s15], [sflag:$0x5], $0x80, s14, s14, $0xb8;
	[tilespmem:$0x1C100] =	vst v63  }
0x67: {  	_ =	swait.ge [sflag:s12], $0x4000  }
0x68: {  	s20 =	sadd.s32 $0x1, s20;
	[sflag:s12] =	ssyncset.done $0x0  }
0x69: {  	p0 =	sne.s32 s20, s7;
	[sflag:s12] =	ssyncadd.s32 $0xFFFFC000  }
.Ltmp1:
0x6a: {  	[bflag:$0x0] =	sbarrier.arrive $0xFFFF;
	(pc) =	sbr.rel @p0 .LBB2_1-.Ltmp1, $4  }
0x6b: {  	[hbm:s6], [sflag:s5] =	dma.local [spmem:s11], $0x2800  }
0x6c: {  	_ =	swait.ge [sflag:s12], $0x2800  }
0x6d: {  	[sflag:s12] =	ssyncset.done $0x0  }
0x6e: {  	[sflag:s12] =	ssyncadd.s32 $0xFFFFD800  }
0x6f: {  	_ =	sfence.sel $0x180000  }
0x70: {  	[bflag:$0x0] =	sbarrier.arrive $0xFFFF  }
0x71: {  	p0 =	sne.s32 s1, $0x0;
	_ =	strace $0x90000050  }
0x72: {  	s0 =	sadd.s32 @!p0 $0x100000, s0;
	[bflag:$0x2] =	sbarrier.arrive $0xFFFF  }
0x73: {  	[sflag:s0] =	ssyncadd.tile.s32 @!p0 $0x1;
	_ =	shalt  }
.Lfunc_end2:
_tile_overlayer_lowered:
.L_overlay_start_2:
0x74: {  	(tag) =	ssettag $0x2  }
0x75: {  	s0 =	rddreg [dreg:$0x0];
	s2 =	stileid.u32  }
0x76: {  	s1 =	rddreg [dreg:$0x1];
	p0 =	sne.s32 s2, $0x0  }
0x77: {  	s3 =	rddreg [dreg:$0x2];
	[bflag:$0x3] =	sbarrier.arrive $0xFFFF;
	s2 =	simm.s32 @!p0 $0x1C05  }
0x78: {  	[timem:s3], [sflag:s2] =	dma.local @!p0 [hbm:s0], s1  }
0x79: {  	s0 =	simm.s32 @!p0 $0x5  }
0x7a: {  	_ =	swait.ge @!p0 [sflag:s0], s1  }
0x7b: {  	s1 =	ssub.s32 @!p0 $0x0, s1;
	[sflag:s0] =	ssyncset.done @!p0 $0x0  }
0x7c: {  	[sflag:s0] =	ssyncadd.s32 @!p0 s1  }
0x7d: {  	[bflag:$0x3] =	sbarrier.arrive $0xFFFF  }
0x7e: {  	_ =	shalt  }

// kernel: kernel.34.cloned.1.call-start
scs
__scs_entry_jumppad:
0x0: {  	(pc) =	sbr.rel $0x88, $3  }
0x1: {  	(tag) =	ssettag $0x0;
	lr =	simm.s32 $0x1  }
0x2: {  	[smem:$0x3F8D] =	sst lr;
	_ =	strace $0xD0000000  }
0x3: {  	_ = 	snop  }
0x4: {  	_ = 	snop  }
0x5: {  	_ = 	snop  }
0x6: {  	_ = 	snop  }
0x7: {  	_ = 	snop  }
__scs_overlays_trampoline_lowered:
0x8: {  	[smem:$0x3F9C] =	sst s0  }
0x9: {  	[smem:$0x3F9D] =	sst s1  }
0xa: {  	[smem:$0x3F9E] =	sst s2  }
0xb: {  	[smem:$0x3F9F] =	sst s3  }
0xc: {  	[smem:$0x3FA0] =	sst s4  }
0xd: {  	[smem:$0x3FA1] =	sst s5  }
0xe: {  	[smem:$0x3FA2] =	sst s6  }
0xf: {  	[smem:$0x3FA3] =	sst s7  }
0x10: {  	[smem:$0x3FA4] =	sst s8  }
0x11: {  	[smem:$0x3FA5] =	sst s9;
	s0 =	simm.s32 @!p0 $0x0  }
0x12: {  	s1 =	sld [smem:$0x3F8B];
	s0 =	simm.s32 @p0 $0x1  }
0x13: {  	[smem:$0x3FA6] =	sst s0;
	s0 =	simm.s32 @!p1 $0x0  }
0x14: {  	s2 =	sld [smem:$0x3F8A];
	s0 =	simm.s32 @p1 $0x1  }
0x15: {  	[smem:$0x3FA7] =	sst s0;
	s0 =	simm.s32 @!p2 $0x0  }
0x16: {  	s3 =	sld [smem:$0x3FDB];
	s0 =	simm.s32 @p2 $0x1  }
0x17: {  	s4 =	simm.s32 $0x1BF5;
	[smem:$0x3FA9] =	sst s0  }
0x18: {  	s0 =	sld [smem:$0x3F8C];
	_ =	swait.ge [sflag:s4], $0x0  }
0x19: {  	s7 =	sld [smem:$0x3F8D]  }
0x1a: {  	s8 =	sadd.s32 $0xFFFFE003, lr  }
0x1b: {  	s9 =	sadd.s32 $0xFFFFFEF7, lr;
	s5 =	simm.s32 $0xFFFFFFFF;
	p2 =	slt.u32 s8, $0xFFFFF086  }
0x1c: {  	p1 =	slt.u32 s9, $0xF7A;
	s5 =	simm.s32 @!p2 $0x0  }
0x1d: {  	s5 =	simm.s32 @p1 $0x1;
	p0 =	seq.s32 s7, s2  }
0x1e: {  	s7 =	smul.u32 @!p0 $0xF7A, s2;
	p2 =	seq.s32 @!p0 s5, $0x0  }
0x1f: {  	s9 =	smul.u32 $0xF7A, s1;
	s8 =	simm.s32 @!p0 $0x1BF5;
	p2 =	por !p2, p0  }
0x20: {  	[sflag:s8] =	ssyncset.s32 @!p0 $0xFFFFF086;
	s6 =	sadd.s32 @!p0 s3, s7;
	s7 =	simm.s32 @!p0 $0x108  }
0x21: {  	s3 =	sadd.s32 s3, s9;
	s6 =	sadd.s32 @!p0 $0x88, s6;
	s7 =	simm.s32 @p2 $0x1082  }
0x22: {  	[simem:s7], [sflag:s8] =	dma.local @!p0 [hbm:s6], $0xF7A  }
0x23: {  	s9 =	sor.u32 $0xD0000000, s2;
	s6 =	simm.s32 $0x108;
	_ =	swait.ge @!p0 [sflag:s8], $0x0  }
0x24: {  	s3 =	sadd.s32 $0x88, s3;
	s6 =	simm.s32 @!p1 $0x1082;
	[sflag:s4] =	ssyncset.s32 $0xFFFFF086  }
0x25: {  	[simem:s6], [sflag:s4] =	dma.local [hbm:s3], $0xF7A  }
0x26: {  	[smem:$0x3F8D] =	sst s1;
	(tag) =	ssettag s2;
	_ =	strace s9  }
0x27: {  	s1 =	sld [smem:$0x3F9D]  }
0x28: {  	s2 =	sld [smem:$0x3F9E]  }
0x29: {  	s4 =	sld [smem:$0x3FA0]  }
0x2a: {  	p0 =	seq.s32 s5, $0x0;
	s5 =	sld [smem:$0x3FA1]  }
0x2b: {  	s6 =	sld [smem:$0x3FA2]  }
0x2c: {  	s7 =	sld [smem:$0x3FA3]  }
0x2d: {  	s3 =	simm.s32 $0x108;
	s8 =	sld [smem:$0x3FA4]  }
0x2e: {  	s3 =	simm.s32 @!p0 $0x1082;
	s9 =	sld [smem:$0x3FA5]  }
0x2f: {  	lr =	sadd.s32 s0, s3;
	s0 =	sld [smem:$0x3F9C]  }
0x30: {  	s3 =	sld [smem:$0x3F9F]  }
0x31: {  	[smem:$0x3FA8] =	sst s10  }
0x32: {  	s10 =	sld [smem:$0x3FA6];
	_ =	sdelay $0x3  }
0x33: {  	p0 =	seq.s32 s10, $0x1;
	s10 =	sld [smem:$0x3FA8];
	_ =	sdelay $0x3  }
0x34: {  	[smem:$0x3FA8] =	sst s10  }
0x35: {  	s10 =	sld [smem:$0x3FA7];
	_ =	sdelay $0x3  }
0x36: {  	p1 =	seq.s32 s10, $0x1;
	s10 =	sld [smem:$0x3FA8];
	_ =	sdelay $0x3  }
0x37: {  	[smem:$0x3FA8] =	sst s10  }
0x38: {  	s10 =	sld [smem:$0x3FA9]  }
0x39: {  	_ = 	snop;
	(pc) =	sbr.ind lr, $3  }
0x3a: {  	_ = 	snop  }
0x3b: {  	_ = 	snop  }
0x3c: {  	p2 =	seq.s32 s10, $0x1;
	s10 =	sld [smem:$0x3FA8]  }
0x3d: {  	_ =	shalt  }
0x3e: {  	_ =	shalt  }
0x3f: {  	_ =	shalt  }
0x40: {  	_ =	shalt  }
0x41: {  	_ =	shalt  }
0x42: {  	_ =	shalt  }
0x43: {  	_ =	shalt  }
0x44: {  	_ =	shalt  }
0x45: {  	_ =	shalt  }
0x46: {  	_ =	shalt  }
0x47: {  	_ =	shalt  }
0x48: {  	_ =	shalt  }
0x49: {  	_ =	shalt  }
0x4a: {  	_ =	shalt  }
0x4b: {  	_ =	shalt  }
0x4c: {  	_ =	shalt  }
0x4d: {  	_ =	shalt  }
0x4e: {  	_ =	shalt  }
0x4f: {  	_ =	shalt  }
0x50: {  	_ =	shalt  }
0x51: {  	_ =	shalt  }
0x52: {  	_ =	shalt  }
0x53: {  	_ =	shalt  }
0x54: {  	_ =	shalt  }
0x55: {  	_ =	shalt  }
0x56: {  	_ =	shalt  }
0x57: {  	_ =	shalt  }
0x58: {  	_ =	shalt  }
0x59: {  	_ =	shalt  }
0x5a: {  	_ =	shalt  }
0x5b: {  	_ =	shalt  }
0x5c: {  	_ =	shalt  }
0x5d: {  	_ =	shalt  }
0x5e: {  	_ =	shalt  }
0x5f: {  	_ =	shalt  }
0x60: {  	_ =	shalt  }
0x61: {  	_ =	shalt  }
0x62: {  	_ =	shalt  }
0x63: {  	_ =	shalt  }
0x64: {  	_ =	shalt  }
0x65: {  	_ =	shalt  }
0x66: {  	_ =	shalt  }
0x67: {  	_ =	shalt  }
0x68: {  	_ =	shalt  }
0x69: {  	_ =	shalt  }
0x6a: {  	_ =	shalt  }
0x6b: {  	_ =	shalt  }
0x6c: {  	_ =	shalt  }
0x6d: {  	_ =	shalt  }
0x6e: {  	_ =	shalt  }
0x6f: {  	_ =	shalt  }
0x70: {  	_ =	shalt  }
0x71: {  	_ =	shalt  }
0x72: {  	_ =	shalt  }
0x73: {  	_ =	shalt  }
0x74: {  	_ =	shalt  }
0x75: {  	_ =	shalt  }
0x76: {  	_ =	shalt  }
0x77: {  	_ =	shalt  }
0x78: {  	_ =	shalt  }
0x79: {  	_ =	shalt  }
0x7a: {  	_ =	shalt  }
0x7b: {  	_ =	shalt  }
0x7c: {  	_ =	shalt  }
0x7d: {  	_ =	shalt  }
0x7e: {  	_ =	shalt  }
0x7f: {  	_ =	shalt  }
0x80: {  	_ =	shalt  }
0x81: {  	_ =	shalt  }
0x82: {  	_ =	shalt  }
0x83: {  	_ =	shalt  }
0x84: {  	_ =	shalt  }
0x85: {  	_ =	shalt  }
0x86: {  	_ =	shalt  }
0x87: {  	_ =	shalt  }
.Lfunc_end0:
.L_simem_size_0:
called_computation.4_lowered:
.L_overlay_start_0:
0x88: {  	s2 =	sld [smem:$0x3FD9]  }
0x89: {  	s3 =	sld [smem:$0x3FFE];
	_ =	sdelay $0x1  }
0x8a: {  	s1 =	srdreg.scid  }
0x8b: {  	s0 =	sand.u32 $0x1, s1  }
0x8c: {  	s16 =	sshll.u32 s0, $0xA;
	s2 =	sadd.s32 s3, s2  }
0x8d: {  	s2 =	sadd.s32 s2, s16  }
0x8e: {  	[smem:$0x3FB4] =	sst s2  }
0x8f: {  	_ = 	snop  }
0x90: {  	(tm) =	ssettm $0x1  }
0x91: {  	s17 =	sld [smem:$0x3FFB];
	_ =	sdelay $0x3  }
0x92: {  	_ =	strace s17  }
0x93: {  	s2 =	sld [smem:$0x3FFC];
	_ =	sdelay $0x3  }
0x94: {  	_ =	strace s2  }
0x95: {  	s2 =	sld [smem:$0x3FFD];
	_ =	sdelay $0x3  }
0x96: {  	_ =	strace s2  }
0x97: {  	_ =	strace $0x8FFFFFFF  }
0x98: {  	s18 =	sld [smem:$0x3FDB];
	_ =	sdelay $0x1  }
0x99: {  	s19 =	simm.s32 $_scs_section_size  }
0x9a: {  	s4 =	simm.s32 $_size__tile_overlayer_lowered;
	s5 =	simm.s32 $_tile_overlayer_lowered  }
0x9b: {  	s22 =	simm.s32 $0x1BFF;
	s21 =	sshll.u32 s5, $0x1;
	s2 =	sadd.s32 s19, s18  }
0x9c: {  	s6 =	simm.s32 $0x0;
	s20 =	sshll.u32 s4, $0x1;
	s4 =	sadd.s32 s21, s2  }
0x9d: {  	[timem:s6], [sflag:s22] =	dma.local [hbm:s4], s20  }
0x9e: {  	_ =	swait.ge [sflag:s22], s20  }
0x9f: {  	s3 =	ssub.s32 $0x0, s20;
	[sflag:s22] =	ssyncset.done $0x0  }
0xa0: {  	[sflag:s22] =	ssyncadd.s32 s3;
	_ =	sdelay $0x1  }
0xa1: {  	s23 =	simm.s32 $0x1B8B  }
0xa2: {  	_ =	swait.ge [sflag:s23], $0x1  }
0xa3: {  	[sflag:s23] =	ssyncset.done $0x0  }
0xa4: {  	s25 =	simm.s32 $0x1B8E;
	s24 =	sld [smem:$0x3FFE];
	[sflag:s23] =	ssyncadd.s32 $0xFFFFFFFF  }
0xa5: {  	s26 =	simm.s32 $execute0_lowered;
	[smem:$0x3FD2] =	sst s25  }
0xa6: {  	s4 =	sshll.u32 s26, $0x1;
	_ =	strace $0x80000052;
	[dreg:$0x1] =	wrdreg $0xFFFFFFFF  }
0xa7: {  	s28 =	simm.s32 $_size_execute0_lowered;
	s2 =	sadd.s32 s2, s4;
	[dreg:$0x0] =	wrdreg $0x0  }
0xa8: {  	s4 =	sshll.u32 s28, $0x1;
	[dreg:$0x2] =	wrdreg s2  }
0xa9: {  	[dreg:$0x3] =	wrdreg s4  }
0xaa: {  	[dreg:$0x4] =	wrdreg $0xC0  }
0xab: {  	_ =	task [dreg:s6], $0x5FFFF  }
0xac: {  	[dreg:$0x1] =	wrdreg $0xFFFFFFFF  }
0xad: {  	[dreg:$0x0] =	wrdreg $0x60  }
0xae: {  	[dreg:$0x2] =	wrdreg s24  }
0xaf: {  	[dreg:$0x3] =	wrdreg $0x81000  }
0xb0: {  	[dreg:$0x4] =	wrdreg $0x9  }
0xb1: {  	_ =	task.clear_ibuf [dreg:s6], $0x5FFFF;
	_ =	strace $0x90000052  }
0xb2: {  	s29 =	simm.s32 $0x9;
	_ =	strace $0x80000054  }
0xb3: {  	_ =	swait.ge [sflag:s29], $0x1  }
0xb4: {  	[sflag:s29] =	ssyncadd.s32 $0xFFFFFFFF  }
0xb5: {  	_ =	strace $0x90000054  }
0xb6: {  	_ =	sfence  }
0xb7: {  	s30 =	sld [smem:$0x0];
	_ =	sdelay $0x2  }
0xb8: {  	s31 =	sshll.u32 s1, $0xD;
	s1 =	sshrl.u32 s1, $0x2  }
0xb9: {  	s3 =	sand.u32 $0x4000, s31;
	s1 =	sadd.s32 s1, s30  }
0xba: {  	s0 =	sor.u32 s3, s0;
	s1 =	sshll.u32 s1, $0x11  }
0xbb: {  	s0 =	sor.u32 s1, s0  }
0xbc: {  	s0 =	sadd.s32 $0x8F2B, s0  }
0xbd: {  	[sflag:s0] =	ssyncadd.remote.s32 $0x1  }
0xbe: {  	_ =	sfence.sel $0xFFFF  }
0xbf: {  	[dreg:$0x0] =	wrdreg $0xFFFFFFFF;
	(pc) =	sbr.abs _section_cstart, $3  }
0xc0: {  	[dreg:$0x1] =	wrdreg $0xFFFFFFFF  }
0xc1: {  	_ =	task.clear_ibuf [dreg:s6], $0x2FFFF;
	_ =	strace $0x9FFFFFFF  }
0xc2: {  	(tm) =	ssettm $0x7FFFFFFF  }
0xc3: {  	_ =	shalt  }
tec
execute0_lowered:
.L_overlay_start_1:
0x0: {  	(tag) =	ssettag $0x1  }
0x1: {  	s4 =	rddreg [dreg:$0x0]  }
0x2: {  	s2 =	rddreg [dreg:$0x1]  }
0x3: {  	s0 =	rddreg [dreg:$0x2];
	s3 =	simm.s32 $0x0  }
0x4: {  	s1 =	stileid.u32;
	s7 =	srdreg.scid;
	s14 =	simm.s32 $0x100  }
0x5: {  	s15 =	simm.s32 $0x2;
	s16 =	simm.s32 $0x4100;
	s17 =	simm.s32 $0x3  }
0x6: {  	s18 =	simm.s32 $0x4;
	s19 =	simm.s32 $0x5;
	s5 =	smul.u32 $0x2800, s1  }
0x7: {  	s20 =	simm.s32 $0x6;
	s21 =	simm.s32 $0x0;
	s6 =	smul.u32 $0x50000, s1  }
0x8: {  	[smem:$0x7FF] =	sst s3;
	s7 =	sand.u32 $0x1, s7;
	s10 =	smul.u32 $0x5000, s1  }
0x9: {  	s9 =	sadd.s32 $0xA200, s4;
	s29 =	sshll.u32 s1, $0x6;
	s12 =	smul.u32 $0x2800, s7  }
0xa: {  	_ =	strace $0x80000053;
	s28 =	ssub.s32 $0x2, s7;
	s7 =	smul.u32 $0x28000, s7  }
0xb: {  	s8 =	sadd.s32 s6, s4;
	s11 =	sshrl.u32 s28, $0x1;
	s6 =	sshrl.u32 s6, $0x2  }
0xc: {  	s5 =	sadd.s32 s5, s4;
	s11 =	ssub.s32 s28, s11;
	s13 =	sadd.s32 s6, s2  }
0xd: {  	s4 =	sadd.s32 $0x58CE00, s5;
	s10 =	sadd.s32 s12, s10;
	s5 =	sor.u32 $0x1C07, s29  }
0xe: {  	s7 =	sadd.s32 s7, s8;
	s12 =	simm.s32 $0x80;
	s30 =	sor.u32 $0x80, s10  }
0xf: {  	s6 =	smax.u32 s11, $0x1;
	s10 =	sshrl.u32 s10, $0x3;
	s31 =	sshrl.u32 s30, $0x3  }
0x10: {  	s7 =	sadd.s32 $0x14A00, s7;
	s11 =	simm.s32 $0x7;
	s8 =	sadd.s32 s31, s9  }
0x11: {  	s9 =	sadd.s32 s10, s9;
	s10 =	sshrl.u32 s13, $0x3;
	s13 =	simm.s32 $0x1  }
.LBB2_1:
0x12: {  	[spmem:s10], [sflag:s5] =	dma.local [hbm:s4], $0x2800  }
0x13: {  	_ =	swait.ge [sflag:s11], $0x2800  }
0x14: {  	[sflag:s11] =	ssyncset.done $0x0  }
0x15: {  	[sflag:s11] =	ssyncadd.s32 $0xFFFFD800  }
0x16: {  	s22 =	sadd.s32 $0x0, s9;
	[bflag:$0x0] =	sbarrier.arrive $0xFFFF  }
0x17: {  	[tilespmem:s3], [sflag:$0x1] =	stream.linear.gather [hbm4b:s22+s3], $0x80, $0x38;
	[tilespmem:$0x1C100] =	vst v63  }
0x18: {  	s30 =	sadd.s32 $0x0, s8  }
0x19: {  	[tilespmem:s12], [sflag:$0x2] =	stream.linear.gather [hbm4b:s30+s3], $0x80, $0x38;
	[tilespmem:$0x1C100] =	vst v63  }
0x1a: {  	_ =	swait.ge [sflag:s13], $0x80  }
0x1b: {  	[sflag:s13] =	ssyncset.done $0x0  }
0x1c: {  	[sflag:s13] =	ssyncadd.s32 $0xFFFFFF80  }
0x1d: {  	[tilespmem:s14], [sflag:$0x3] =	stream.indirect.gather [spmem:s2], $0x80, s3, s12, $0xb8;
	[tilespmem:$0x1C100] =	vst v63  }
0x1e: {  	_ =	swait.ge [sflag:s15], $0x80  }
0x1f: {  	[sflag:s15] =	ssyncset.done $0x0  }
0x20: {  	[sflag:s15] =	ssyncadd.s32 $0xFFFFFF80  }
0x21: {  	[tilespmem:s16], [sflag:$0x4] =	stream.indirect.gather [spmem:s2], $0x80, s12, s12, $0xb8;
	[tilespmem:$0x1C100] =	vst v63  }
0x22: {  	_ =	swait.ge [sflag:s17], $0x4000  }
0x23: {  	[sflag:s17] =	ssyncset.done $0x0  }
0x24: {  	s31 =	sadd.s32 $0xFFFFF800, s7;
	[sflag:s17] =	ssyncadd.s32 $0xFFFFC000  }
0x25: {  	[hbm4b:s31+s3] =	stream.linear.scatter [tilespmem:s14], [sflag:$0x5], $0x4000, $0x38;
	[tilespmem:$0x1C100] =	vst v63  }
0x26: {  	_ =	swait.ge [sflag:s18], $0x4000  }
0x27: {  	[sflag:s18] =	ssyncset.done $0x0  }
0x28: {  	[sflag:s18] =	ssyncadd.s32 $0xFFFFC000  }
0x29: {  	[hbm4b:s7+s3] =	stream.linear.scatter [tilespmem:s16], [sflag:$0x6], $0x4000, $0x38;
	[tilespmem:$0x1C100] =	vst v63  }
0x2a: {  	_ =	swait.ge [sflag:s19], $0x4000  }
0x2b: {  	[sflag:s19] =	ssyncset.done $0x0  }
0x2c: {  	[sflag:s19] =	ssyncadd.s32 $0xFFFFC000  }
0x2d: {  	s23 =	simm.s32 $0x20;
	_ =	swait.ge [sflag:s20], $0x4000  }
0x2e: {  	s24 =	simm.s32 $0x40;
	s22 =	sadd.s32 $0x1000, s7;
	[sflag:s20] =	ssyncset.done $0x0  }
.LBB2_2:
0x2f: {  	s25 =	sadd.s32 s23, s9  }
0x30: {  	[sflag:s20] =	ssyncadd.s32 $0xFFFFC000;
	s26 =	smov.u32 s24;
	s28 =	sadd.s32 $0x20, s24  }
0x31: {  	[tilespmem:s3], [sflag:$0x1] =	stream.linear.gather [hbm4b:s25+s3], $0x80, $0x38;
	[tilespmem:$0x1C100] =	vst v63  }
0x32: {  	p0 =	sne.s32 s24, $0x4E0;
	s24 =	sadd.s32 s23, s8;
	s23 =	smov.u32 s26  }
0x33: {  	[tilespmem:s12], [sflag:$0x2] =	stream.linear.gather [hbm4b:s24+s3], $0x80, $0x38;
	[tilespmem:$0x1C100] =	vst v63  }
0x34: {  	_ =	swait.ge [sflag:s13], $0x80  }
0x35: {  	[sflag:s13] =	ssyncset.done $0x0  }
0x36: {  	[sflag:s13] =	ssyncadd.s32 $0xFFFFFF80  }
0x37: {  	[tilespmem:s14], [sflag:$0x3] =	stream.indirect.gather [spmem:s2], $0x80, s3, s12, $0xb8;
	[tilespmem:$0x1C100] =	vst v63  }
0x38: {  	_ =	swait.ge [sflag:s15], $0x80  }
0x39: {  	[sflag:s15] =	ssyncset.done $0x0  }
0x3a: {  	[sflag:s15] =	ssyncadd.s32 $0xFFFFFF80  }
0x3b: {  	[tilespmem:s16], [sflag:$0x4] =	stream.indirect.gather [spmem:s2], $0x80, s12, s12, $0xb8;
	[tilespmem:$0x1C100] =	vst v63  }
0x3c: {  	_ =	swait.ge [sflag:s17], $0x4000  }
0x3d: {  	[sflag:s17] =	ssyncset.done $0x0  }
0x3e: {  	s24 =	sadd.s32 $0xFFFFF800, s22;
	[sflag:s17] =	ssyncadd.s32 $0xFFFFC000  }
0x3f: {  	[hbm4b:s24+s3] =	stream.linear.scatter [tilespmem:s14], [sflag:$0x5], $0x4000, $0x38;
	[tilespmem:$0x1C100] =	vst v63  }
0x40: {  	_ =	swait.ge [sflag:s18], $0x4000  }
0x41: {  	[sflag:s18] =	ssyncset.done $0x0  }
0x42: {  	[sflag:s18] =	ssyncadd.s32 $0xFFFFC000  }
0x43: {  	[hbm4b:s22+s3] =	stream.linear.scatter [tilespmem:s16], [sflag:$0x6], $0x4000, $0x38;
	[tilespmem:$0x1C100] =	vst v63  }
.Ltmp0:
0x44: {  	_ =	swait.ge [sflag:s19], $0x4000;
	(pc) =	sbr.rel @p0 .LBB2_2-.Ltmp0, $4  }
0x45: {  	[sflag:s19] =	ssyncset.done $0x0  }
0x46: {  	[sflag:s19] =	ssyncadd.s32 $0xFFFFC000  }
0x47: {  	_ =	swait.ge [sflag:s20], $0x4000  }
0x48: {  	s24 =	smov.u32 s28;
	s22 =	sadd.s32 $0x1000, s22;
	[sflag:s20] =	ssyncset.done $0x0  }
0x49: {  	s24 =	sadd.s32 s23, s9;
	[sflag:s20] =	ssyncadd.s32 $0xFFFFC000  }
0x4a: {  	[tilespmem:s3], [sflag:$0x1] =	stream.linear.gather [hbm4b:s24+s3], $0x80, $0x38;
	[tilespmem:$0x1C100] =	vst v63  }
0x4b: {  	s30 =	sadd.s32 s23, s8  }
0x4c: {  	[tilespmem:s12], [sflag:$0x2] =	stream.linear.gather [hbm4b:s30+s3], $0x80, $0x38;
	[tilespmem:$0x1C100] =	vst v63  }
0x4d: {  	_ =	swait.ge [sflag:s13], $0x80  }
0x4e: {  	[sflag:s13] =	ssyncset.done $0x0  }
0x4f: {  	[sflag:s13] =	ssyncadd.s32 $0xFFFFFF80  }
0x50: {  	[tilespmem:s14], [sflag:$0x3] =	stream.indirect.gather [spmem:s2], $0x80, s3, s12, $0xb8;
	[tilespmem:$0x1C100] =	vst v63  }
0x51: {  	_ =	swait.ge [sflag:s15], $0x80  }
0x52: {  	[sflag:s15] =	ssyncset.done $0x0  }
0x53: {  	[sflag:s15] =	ssyncadd.s32 $0xFFFFFF80  }
0x54: {  	[tilespmem:s16], [sflag:$0x4] =	stream.indirect.gather [spmem:s2], $0x80, s12, s12, $0xb8;
	[tilespmem:$0x1C100] =	vst v63  }
0x55: {  	_ =	swait.ge [sflag:s17], $0x4000  }
0x56: {  	[sflag:s17] =	ssyncset.done $0x0  }
0x57: {  	s31 =	sadd.s32 $0xFFFFF800, s22;
	[sflag:s17] =	ssyncadd.s32 $0xFFFFC000  }
0x58: {  	[hbm4b:s31+s3] =	stream.linear.scatter [tilespmem:s14], [sflag:$0x5], $0x4000, $0x38;
	[tilespmem:$0x1C100] =	vst v63  }
0x59: {  	_ =	swait.ge [sflag:s18], $0x4000  }
0x5a: {  	[sflag:s18] =	ssyncset.done $0x0  }
0x5b: {  	s21 =	sadd.s32 $0x1, s21;
	[sflag:s18] =	ssyncadd.s32 $0xFFFFC000  }
0x5c: {  	[hbm4b:s22+s3] =	stream.linear.scatter [tilespmem:s16], [sflag:$0x6], $0x4000, $0x38;
	[tilespmem:$0x1C100] =	vst v63  }
0x5d: {  	p0 =	sne.s32 s21, s6;
	_ =	swait.ge [sflag:s19], $0x4000  }
.Ltmp1:
0x5e: {  	[sflag:s19] =	ssyncset.done $0x0;
	(pc) =	sbr.rel @p0 .LBB2_1-.Ltmp1, $4  }
0x5f: {  	[sflag:s19] =	ssyncadd.s32 $0xFFFFC000  }
0x60: {  	_ =	swait.ge [sflag:s20], $0x4000  }
0x61: {  	[sflag:s20] =	ssyncset.done $0x0  }
0x62: {  	[sflag:s20] =	ssyncadd.s32 $0xFFFFC000  }
0x63: {  	_ =	sfence.sel $0x180000  }
0x64: {  	[bflag:$0x0] =	sbarrier.arrive $0xFFFF  }
0x65: {  	p0 =	sne.s32 s1, $0x0;
	_ =	strace $0x90000053  }
0x66: {  	s0 =	sadd.s32 @!p0 $0x100000, s0;
	[bflag:$0x2] =	sbarrier.arrive $0xFFFF  }
0x67: {  	[sflag:s0] =	ssyncadd.tile.s32 @!p0 $0x1;
	_ =	shalt  }
.Lfunc_end2:
_tile_overlayer_lowered:
.L_overlay_start_2:
0x68: {  	(tag) =	ssettag $0x2  }
0x69: {  	s0 =	rddreg [dreg:$0x0];
	s2 =	stileid.u32  }
0x6a: {  	s1 =	rddreg [dreg:$0x1];
	p0 =	sne.s32 s2, $0x0  }
0x6b: {  	s3 =	rddreg [dreg:$0x2];
	[bflag:$0x3] =	sbarrier.arrive $0xFFFF;
	s2 =	simm.s32 @!p0 $0x1C07  }
0x6c: {  	[timem:s3], [sflag:s2] =	dma.local @!p0 [hbm:s0], s1  }
0x6d: {  	s0 =	simm.s32 @!p0 $0x7  }
0x6e: {  	_ =	swait.ge @!p0 [sflag:s0], s1  }
0x6f: {  	s1 =	ssub.s32 @!p0 $0x0, s1;
	[sflag:s0] =	ssyncset.done @!p0 $0x0  }
0x70: {  	[sflag:s0] =	ssyncadd.s32 @!p0 s1  }
0x71: {  	[bflag:$0x3] =	sbarrier.arrive $0xFFFF  }
0x72: {  	_ =	shalt  }

// kernel: kernel.37.cloned.1.call-start
scs
__scs_entry_jumppad:
0x0: {  	(pc) =	sbr.rel $0x88, $3  }
0x1: {  	(tag) =	ssettag $0x0;
	lr =	simm.s32 $0x1  }
0x2: {  	[smem:$0x3F8D] =	sst lr;
	_ =	strace $0xD0000000  }
0x3: {  	_ = 	snop  }
0x4: {  	_ = 	snop  }
0x5: {  	_ = 	snop  }
0x6: {  	_ = 	snop  }
0x7: {  	_ = 	snop  }
__scs_overlays_trampoline_lowered:
0x8: {  	[smem:$0x3F9C] =	sst s0  }
0x9: {  	[smem:$0x3F9D] =	sst s1  }
0xa: {  	[smem:$0x3F9E] =	sst s2  }
0xb: {  	[smem:$0x3F9F] =	sst s3  }
0xc: {  	[smem:$0x3FA0] =	sst s4  }
0xd: {  	[smem:$0x3FA1] =	sst s5  }
0xe: {  	[smem:$0x3FA2] =	sst s6  }
0xf: {  	[smem:$0x3FA3] =	sst s7  }
0x10: {  	[smem:$0x3FA4] =	sst s8  }
0x11: {  	[smem:$0x3FA5] =	sst s9;
	s0 =	simm.s32 @!p0 $0x0  }
0x12: {  	s1 =	sld [smem:$0x3F8B];
	s0 =	simm.s32 @p0 $0x1  }
0x13: {  	[smem:$0x3FA6] =	sst s0;
	s0 =	simm.s32 @!p1 $0x0  }
0x14: {  	s2 =	sld [smem:$0x3F8A];
	s0 =	simm.s32 @p1 $0x1  }
0x15: {  	[smem:$0x3FA7] =	sst s0;
	s0 =	simm.s32 @!p2 $0x0  }
0x16: {  	s3 =	sld [smem:$0x3FDB];
	s0 =	simm.s32 @p2 $0x1  }
0x17: {  	s4 =	simm.s32 $0x1BF5;
	[smem:$0x3FA9] =	sst s0  }
0x18: {  	s0 =	sld [smem:$0x3F8C];
	_ =	swait.ge [sflag:s4], $0x0  }
0x19: {  	s7 =	sld [smem:$0x3F8D]  }
0x1a: {  	s8 =	sadd.s32 $0xFFFFE003, lr  }
0x1b: {  	s9 =	sadd.s32 $0xFFFFFEF7, lr;
	s5 =	simm.s32 $0xFFFFFFFF;
	p2 =	slt.u32 s8, $0xFFFFF086  }
0x1c: {  	p1 =	slt.u32 s9, $0xF7A;
	s5 =	simm.s32 @!p2 $0x0  }
0x1d: {  	s5 =	simm.s32 @p1 $0x1;
	p0 =	seq.s32 s7, s2  }
0x1e: {  	s7 =	smul.u32 @!p0 $0xF7A, s2;
	p2 =	seq.s32 @!p0 s5, $0x0  }
0x1f: {  	s9 =	smul.u32 $0xF7A, s1;
	s8 =	simm.s32 @!p0 $0x1BF5;
	p2 =	por !p2, p0  }
0x20: {  	[sflag:s8] =	ssyncset.s32 @!p0 $0xFFFFF086;
	s6 =	sadd.s32 @!p0 s3, s7;
	s7 =	simm.s32 @!p0 $0x108  }
0x21: {  	s3 =	sadd.s32 s3, s9;
	s6 =	sadd.s32 @!p0 $0x88, s6;
	s7 =	simm.s32 @p2 $0x1082  }
0x22: {  	[simem:s7], [sflag:s8] =	dma.local @!p0 [hbm:s6], $0xF7A  }
0x23: {  	s9 =	sor.u32 $0xD0000000, s2;
	s6 =	simm.s32 $0x108;
	_ =	swait.ge @!p0 [sflag:s8], $0x0  }
0x24: {  	s3 =	sadd.s32 $0x88, s3;
	s6 =	simm.s32 @!p1 $0x1082;
	[sflag:s4] =	ssyncset.s32 $0xFFFFF086  }
0x25: {  	[simem:s6], [sflag:s4] =	dma.local [hbm:s3], $0xF7A  }
0x26: {  	[smem:$0x3F8D] =	sst s1;
	(tag) =	ssettag s2;
	_ =	strace s9  }
0x27: {  	s1 =	sld [smem:$0x3F9D]  }
0x28: {  	s2 =	sld [smem:$0x3F9E]  }
0x29: {  	s4 =	sld [smem:$0x3FA0]  }
0x2a: {  	p0 =	seq.s32 s5, $0x0;
	s5 =	sld [smem:$0x3FA1]  }
0x2b: {  	s6 =	sld [smem:$0x3FA2]  }
0x2c: {  	s7 =	sld [smem:$0x3FA3]  }
0x2d: {  	s3 =	simm.s32 $0x108;
	s8 =	sld [smem:$0x3FA4]  }
0x2e: {  	s3 =	simm.s32 @!p0 $0x1082;
	s9 =	sld [smem:$0x3FA5]  }
0x2f: {  	lr =	sadd.s32 s0, s3;
	s0 =	sld [smem:$0x3F9C]  }
0x30: {  	s3 =	sld [smem:$0x3F9F]  }
0x31: {  	[smem:$0x3FA8] =	sst s10  }
0x32: {  	s10 =	sld [smem:$0x3FA6];
	_ =	sdelay $0x3  }
0x33: {  	p0 =	seq.s32 s10, $0x1;
	s10 =	sld [smem:$0x3FA8];
	_ =	sdelay $0x3  }
0x34: {  	[smem:$0x3FA8] =	sst s10  }
0x35: {  	s10 =	sld [smem:$0x3FA7];
	_ =	sdelay $0x3  }
0x36: {  	p1 =	seq.s32 s10, $0x1;
	s10 =	sld [smem:$0x3FA8];
	_ =	sdelay $0x3  }
0x37: {  	[smem:$0x3FA8] =	sst s10  }
0x38: {  	s10 =	sld [smem:$0x3FA9]  }
0x39: {  	_ = 	snop;
	(pc) =	sbr.ind lr, $3  }
0x3a: {  	_ = 	snop  }
0x3b: {  	_ = 	snop  }
0x3c: {  	p2 =	seq.s32 s10, $0x1;
	s10 =	sld [smem:$0x3FA8]  }
0x3d: {  	_ =	shalt  }
0x3e: {  	_ =	shalt  }
0x3f: {  	_ =	shalt  }
0x40: {  	_ =	shalt  }
0x41: {  	_ =	shalt  }
0x42: {  	_ =	shalt  }
0x43: {  	_ =	shalt  }
0x44: {  	_ =	shalt  }
0x45: {  	_ =	shalt  }
0x46: {  	_ =	shalt  }
0x47: {  	_ =	shalt  }
0x48: {  	_ =	shalt  }
0x49: {  	_ =	shalt  }
0x4a: {  	_ =	shalt  }
0x4b: {  	_ =	shalt  }
0x4c: {  	_ =	shalt  }
0x4d: {  	_ =	shalt  }
0x4e: {  	_ =	shalt  }
0x4f: {  	_ =	shalt  }
0x50: {  	_ =	shalt  }
0x51: {  	_ =	shalt  }
0x52: {  	_ =	shalt  }
0x53: {  	_ =	shalt  }
0x54: {  	_ =	shalt  }
0x55: {  	_ =	shalt  }
0x56: {  	_ =	shalt  }
0x57: {  	_ =	shalt  }
0x58: {  	_ =	shalt  }
0x59: {  	_ =	shalt  }
0x5a: {  	_ =	shalt  }
0x5b: {  	_ =	shalt  }
0x5c: {  	_ =	shalt  }
0x5d: {  	_ =	shalt  }
0x5e: {  	_ =	shalt  }
0x5f: {  	_ =	shalt  }
0x60: {  	_ =	shalt  }
0x61: {  	_ =	shalt  }
0x62: {  	_ =	shalt  }
0x63: {  	_ =	shalt  }
0x64: {  	_ =	shalt  }
0x65: {  	_ =	shalt  }
0x66: {  	_ =	shalt  }
0x67: {  	_ =	shalt  }
0x68: {  	_ =	shalt  }
0x69: {  	_ =	shalt  }
0x6a: {  	_ =	shalt  }
0x6b: {  	_ =	shalt  }
0x6c: {  	_ =	shalt  }
0x6d: {  	_ =	shalt  }
0x6e: {  	_ =	shalt  }
0x6f: {  	_ =	shalt  }
0x70: {  	_ =	shalt  }
0x71: {  	_ =	shalt  }
0x72: {  	_ =	shalt  }
0x73: {  	_ =	shalt  }
0x74: {  	_ =	shalt  }
0x75: {  	_ =	shalt  }
0x76: {  	_ =	shalt  }
0x77: {  	_ =	shalt  }
0x78: {  	_ =	shalt  }
0x79: {  	_ =	shalt  }
0x7a: {  	_ =	shalt  }
0x7b: {  	_ =	shalt  }
0x7c: {  	_ =	shalt  }
0x7d: {  	_ =	shalt  }
0x7e: {  	_ =	shalt  }
0x7f: {  	_ =	shalt  }
0x80: {  	_ =	shalt  }
0x81: {  	_ =	shalt  }
0x82: {  	_ =	shalt  }
0x83: {  	_ =	shalt  }
0x84: {  	_ =	shalt  }
0x85: {  	_ =	shalt  }
0x86: {  	_ =	shalt  }
0x87: {  	_ =	shalt  }
.Lfunc_end0:
.L_simem_size_0:
called_computation.5_lowered:
.L_overlay_start_0:
0x88: {  	s2 =	sld [smem:$0x3FD9]  }
0x89: {  	s3 =	sld [smem:$0x3FFE];
	_ =	sdelay $0x1  }
0x8a: {  	s1 =	srdreg.scid  }
0x8b: {  	s0 =	sand.u32 $0x1, s1  }
0x8c: {  	s16 =	sshll.u32 s0, $0xA;
	s2 =	sadd.s32 s3, s2  }
0x8d: {  	s2 =	sadd.s32 s2, s16  }
0x8e: {  	[smem:$0x3FB4] =	sst s2  }
0x8f: {  	_ = 	snop  }
0x90: {  	(tm) =	ssettm $0x1  }
0x91: {  	s17 =	sld [smem:$0x3FFB];
	_ =	sdelay $0x3  }
0x92: {  	_ =	strace s17  }
0x93: {  	s2 =	sld [smem:$0x3FFC];
	_ =	sdelay $0x3  }
0x94: {  	_ =	strace s2  }
0x95: {  	s2 =	sld [smem:$0x3FFD];
	_ =	sdelay $0x3  }
0x96: {  	_ =	strace s2  }
0x97: {  	_ =	strace $0x8FFFFFFF  }
0x98: {  	s18 =	sld [smem:$0x3FDB];
	_ =	sdelay $0x1  }
0x99: {  	s19 =	simm.s32 $_scs_section_size  }
0x9a: {  	s4 =	simm.s32 $_size__tile_overlayer_lowered;
	s5 =	simm.s32 $_tile_overlayer_lowered  }
0x9b: {  	s22 =	simm.s32 $0x1BFF;
	s21 =	sshll.u32 s5, $0x1;
	s2 =	sadd.s32 s19, s18  }
0x9c: {  	s6 =	simm.s32 $0x0;
	s20 =	sshll.u32 s4, $0x1;
	s4 =	sadd.s32 s21, s2  }
0x9d: {  	[timem:s6], [sflag:s22] =	dma.local [hbm:s4], s20  }
0x9e: {  	_ =	swait.ge [sflag:s22], s20  }
0x9f: {  	s3 =	ssub.s32 $0x0, s20;
	[sflag:s22] =	ssyncset.done $0x0  }
0xa0: {  	[sflag:s22] =	ssyncadd.s32 s3;
	_ =	sdelay $0x1  }
0xa1: {  	s23 =	simm.s32 $0x1B8B  }
0xa2: {  	_ =	swait.ge [sflag:s23], $0x1  }
0xa3: {  	[sflag:s23] =	ssyncset.done $0x0  }
0xa4: {  	s25 =	simm.s32 $0x1B8E;
	s24 =	sld [smem:$0x3FFE];
	[sflag:s23] =	ssyncadd.s32 $0xFFFFFFFF  }
0xa5: {  	s26 =	simm.s32 $execute0_lowered;
	[smem:$0x3FD2] =	sst s25  }
0xa6: {  	s4 =	sshll.u32 s26, $0x1;
	_ =	strace $0x80000055;
	[dreg:$0x1] =	wrdreg $0xFFFFFFFF  }
0xa7: {  	s28 =	simm.s32 $_size_execute0_lowered;
	s2 =	sadd.s32 s2, s4;
	[dreg:$0x0] =	wrdreg $0x0  }
0xa8: {  	s4 =	sshll.u32 s28, $0x1;
	[dreg:$0x2] =	wrdreg s2  }
0xa9: {  	[dreg:$0x3] =	wrdreg s4  }
0xaa: {  	[dreg:$0x4] =	wrdreg $0xC0  }
0xab: {  	_ =	task [dreg:s6], $0x5FFFF  }
0xac: {  	[dreg:$0x1] =	wrdreg $0xFFFFFFFF  }
0xad: {  	[dreg:$0x0] =	wrdreg $0x60  }
0xae: {  	[dreg:$0x2] =	wrdreg s24  }
0xaf: {  	[dreg:$0x3] =	wrdreg $0x81000  }
0xb0: {  	[dreg:$0x4] =	wrdreg $0x9  }
0xb1: {  	_ =	task.clear_ibuf [dreg:s6], $0x5FFFF;
	_ =	strace $0x90000055  }
0xb2: {  	s29 =	simm.s32 $0x9;
	_ =	strace $0x80000057  }
0xb3: {  	_ =	swait.ge [sflag:s29], $0x1  }
0xb4: {  	[sflag:s29] =	ssyncadd.s32 $0xFFFFFFFF  }
0xb5: {  	_ =	strace $0x90000057  }
0xb6: {  	_ =	sfence  }
0xb7: {  	s30 =	sld [smem:$0x0];
	_ =	sdelay $0x2  }
0xb8: {  	s31 =	sshll.u32 s1, $0xD;
	s1 =	sshrl.u32 s1, $0x2  }
0xb9: {  	s3 =	sand.u32 $0x4000, s31;
	s1 =	sadd.s32 s1, s30  }
0xba: {  	s0 =	sor.u32 s3, s0;
	s1 =	sshll.u32 s1, $0x11  }
0xbb: {  	s0 =	sor.u32 s1, s0  }
0xbc: {  	s0 =	sadd.s32 $0x8F2B, s0  }
0xbd: {  	[sflag:s0] =	ssyncadd.remote.s32 $0x1  }
0xbe: {  	_ =	sfence.sel $0xFFFF  }
0xbf: {  	[dreg:$0x0] =	wrdreg $0xFFFFFFFF;
	(pc) =	sbr.abs _section_cstart, $3  }
0xc0: {  	[dreg:$0x1] =	wrdreg $0xFFFFFFFF  }
0xc1: {  	_ =	task.clear_ibuf [dreg:s6], $0x2FFFF;
	_ =	strace $0x9FFFFFFF  }
0xc2: {  	(tm) =	ssettm $0x7FFFFFFF  }
0xc3: {  	_ =	shalt  }
tec
execute0_lowered:
.L_overlay_start_1:
0x0: {  	(tag) =	ssettag $0x1  }
0x1: {  	s4 =	rddreg [dreg:$0x0]  }
0x2: {  	s2 =	rddreg [dreg:$0x1]  }
0x3: {  	s0 =	rddreg [dreg:$0x2]  }
0x4: {  	s1 =	stileid.u32;
	s6 =	srdreg.scid  }
0x5: {  	s3 =	simm.s32 $0x0;
	s16 =	simm.s32 $0x1;
	s17 =	simm.s32 $0x3  }
0x6: {  	s18 =	simm.s32 $0x2;
	s19 =	simm.s32 $0x4;
	s5 =	smul.u32 $0x50000, s1  }
0x7: {  	s20 =	simm.s32 $0x0;
	s7 =	smul.u32 $0x2800, s1;
	s6 =	sand.u32 $0x1, s6  }
0x8: {  	[smem:$0x7FF] =	sst s3;
	s10 =	sadd.s32 $0xA200, s4;
	s13 =	smul.u32 $0x5000, s1  }
0x9: {  	s29 =	sshll.u32 s1, $0x6;
	s8 =	smul.u32 $0x28000, s6;
	_ =	strace $0x80000056  }
0xa: {  	s12 =	ssub.s32 $0x2, s6;
	s14 =	smul.u32 $0x2800, s6;
	s9 =	sadd.s32 s5, s4  }
0xb: {  	s11 =	sadd.s32 s7, s4;
	s26 =	sshrl.u32 s12, $0x1;
	s28 =	sshrl.u32 s5, $0x2  }
0xc: {  	s5 =	sor.u32 $0x1C05, s29;
	s7 =	sadd.s32 s7, s8;
	s12 =	ssub.s32 s12, s26  }
0xd: {  	s15 =	sadd.s32 s28, s2;
	s30 =	sadd.s32 s14, s13;
	s8 =	sadd.s32 s8, s9  }
0xe: {  	s13 =	simm.s32 $0x100;
	s14 =	simm.s32 $0x80;
	s7 =	sadd.s32 s7, s4  }
0xf: {  	s4 =	sadd.s32 $0x53DC00, s11;
	s31 =	sor.u32 $0x80, s30;
	s8 =	sadd.s32 $0xF1EA00, s8  }
0x10: {  	s11 =	sshrl.u32 s30, $0x3;
	s6 =	sadd.s32 $0x14200, s7;
	s9 =	sshrl.u32 s31, $0x3  }
0x11: {  	s7 =	smax.u32 s12, $0x1;
	s12 =	simm.s32 $0x5;
	s9 =	sadd.s32 s9, s10  }
0x12: {  	s10 =	sadd.s32 s11, s10;
	s11 =	sshrl.u32 s15, $0x3;
	s15 =	simm.s32 $0x4100  }
.LBB2_1:
0x13: {  	[spmem:s11], [sflag:s5] =	dma.local [hbm:s4], $0x2800  }
0x14: {  	_ =	swait.ge [sflag:s12], $0x2800  }
0x15: {  	[sflag:s12] =	ssyncset.done $0x0  }
0x16: {  	[sflag:s12] =	ssyncadd.s32 $0xFFFFD800  }
0x17: {  	s21 =	sadd.s32 $0x0, s10;
	[bflag:$0x0] =	sbarrier.arrive $0xFFFF  }
0x18: {  	[tilespmem:s3], [sflag:$0x1] =	stream.linear.gather [hbm4b:s21+s3], $0x80, $0x38;
	[tilespmem:$0x1C100] =	vst v63  }
0x19: {  	s30 =	sadd.s32 $0xFFFFF800, s8  }
0x1a: {  	[tilespmem:s13], [sflag:$0x3] =	stream.linear.gather [hbm4b:s30+s3], $0x4000, $0x38;
	[tilespmem:$0x1C100] =	vst v63  }
0x1b: {  	s31 =	sadd.s32 $0x0, s9  }
0x1c: {  	[tilespmem:s14], [sflag:$0x2] =	stream.linear.gather [hbm4b:s31+s3], $0x80, $0x38;
	[tilespmem:$0x1C100] =	vst v63  }
0x1d: {  	_ = 	snop  }
0x1e: {  	[tilespmem:s15], [sflag:$0x4] =	stream.linear.gather [hbm4b:s8+s3], $0x4000, $0x38;
	[tilespmem:$0x1C100] =	vst v63  }
0x1f: {  	_ =	swait.ge [sflag:s16], $0x80  }
0x20: {  	[sflag:s16] =	ssyncset.done $0x0  }
0x21: {  	[sflag:s16] =	ssyncadd.s32 $0xFFFFFF80  }
0x22: {  	_ =	swait.ge [sflag:s17], $0x4000  }
0x23: {  	[sflag:s17] =	ssyncset.done $0x0  }
0x24: {  	[sflag:s17] =	ssyncadd.s32 $0xFFFFC000  }
0x25: {  	[spmem:s2] =	stream.indirect.scatter.add.f32 [tilespmem:s13], [sflag:$0x5], $0x80, s3, s14, $0xb8;
	[tilespmem:$0x1C100] =	vst v63  }
0x26: {  	_ =	swait.ge [sflag:s12], $0x4000  }
0x27: {  	[sflag:s12] =	ssyncset.done $0x0  }
0x28: {  	[sflag:s12] =	ssyncadd.s32 $0xFFFFC000  }
0x29: {  	_ =	swait.ge [sflag:s18], $0x80  }
0x2a: {  	[sflag:s18] =	ssyncset.done $0x0  }
0x2b: {  	[sflag:s18] =	ssyncadd.s32 $0xFFFFFF80  }
0x2c: {  	_ =	swait.ge [sflag:s19], $0x4000  }
0x2d: {  	[sflag:s19] =	ssyncset.done $0x0  }
0x2e: {  	[sflag:s19] =	ssyncadd.s32 $0xFFFFC000  }
0x2f: {  	[spmem:s2] =	stream.indirect.scatter.add.f32 [tilespmem:s15], [sflag:$0x5], $0x80, s14, s14, $0xb8;
	[tilespmem:$0x1C100] =	vst v63  }
0x30: {  	s23 =	simm.s32 $0x40;
	_ =	swait.ge [sflag:s12], $0x4000  }
0x31: {  	s22 =	sadd.s32 $0x1000, s8;
	s21 =	simm.s32 $0x20;
	[sflag:s12] =	ssyncset.done $0x0  }
.LBB2_2:
0x32: {  	s24 =	sadd.s32 s21, s10  }
0x33: {  	[sflag:s12] =	ssyncadd.s32 $0xFFFFC000;
	s25 =	smov.u32 s23;
	s26 =	sadd.s32 $0x20, s23  }
0x34: {  	[tilespmem:s3], [sflag:$0x1] =	stream.linear.gather [hbm4b:s24+s3], $0x80, $0x38;
	[tilespmem:$0x1C100] =	vst v63  }
0x35: {  	p0 =	sne.s32 s23, $0x4E0;
	s23 =	sadd.s32 $0xFFFFF800, s22  }
0x36: {  	[tilespmem:s13], [sflag:$0x3] =	stream.linear.gather [hbm4b:s23+s3], $0x4000, $0x38;
	[tilespmem:$0x1C100] =	vst v63  }
0x37: {  	s23 =	sadd.s32 s21, s9;
	s21 =	smov.u32 s25  }
0x38: {  	[tilespmem:s14], [sflag:$0x2] =	stream.linear.gather [hbm4b:s23+s3], $0x80, $0x38;
	[tilespmem:$0x1C100] =	vst v63  }
0x39: {  	_ = 	snop  }
0x3a: {  	[tilespmem:s15], [sflag:$0x4] =	stream.linear.gather [hbm4b:s22+s3], $0x4000, $0x38;
	[tilespmem:$0x1C100] =	vst v63  }
0x3b: {  	_ =	swait.ge [sflag:s16], $0x80  }
0x3c: {  	[sflag:s16] =	ssyncset.done $0x0  }
0x3d: {  	[sflag:s16] =	ssyncadd.s32 $0xFFFFFF80  }
0x3e: {  	_ =	swait.ge [sflag:s17], $0x4000  }
0x3f: {  	[sflag:s17] =	ssyncset.done $0x0  }
0x40: {  	[sflag:s17] =	ssyncadd.s32 $0xFFFFC000  }
0x41: {  	[spmem:s2] =	stream.indirect.scatter.add.f32 [tilespmem:s13], [sflag:$0x5], $0x80, s3, s14, $0xb8;
	[tilespmem:$0x1C100] =	vst v63  }
0x42: {  	_ =	swait.ge [sflag:s12], $0x4000  }
0x43: {  	[sflag:s12] =	ssyncset.done $0x0  }
0x44: {  	[sflag:s12] =	ssyncadd.s32 $0xFFFFC000  }
0x45: {  	_ =	swait.ge [sflag:s18], $0x80  }
0x46: {  	[sflag:s18] =	ssyncset.done $0x0  }
0x47: {  	[sflag:s18] =	ssyncadd.s32 $0xFFFFFF80  }
0x48: {  	_ =	swait.ge [sflag:s19], $0x4000  }
.Ltmp0:
0x49: {  	[sflag:s19] =	ssyncset.done $0x0;
	(pc) =	sbr.rel @p0 .LBB2_2-.Ltmp0, $4  }
0x4a: {  	[sflag:s19] =	ssyncadd.s32 $0xFFFFC000  }
0x4b: {  	[spmem:s2] =	stream.indirect.scatter.add.f32 [tilespmem:s15], [sflag:$0x5], $0x80, s14, s14, $0xb8;
	[tilespmem:$0x1C100] =	vst v63  }
0x4c: {  	_ =	swait.ge [sflag:s12], $0x4000  }
0x4d: {  	s23 =	smov.u32 s26;
	s22 =	sadd.s32 $0x1000, s22;
	[sflag:s12] =	ssyncset.done $0x0  }
0x4e: {  	s23 =	sadd.s32 s21, s10;
	[sflag:s12] =	ssyncadd.s32 $0xFFFFC000  }
0x4f: {  	[tilespmem:s3], [sflag:$0x1] =	stream.linear.gather [hbm4b:s23+s3], $0x80, $0x38;
	[tilespmem:$0x1C100] =	vst v63  }
0x50: {  	s30 =	sadd.s32 $0xFFFFF800, s22  }
0x51: {  	[tilespmem:s13], [sflag:$0x3] =	stream.linear.gather [hbm4b:s30+s3], $0x4000, $0x38;
	[tilespmem:$0x1C100] =	vst v63  }
0x52: {  	s31 =	sadd.s32 s21, s9  }
0x53: {  	[tilespmem:s14], [sflag:$0x2] =	stream.linear.gather [hbm4b:s31+s3], $0x80, $0x38;
	[tilespmem:$0x1C100] =	vst v63  }
0x54: {  	_ = 	snop  }
0x55: {  	[tilespmem:s15], [sflag:$0x4] =	stream.linear.gather [hbm4b:s22+s3], $0x4000, $0x38;
	[tilespmem:$0x1C100] =	vst v63  }
0x56: {  	_ =	swait.ge [sflag:s16], $0x80  }
0x57: {  	[sflag:s16] =	ssyncset.done $0x0  }
0x58: {  	[sflag:s16] =	ssyncadd.s32 $0xFFFFFF80  }
0x59: {  	_ =	swait.ge [sflag:s17], $0x4000  }
0x5a: {  	[sflag:s17] =	ssyncset.done $0x0  }
0x5b: {  	[sflag:s17] =	ssyncadd.s32 $0xFFFFC000  }
0x5c: {  	[spmem:s2] =	stream.indirect.scatter.add.f32 [tilespmem:s13], [sflag:$0x5], $0x80, s3, s14, $0xb8;
	[tilespmem:$0x1C100] =	vst v63  }
0x5d: {  	_ =	swait.ge [sflag:s12], $0x4000  }
0x5e: {  	[sflag:s12] =	ssyncset.done $0x0  }
0x5f: {  	[sflag:s12] =	ssyncadd.s32 $0xFFFFC000  }
0x60: {  	_ =	swait.ge [sflag:s18], $0x80  }
0x61: {  	[sflag:s18] =	ssyncset.done $0x0  }
0x62: {  	[sflag:s18] =	ssyncadd.s32 $0xFFFFFF80  }
0x63: {  	_ =	swait.ge [sflag:s19], $0x4000  }
0x64: {  	[sflag:s19] =	ssyncset.done $0x0  }
0x65: {  	[sflag:s19] =	ssyncadd.s32 $0xFFFFC000  }
0x66: {  	[spmem:s2] =	stream.indirect.scatter.add.f32 [tilespmem:s15], [sflag:$0x5], $0x80, s14, s14, $0xb8;
	[tilespmem:$0x1C100] =	vst v63  }
0x67: {  	_ =	swait.ge [sflag:s12], $0x4000  }
0x68: {  	s20 =	sadd.s32 $0x1, s20;
	[sflag:s12] =	ssyncset.done $0x0  }
0x69: {  	p0 =	sne.s32 s20, s7;
	[sflag:s12] =	ssyncadd.s32 $0xFFFFC000  }
.Ltmp1:
0x6a: {  	[bflag:$0x0] =	sbarrier.arrive $0xFFFF;
	(pc) =	sbr.rel @p0 .LBB2_1-.Ltmp1, $4  }
0x6b: {  	[hbm:s6], [sflag:s5] =	dma.local [spmem:s11], $0x2800  }
0x6c: {  	_ =	swait.ge [sflag:s12], $0x2800  }
0x6d: {  	[sflag:s12] =	ssyncset.done $0x0  }
0x6e: {  	[sflag:s12] =	ssyncadd.s32 $0xFFFFD800  }
0x6f: {  	_ =	sfence.sel $0x180000  }
0x70: {  	[bflag:$0x0] =	sbarrier.arrive $0xFFFF  }
0x71: {  	p0 =	sne.s32 s1, $0x0;
	_ =	strace $0x90000056  }
0x72: {  	s0 =	sadd.s32 @!p0 $0x100000, s0;
	[bflag:$0x2] =	sbarrier.arrive $0xFFFF  }
0x73: {  	[sflag:s0] =	ssyncadd.tile.s32 @!p0 $0x1;
	_ =	shalt  }
.Lfunc_end2:
_tile_overlayer_lowered:
.L_overlay_start_2:
0x74: {  	(tag) =	ssettag $0x2  }
0x75: {  	s0 =	rddreg [dreg:$0x0];
	s2 =	stileid.u32  }
0x76: {  	s1 =	rddreg [dreg:$0x1];
	p0 =	sne.s32 s2, $0x0  }
0x77: {  	s3 =	rddreg [dreg:$0x2];
	[bflag:$0x3] =	sbarrier.arrive $0xFFFF;
	s2 =	simm.s32 @!p0 $0x1C05  }
0x78: {  	[timem:s3], [sflag:s2] =	dma.local @!p0 [hbm:s0], s1  }
0x79: {  	s0 =	simm.s32 @!p0 $0x5  }
0x7a: {  	_ =	swait.ge @!p0 [sflag:s0], s1  }
0x7b: {  	s1 =	ssub.s32 @!p0 $0x0, s1;
	[sflag:s0] =	ssyncset.done @!p0 $0x0  }
0x7c: {  	[sflag:s0] =	ssyncadd.s32 @!p0 s1  }
0x7d: {  	[bflag:$0x3] =	sbarrier.arrive $0xFFFF  }
0x7e: {  	_ =	shalt  }

</sc_bundles>
